<compile_context>
chip_gen: v7x
topology: tpu7x:2x2x1
jax: 0.10.2.dev20260603
libtpu: 0.0.44.dev20260713+nightly
codegen_flags: <defaults>
</compile_context>

<pallas_src>
import jax
import jax.numpy as jnp
from jax import lax
from jax.experimental import pallas as pl
from jax.experimental.pallas import tpu as pltpu
from jax.experimental.pallas import tpu_sc as plsc

N = 10000
NP = 10240
E = 160000
EP = 163840
NCH = EP // 128
D = 256
HD = 128
DOUT = 16
RB = 256
GRID = NP // RB

NSUB = 16
ROWS_PER_TILE = NP // NSUB


def _sc_mesh():
    return plsc.VectorSubcoreMesh(
        core_axis_name="c", subcore_axis_name="s", num_cores=2, num_subcores=NSUB
    )




def _deg_body(dst_hbm, ones_hbm, zeros_hbm, out_hbm, didx, ones_v, acc):
    c = lax.axis_index("c")
    s = lax.axis_index("s")
    wid = c * NSUB + s
    r0 = s * ROWS_PER_TILE
    pltpu.sync_copy(zeros_hbm.at[pl.ds(r0, ROWS_PER_TILE)],
                    acc.at[pl.ds(r0, ROWS_PER_TILE)])
    pltpu.sync_copy(ones_hbm, ones_v)
    nch_w = NCH // 32
    pltpu.sync_copy(dst_hbm.at[pl.ds(wid * nch_w, nch_w)], didx)
    plsc.subcore_barrier()

    def body(j, carry):
        pltpu.sync_copy(ones_v, acc.at[didx.at[j]], add=True)
        return carry

    lax.fori_loop(0, nch_w, body, 0)
    plsc.subcore_barrier()
    pltpu.sync_copy(acc.at[pl.ds(r0, ROWS_PER_TILE)],
                    out_hbm.at[pl.ds(c * NP + r0, ROWS_PER_TILE)])


def _deg_call(dstp, ones128, zeros128):
    out = pl.kernel(
        _deg_body,
        out_type=jax.ShapeDtypeStruct((2 * NP, HD), jnp.float32),
        mesh=_sc_mesh(),
        scratch_types=[
            pltpu.VMEM((NCH // 32, 128), jnp.int32),
            pltpu.VMEM((128, HD), jnp.float32),
            pltpu.VMEM_SHARED((NP, HD), jnp.float32),
        ],
    )(dstp, ones128, zeros128)
    return out.reshape(2, NP, HD)


def _seg_body(y_hbm, src2_hbm, dst_hbm, out_hbm, sidx, didx,
              rows0, rows1, sem0, sem1, scsem0, scsem1, acc):
    c = lax.axis_index("c")
    s = lax.axis_index("s")
    r0 = s * ROWS_PER_TILE
    nch_t = NCH // NSUB

    pltpu.sync_copy(y_hbm.at[pl.ds(c * NP + r0, ROWS_PER_TILE)],
                    acc.at[pl.ds(r0, ROWS_PER_TILE)])
    plsc.subcore_barrier()

    PH = 16
    rows = (rows0, rows1)
    sems = (sem0, sem1)
    scsems = (scsem0, scsem1)

    def _drain_scatter(b):
        pltpu.make_async_copy(rows[b], acc.at[pl.ds(0, 128)],
                              scsems[b]).wait()

    def phase(p, carry):
        base = s * nch_t + p * PH
        pltpu.sync_copy(src2_hbm.at[pl.ds(c * NCH + base, PH)], sidx)
        pltpu.sync_copy(dst_hbm.at[pl.ds(base, PH)], didx)
        pltpu.async_copy(y_hbm.at[sidx.at[0]], rows0, sem0)
        for k in range(PH):
            b = k % 2
            if k + 1 < PH:
                if k >= 1:
                    _drain_scatter(1 - b)
                pltpu.async_copy(y_hbm.at[sidx.at[k + 1]], rows[1 - b],
                                 sems[1 - b])
            pltpu.make_async_copy(y_hbm.at[pl.ds(0, 128)], rows[b],
                                  sems[b]).wait()
            pltpu.async_copy(rows[b], acc.at[didx.at[k]], scsems[b], add=True)
        _drain_scatter(PH % 2)
        _drain_scatter(1 - PH % 2)
        return carry

    lax.fori_loop(0, nch_t // PH, phase, 0)
    plsc.subcore_barrier()
    pltpu.sync_copy(acc.at[pl.ds(r0, ROWS_PER_TILE)],
                    out_hbm.at[pl.ds(c * NP + r0, ROWS_PER_TILE)])


def _seg_call(ycat, src2, dstp):
    out = pl.kernel(
        _seg_body,
        out_type=jax.ShapeDtypeStruct((2 * NP, HD), jnp.float32),
        mesh=_sc_mesh(),
        scratch_types=[
            pltpu.VMEM((16, 128), jnp.int32),
            pltpu.VMEM((16, 128), jnp.int32),
            pltpu.VMEM((128, HD), jnp.float32),
            pltpu.VMEM((128, HD), jnp.float32),
            pltpu.SemaphoreType.DMA,
            pltpu.SemaphoreType.DMA,
            pltpu.SemaphoreType.DMA,
            pltpu.SemaphoreType.DMA,
            pltpu.VMEM_SHARED((NP, HD), jnp.float32),
        ],
    )(ycat, src2, dstp)
    return out.reshape(2, NP, HD)




def _dinv_of(d2_ref):
    deg = d2_ref[0, :, 0:1] + d2_ref[1, :, 0:1] + 1.0
    return lax.rsqrt(deg)


def _tc0_body(x_ref, l1w_ref, l1b_ref, l1_ref):
    l1_ref[...] = jnp.maximum(
        jnp.dot(x_ref[...], l1w_ref[...], preferred_element_type=jnp.float32)
        + l1b_ref[...], 0.0)


def _tc0_call(xp, lin1_W, lin1_b2):
    return pl.pallas_call(
        _tc0_body,
        grid=(GRID,),
        in_specs=[
            pl.BlockSpec((RB, D), lambda i: (i, 0)),
            pl.BlockSpec((D, D), lambda i: (0, 0)),
            pl.BlockSpec((1, D), lambda i: (0, 0)),
        ],
        out_specs=pl.BlockSpec((RB, D), lambda i: (i, 0)),
        out_shape=jax.ShapeDtypeStruct((NP, D), jnp.float32),
    )(xp, lin1_W, lin1_b2)


def _tc1_body(x_ref, d2_ref, w1_ref, y1_ref):
    dinv = _dinv_of(d2_ref)
    y = jnp.dot(x_ref[...], w1_ref[...],
                preferred_element_type=jnp.float32) * dinv
    y1_ref[0] = y[:, :HD]
    y1_ref[1] = y[:, HD:]


def _tc1_call(xp, deg2, gcn1_W):
    y1 = pl.pallas_call(
        _tc1_body,
        grid=(GRID,),
        in_specs=[
            pl.BlockSpec((RB, D), lambda i: (i, 0)),
            pl.BlockSpec((2, RB, HD), lambda i: (0, i, 0)),
            pl.BlockSpec((D, D), lambda i: (0, 0)),
        ],
        out_specs=pl.BlockSpec((2, RB, HD), lambda i: (0, i, 0)),
        out_shape=jax.ShapeDtypeStruct((2, NP, HD), jnp.float32),
    )(xp, deg2, gcn1_W)
    return y1.reshape(2 * NP, HD)


def _tc2_body(z_ref, d2_ref, w2_ref, bg1_ref, y2_ref):
    dinv = _dinv_of(d2_ref)
    z = jnp.concatenate([z_ref[0], z_ref[1]], axis=1)
    g = jnp.maximum(z * dinv + bg1_ref[...], 0.0)
    y = jnp.dot(g, w2_ref[...], preferred_element_type=jnp.float32) * dinv
    y2_ref[0] = y[:, :HD]
    y2_ref[1] = y[:, HD:]


def _tc2_call(z1, deg2, gcn2_W, gcn1_b2):
    y2 = pl.pallas_call(
        _tc2_body,
        grid=(GRID,),
        in_specs=[
            pl.BlockSpec((2, RB, HD), lambda i: (0, i, 0)),
            pl.BlockSpec((2, RB, HD), lambda i: (0, i, 0)),
            pl.BlockSpec((D, D), lambda i: (0, 0)),
            pl.BlockSpec((1, D), lambda i: (0, 0)),
        ],
        out_specs=pl.BlockSpec((2, RB, HD), lambda i: (0, i, 0)),
        out_shape=jax.ShapeDtypeStruct((2, NP, HD), jnp.float32),
    )(z1, deg2, gcn2_W, gcn1_b2)
    return y2.reshape(2 * NP, HD)


def _tcl2_body(l1_ref, l2w_ref, l2b_ref, wlin_ref, blin_ref, hl_ref):
    l2 = jnp.maximum(
        jnp.dot(l1_ref[...], l2w_ref[...], preferred_element_type=jnp.float32)
        + l2b_ref[...], 0.0)
    hl_ref[...] = (jnp.dot(l2, wlin_ref[...],
                           preferred_element_type=jnp.float32)
                   + blin_ref[...])


def _tcl2_call(l1, lin2_W, lin2_b2, lin_W_l, lin_b2):
    return pl.pallas_call(
        _tcl2_body,
        grid=(GRID,),
        in_specs=[
            pl.BlockSpec((RB, D), lambda i: (i, 0)),
            pl.BlockSpec((D, D), lambda i: (0, 0)),
            pl.BlockSpec((1, D), lambda i: (0, 0)),
            pl.BlockSpec((D, DOUT), lambda i: (0, 0)),
            pl.BlockSpec((1, DOUT), lambda i: (0, 0)),
        ],
        out_specs=pl.BlockSpec((RB, DOUT), lambda i: (i, 0)),
        out_shape=jax.ShapeDtypeStruct((NP, DOUT), jnp.float32),
    )(l1, lin2_W, lin2_b2, lin_W_l, lin_b2)


def _tc3_body(z_ref, d2_ref, bg2_ref, hl_ref, wlin_ref, h_ref, p_ref):
    dinv = _dinv_of(d2_ref)
    z = jnp.concatenate([z_ref[0], z_ref[1]], axis=1)
    g2 = jnp.maximum(z * dinv + bg2_ref[...], 0.0)
    h = (jnp.dot(g2, wlin_ref[...], preferred_element_type=jnp.float32)
         + hl_ref[...])
    h_ref[...] = h
    m = jnp.max(h, axis=1, keepdims=True)
    e = jnp.exp(h - m)
    p_ref[...] = e / jnp.sum(e, axis=1, keepdims=True)


def _tc3_call(z2, deg2, gcn2_b2, hl, lin_W_g):
    return pl.pallas_call(
        _tc3_body,
        grid=(GRID,),
        in_specs=[
            pl.BlockSpec((2, RB, HD), lambda i: (0, i, 0)),
            pl.BlockSpec((2, RB, HD), lambda i: (0, i, 0)),
            pl.BlockSpec((1, D), lambda i: (0, 0)),
            pl.BlockSpec((RB, DOUT), lambda i: (i, 0)),
            pl.BlockSpec((D, DOUT), lambda i: (0, 0)),
        ],
        out_specs=[
            pl.BlockSpec((RB, DOUT), lambda i: (i, 0)),
            pl.BlockSpec((RB, DOUT), lambda i: (i, 0)),
        ],
        out_shape=[
            jax.ShapeDtypeStruct((NP, DOUT), jnp.float32),
            jax.ShapeDtypeStruct((NP, DOUT), jnp.float32),
        ],
    )(z2, deg2, gcn2_b2, hl, lin_W_g)




@jax.jit
def kernel(x, edge_index, gcn1_W, gcn1_b, gcn2_W, gcn2_b,
           lin1_W, lin1_b, lin2_W, lin2_b, lin_W, lin_b):
    f32 = jnp.float32
    xp = jnp.zeros((NP, D), f32).at[:N].set(x)
    pad = jnp.full((EP - E,), N, jnp.int32)
    srcp = jnp.concatenate([edge_index[0].astype(jnp.int32), pad]).reshape(NCH, 128)
    dstp = jnp.concatenate([edge_index[1].astype(jnp.int32), pad]).reshape(NCH, 128)
    src2 = jnp.concatenate([srcp, srcp + NP], axis=0)
    ones128 = jnp.ones((128, HD), f32)
    zeros128 = jnp.zeros((NP, HD), f32)

    l1 = _tc0_call(xp, lin1_W, lin1_b.reshape(1, D))
    deg2 = _deg_call(dstp, ones128, zeros128)
    y1 = _tc1_call(xp, deg2, gcn1_W)
    z1 = _seg_call(y1, src2, dstp)
    y2 = _tc2_call(z1, deg2, gcn2_W, gcn1_b.reshape(1, D))
    hl = _tcl2_call(l1, lin2_W, lin2_b.reshape(1, D),
                    lin_W[:D], lin_b.reshape(1, DOUT))
    z2 = _seg_call(y2, src2, dstp)
    h, p = _tc3_call(z2, deg2, gcn2_b.reshape(1, D), hl, lin_W[D:])
    return (h[:N], p[:N])

# --- scband reference (transcript-rebuilt; emitter-appended) ---
"""Pipeline reference for scband-gcnot-43894565765715 (READ-ONLY COPY).

The authoritative reference and input builder live on the scoring server;
editing this copy changes nothing except your own understanding.
"""

import jax, jax.numpy as jnp
import numpy as np

N = 10000
E = 160000
D_IN = 256
H1 = 256
H2 = 256
D_OUT = 16


def gcn_conv(x, edge_index, W, b):
    # Standard GCNConv: add self-loops, symmetric deg^{-1/2} normalization,
    # message = norm * (x @ W) gathered from src, scatter-add to dst, plus bias.
    n = x.shape[0]
    loop = jnp.arange(n, dtype=edge_index.dtype)
    src = jnp.concatenate([edge_index[0], loop])
    dst = jnp.concatenate([edge_index[1], loop])
    deg = jnp.zeros((n,), dtype=x.dtype).at[dst].add(1.0)
    dinv = jnp.where(deg > 0, jax.lax.rsqrt(jnp.maximum(deg, 1e-12)), 0.0)
    norm = dinv[src] * dinv[dst]
    xw = x @ W
    msg = jnp.take(xw, src, axis=0) * norm[:, None]
    out = jax.ops.segment_sum(msg, dst, num_segments=n)
    return out + b


def setup_inputs(seed: int = 0) -> dict:
    key = jax.random.key(seed)
    ks = jax.random.split(key, 8)

    def lin_w(k, fin, fout):
        return (jax.random.normal(k, (fin, fout), dtype=jnp.float32) / np.sqrt(fin)).astype(jnp.float32)

    return {
        "x": jax.random.normal(ks[0], (N, D_IN), dtype=jnp.float32),
        # int64 per spec; int32 used so module runs without jax x64 config
        "edge_index": jax.random.randint(ks[1], (2, E), 0, N, dtype=jnp.int32),
        "gcn1_W": lin_w(ks[2], D_IN, H1),
        "gcn1_b": jnp.zeros((H1,), jnp.float32),
        "gcn2_W": lin_w(ks[3], H1, H2),
        "gcn2_b": jnp.zeros((H2,), jnp.float32),
        "lin1_W": lin_w(ks[4], D_IN, H1),
        "lin1_b": jnp.zeros((H1,), jnp.float32),
        "lin2_W": lin_w(ks[5], H1, H2),
        "lin2_b": jnp.zeros((H2,), jnp.float32),
        "lin_W": lin_w(ks[6], H2 * 2, D_OUT),
        "lin_b": jnp.zeros((D_OUT,), jnp.float32),
    }


def reference(x, edge_index, gcn1_W, gcn1_b, gcn2_W, gcn2_b,
              lin1_W, lin1_b, lin2_W, lin2_b, lin_W, lin_b):
    # GCN branch (dropout is a no-op in eval mode)
    g = jax.nn.relu(gcn_conv(x, edge_index, gcn1_W, gcn1_b))
    g = jax.nn.relu(gcn_conv(g, edge_index, gcn2_W, gcn2_b))
    # Linear branch
    l = jax.nn.relu(x @ lin1_W + lin1_b)
    l = jax.nn.relu(l @ lin2_W + lin2_b)
    # Concat order matches torch: (lin_h, graph_h)
    h = jnp.concatenate([l, g], axis=1)
    h = h @ lin_W + lin_b
    return (h, jax.nn.softmax(h, axis=1))

if __name__ == "__main__":
    import jax
    _d = setup_inputs()
    print(jax.jit(kernel)(*tuple(_d.values())))

</pallas_src>

<mosaic_0001>
#map = affine_map<(d0, d1) -> (0, 0)>
module attributes {stable_mosaic.version = 14 : i64} {
  func.func @_seg_body(%arg0: i32, %arg1: i32, %arg2: memref<20480x128xf32, #tpu.memory_space<hbm>>, %arg3: memref<2560x128xi32, #tpu.memory_space<hbm>>, %arg4: memref<1280x128xi32, #tpu.memory_space<hbm>>, %arg5: memref<20480x128xf32, #tpu.memory_space<hbm>>, %arg6: memref<16x128xi32, #tpu.memory_space<vmem>>, %arg7: memref<16x128xi32, #tpu.memory_space<vmem>>, %arg8: memref<128x128xf32, #tpu.memory_space<vmem>>, %arg9: memref<128x128xf32, #tpu.memory_space<vmem>>, %arg10: memref<!tpu.dma_semaphore, #tpu.memory_space<semaphore_mem>>, %arg11: memref<!tpu.dma_semaphore, #tpu.memory_space<semaphore_mem>>, %arg12: memref<!tpu.dma_semaphore, #tpu.memory_space<semaphore_mem>>, %arg13: memref<!tpu.dma_semaphore, #tpu.memory_space<semaphore_mem>>, %arg14: memref<10240x128xf32, #tpu.memory_space<vmem_shared>>) attributes {dimension_semantics = [#tpu.dimension_semantics<core_parallel>, #tpu.dimension_semantics<subcore_parallel>], iteration_bounds = array<i64: 2, 16>, scalar_prefetch = 0 : i64, scratch_operands = 9 : i64, tpu.core_type = #tpu.core_type<sc_vector_subcore>, window_params = [{transform_indices = #map}, {transform_indices = #map}, {transform_indices = #map}, {transform_indices = #map}]} {
    %mul3A = arith.constant 640 : i32
    %mul3A_0 = arith.muli %arg1, %mul3A : i32
    %mul3A_1 = arith.constant 10240 : i32
    %mul3A_2 = arith.muli %arg0, %mul3A_1 : i32
    %add3A = arith.addi %mul3A_2, %mul3A_0 : i32
    "tpu.region"() ({
      %run_scoped3A = tpu.sem_alloc : memref<!tpu.dma_semaphore, #tpu.memory_space<semaphore_mem>>
      %dma_start3A = arith.constant 0 : i32
      %dma_start3A_12 = tpu.memref_slice %arg14[%mul3A_0, %dma_start3A] : memref<10240x128xf32, #tpu.memory_space<vmem_shared>> -> memref<640x128xf32, #tpu.memory_space<vmem_shared>>
      %dma_start3A_13 = arith.constant 0 : i32
      %dma_start3A_14 = tpu.memref_slice %arg2[%add3A, %dma_start3A_13] : memref<20480x128xf32, #tpu.memory_space<hbm>> -> memref<640x128xf32, #tpu.memory_space<hbm>>
      tpu.enqueue_dma source(%dma_start3A_14 : memref<640x128xf32, #tpu.memory_space<hbm>>) target(%dma_start3A_12 : memref<640x128xf32, #tpu.memory_space<vmem_shared>>) target_semaphore(%run_scoped3A : memref<!tpu.dma_semaphore, #tpu.memory_space<semaphore_mem>>)
      %dma_wait3A = arith.constant 0 : i32
      %dma_wait3A_15 = tpu.memref_slice %arg14[%mul3A_0, %dma_wait3A] : memref<10240x128xf32, #tpu.memory_space<vmem_shared>> -> memref<640x128xf32, #tpu.memory_space<vmem_shared>>
      %dma_wait3A_16 = arith.constant 0 : i32
      %dma_wait3A_17 = tpu.memref_slice %arg2[%add3A, %dma_wait3A_16] : memref<20480x128xf32, #tpu.memory_space<hbm>> -> memref<640x128xf32, #tpu.memory_space<hbm>>
      tpu.wait_dma2 semaphore(%run_scoped3A : memref<!tpu.dma_semaphore, #tpu.memory_space<semaphore_mem>>) src(%dma_wait3A_17 : memref<640x128xf32, #tpu.memory_space<hbm>>) dst(%dma_wait3A_15 : memref<640x128xf32, #tpu.memory_space<vmem_shared>>)
      tpu.yield
    }) : () -> ()
    %barrier3A = arith.constant 0 : index
    tpu.barrier barrier_id(%barrier3A)
    %scan3A = arith.constant 0 : i32
    %scan3A_3 = arith.constant 0 : i32
    %scan3A_4 = arith.constant 5 : i32
    %scan3A_5 = arith.addi %scan3A_3, %scan3A_4 : i32
    %scan3A_6 = arith.constant 1 : i32
    scf.for %scan3A_12 = %scan3A_3 to %scan3A_5 step %scan3A_6  : i32 {
      %mul3A_13 = arith.constant 80 : i32
      %mul3A_14 = arith.muli %arg1, %mul3A_13 : i32
      %mul3A_15 = arith.constant 16 : i32
      %mul3A_16 = arith.muli %scan3A_12, %mul3A_15 : i32
      %add3A_17 = arith.addi %mul3A_14, %mul3A_16 : i32
      %mul3A_18 = arith.constant 1280 : i32
      %mul3A_19 = arith.muli %arg0, %mul3A_18 : i32
      %add3A_20 = arith.addi %mul3A_19, %add3A_17 : i32
      "tpu.region"() ({
        %run_scoped3A = tpu.sem_alloc : memref<!tpu.dma_semaphore, #tpu.memory_space<semaphore_mem>>
        %dma_start3A_435 = arith.constant 0 : i32
        %dma_start3A_436 = tpu.memref_slice %arg3[%add3A_20, %dma_start3A_435] : memref<2560x128xi32, #tpu.memory_space<hbm>> -> memref<16x128xi32, #tpu.memory_space<hbm>>
        %dma_start3A_437 = arith.constant 0 : i32
        %dma_start3A_438 = tpu.memref_slice %arg3[%add3A_20, %dma_start3A_437] : memref<2560x128xi32, #tpu.memory_space<hbm>> -> memref<16x128xi32, #tpu.memory_space<hbm>>
        tpu.enqueue_dma source(%dma_start3A_438 : memref<16x128xi32, #tpu.memory_space<hbm>>) target(%arg6 : memref<16x128xi32, #tpu.memory_space<vmem>>) target_semaphore(%run_scoped3A : memref<!tpu.dma_semaphore, #tpu.memory_space<semaphore_mem>>)
        %dma_wait3A_439 = arith.constant 0 : i32
        %dma_wait3A_440 = tpu.memref_slice %arg3[%add3A_20, %dma_wait3A_439] : memref<2560x128xi32, #tpu.memory_space<hbm>> -> memref<16x128xi32, #tpu.memory_space<hbm>>
        %dma_wait3A_441 = arith.constant 0 : i32
        %dma_wait3A_442 = tpu.memref_slice %arg3[%add3A_20, %dma_wait3A_441] : memref<2560x128xi32, #tpu.memory_space<hbm>> -> memref<16x128xi32, #tpu.memory_space<hbm>>
        tpu.wait_dma2 semaphore(%run_scoped3A : memref<!tpu.dma_semaphore, #tpu.memory_space<semaphore_mem>>) src(%dma_wait3A_442 : memref<16x128xi32, #tpu.memory_space<hbm>>) dst(%arg6 : memref<16x128xi32, #tpu.memory_space<vmem>>)
        tpu.yield
      }) : () -> ()
      "tpu.region"() ({
        %run_scoped3A = tpu.sem_alloc : memref<!tpu.dma_semaphore, #tpu.memory_space<semaphore_mem>>
        %dma_start3A_435 = arith.constant 0 : i32
        %dma_start3A_436 = tpu.memref_slice %arg4[%add3A_17, %dma_start3A_435] : memref<1280x128xi32, #tpu.memory_space<hbm>> -> memref<16x128xi32, #tpu.memory_space<hbm>>
        %dma_start3A_437 = arith.constant 0 : i32
        %dma_start3A_438 = tpu.memref_slice %arg4[%add3A_17, %dma_start3A_437] : memref<1280x128xi32, #tpu.memory_space<hbm>> -> memref<16x128xi32, #tpu.memory_space<hbm>>
        tpu.enqueue_dma source(%dma_start3A_438 : memref<16x128xi32, #tpu.memory_space<hbm>>) target(%arg7 : memref<16x128xi32, #tpu.memory_space<vmem>>) target_semaphore(%run_scoped3A : memref<!tpu.dma_semaphore, #tpu.memory_space<semaphore_mem>>)
        %dma_wait3A_439 = arith.constant 0 : i32
        %dma_wait3A_440 = tpu.memref_slice %arg4[%add3A_17, %dma_wait3A_439] : memref<1280x128xi32, #tpu.memory_space<hbm>> -> memref<16x128xi32, #tpu.memory_space<hbm>>
        %dma_wait3A_441 = arith.constant 0 : i32
        %dma_wait3A_442 = tpu.memref_slice %arg4[%add3A_17, %dma_wait3A_441] : memref<1280x128xi32, #tpu.memory_space<hbm>> -> memref<16x128xi32, #tpu.memory_space<hbm>>
        tpu.wait_dma2 semaphore(%run_scoped3A : memref<!tpu.dma_semaphore, #tpu.memory_space<semaphore_mem>>) src(%dma_wait3A_442 : memref<16x128xi32, #tpu.memory_space<hbm>>) dst(%arg7 : memref<16x128xi32, #tpu.memory_space<vmem>>)
        tpu.yield
      }) : () -> ()
      %dma_start3A = arith.constant 0 : i32
      %dma_start3A_21 = arith.constant 0 : i32
      %dma_start3A_22 = tpu.memref_slice %arg6[%dma_start3A, %dma_start3A_21] : memref<16x128xi32, #tpu.memory_space<vmem>> -> memref<1x128xi32, #tpu.memory_space<vmem>>
      %dma_start3A_23 = tpu.memref_squeeze %dma_start3A_22 : memref<1x128xi32, #tpu.memory_space<vmem>> -> memref<128xi32, #tpu.memory_space<vmem>>
      %dma_start3A_24 = arith.constant 0 : i32
      %dma_start3A_25 = arith.constant 0 : i32
      %dma_start3A_26 = tpu.memref_slice %arg2[%dma_start3A_24, %dma_start3A_25] : memref<20480x128xf32, #tpu.memory_space<hbm>> -> memref<20480x128xf32, #tpu.memory_space<hbm>>
      tpu.enqueue_indirect_dma source(%dma_start3A_26 : memref<20480x128xf32, #tpu.memory_space<hbm>>) target(%arg8 : memref<128x128xf32, #tpu.memory_space<vmem>>) offsets(%dma_start3A_23 : memref<128xi32, #tpu.memory_space<vmem>>) semaphore(%arg10 : memref<!tpu.dma_semaphore, #tpu.memory_space<semaphore_mem>>)
      %dma_start3A_27 = arith.constant 1 : i32
      %dma_start3A_28 = arith.constant 0 : i32
      %dma_start3A_29 = tpu.memref_slice %arg6[%dma_start3A_27, %dma_start3A_28] : memref<16x128xi32, #tpu.memory_space<vmem>> -> memref<1x128xi32, #tpu.memory_space<vmem>>
      %dma_start3A_30 = tpu.memref_squeeze %dma_start3A_29 : memref<1x128xi32, #tpu.memory_space<vmem>> -> memref<128xi32, #tpu.memory_space<vmem>>
      %dma_start3A_31 = arith.constant 0 : i32
      %dma_start3A_32 = arith.constant 0 : i32
      %dma_start3A_33 = tpu.memref_slice %arg2[%dma_start3A_31, %dma_start3A_32] : memref<20480x128xf32, #tpu.memory_space<hbm>> -> memref<20480x128xf32, #tpu.memory_space<hbm>>
      tpu.enqueue_indirect_dma source(%dma_start3A_33 : memref<20480x128xf32, #tpu.memory_space<hbm>>) target(%arg9 : memref<128x128xf32, #tpu.memory_space<vmem>>) offsets(%dma_start3A_30 : memref<128xi32, #tpu.memory_space<vmem>>) semaphore(%arg11 : memref<!tpu.dma_semaphore, #tpu.memory_space<semaphore_mem>>)
      %dma_wait3A = arith.constant 0 : i32
      %dma_wait3A_34 = arith.constant 0 : i32
      %dma_wait3A_35 = tpu.memref_slice %arg2[%dma_wait3A, %dma_wait3A_34] : memref<20480x128xf32, #tpu.memory_space<hbm>> -> memref<128x128xf32, #tpu.memory_space<hbm>>
      %dma_wait3A_36 = arith.constant 0 : i32
      %dma_wait3A_37 = arith.constant 0 : i32
      %dma_wait3A_38 = tpu.memref_slice %arg2[%dma_wait3A_36, %dma_wait3A_37] : memref<20480x128xf32, #tpu.memory_space<hbm>> -> memref<128x128xf32, #tpu.memory_space<hbm>>
      tpu.wait_dma2 semaphore(%arg10 : memref<!tpu.dma_semaphore, #tpu.memory_space<semaphore_mem>>) src(%dma_wait3A_38 : memref<128x128xf32, #tpu.memory_space<hbm>>) dst(%arg8 : memref<128x128xf32, #tpu.memory_space<vmem>>)
      %dma_start3A_39 = arith.constant 0 : i32
      %dma_start3A_40 = arith.constant 0 : i32
      %dma_start3A_41 = tpu.memref_slice %arg7[%dma_start3A_39, %dma_start3A_40] : memref<16x128xi32, #tpu.memory_space<vmem>> -> memref<1x128xi32, #tpu.memory_space<vmem>>
      %dma_start3A_42 = tpu.memref_squeeze %dma_start3A_41 : memref<1x128xi32, #tpu.memory_space<vmem>> -> memref<128xi32, #tpu.memory_space<vmem>>
      %dma_start3A_43 = arith.constant 0 : i32
      %dma_start3A_44 = arith.constant 0 : i32
      %dma_start3A_45 = tpu.memref_slice %arg14[%dma_start3A_43, %dma_start3A_44] : memref<10240x128xf32, #tpu.memory_space<vmem_shared>> -> memref<10240x128xf32, #tpu.memory_space<vmem_shared>>
      tpu.enqueue_indirect_dma source(%arg8 : memref<128x128xf32, #tpu.memory_space<vmem>>) target(%dma_start3A_45 : memref<10240x128xf32, #tpu.memory_space<vmem_shared>>) offsets(%dma_start3A_42 : memref<128xi32, #tpu.memory_space<vmem>>) semaphore(%arg12 : memref<!tpu.dma_semaphore, #tpu.memory_space<semaphore_mem>>) {add = true}
      %dma_wait3A_46 = arith.constant 0 : i32
      %dma_wait3A_47 = arith.constant 0 : i32
      %dma_wait3A_48 = tpu.memref_slice %arg14[%dma_wait3A_46, %dma_wait3A_47] : memref<10240x128xf32, #tpu.memory_space<vmem_shared>> -> memref<128x128xf32, #tpu.memory_space<vmem_shared>>
      %dma_wait3A_49 = arith.constant 0 : i32
      %dma_wait3A_50 = arith.constant 0 : i32
      %dma_wait3A_51 = tpu.memref_slice %arg14[%dma_wait3A_49, %dma_wait3A_50] : memref<10240x128xf32, #tpu.memory_space<vmem_shared>> -> memref<128x128xf32, #tpu.memory_space<vmem_shared>>
      tpu.wait_dma2 semaphore(%arg12 : memref<!tpu.dma_semaphore, #tpu.memory_space<semaphore_mem>>) src(%arg8 : memref<128x128xf32, #tpu.memory_space<vmem>>) dst(%dma_wait3A_51 : memref<128x128xf32, #tpu.memory_space<vmem_shared>>)
      %dma_start3A_52 = arith.constant 2 : i32
      %dma_start3A_53 = arith.constant 0 : i32
      %dma_start3A_54 = tpu.memref_slice %arg6[%dma_start3A_52, %dma_start3A_53] : memref<16x128xi32, #tpu.memory_space<vmem>> -> memref<1x128xi32, #tpu.memory_space<vmem>>
      %dma_start3A_55 = tpu.memref_squeeze %dma_start3A_54 : memref<1x128xi32, #tpu.memory_space<vmem>> -> memref<128xi32, #tpu.memory_space<vmem>>
      %dma_start3A_56 = arith.constant 0 : i32
      %dma_start3A_57 = arith.constant 0 : i32
      %dma_start3A_58 = tpu.memref_slice %arg2[%dma_start3A_56, %dma_start3A_57] : memref<20480x128xf32, #tpu.memory_space<hbm>> -> memref<20480x128xf32, #tpu.memory_space<hbm>>
      tpu.enqueue_indirect_dma source(%dma_start3A_58 : memref<20480x128xf32, #tpu.memory_space<hbm>>) target(%arg8 : memref<128x128xf32, #tpu.memory_space<vmem>>) offsets(%dma_start3A_55 : memref<128xi32, #tpu.memory_space<vmem>>) semaphore(%arg10 : memref<!tpu.dma_semaphore, #tpu.memory_space<semaphore_mem>>)
      %dma_wait3A_59 = arith.constant 0 : i32
      %dma_wait3A_60 = arith.constant 0 : i32
      %dma_wait3A_61 = tpu.memref_slice %arg2[%dma_wait3A_59, %dma_wait3A_60] : memref<20480x128xf32, #tpu.memory_space<hbm>> -> memref<128x128xf32, #tpu.memory_space<hbm>>
      %dma_wait3A_62 = arith.constant 0 : i32
      %dma_wait3A_63 = arith.constant 0 : i32
      %dma_wait3A_64 = tpu.memref_slice %arg2[%dma_wait3A_62, %dma_wait3A_63] : memref<20480x128xf32, #tpu.memory_space<hbm>> -> memref<128x128xf32, #tpu.memory_space<hbm>>
      tpu.wait_dma2 semaphore(%arg11 : memref<!tpu.dma_semaphore, #tpu.memory_space<semaphore_mem>>) src(%dma_wait3A_64 : memref<128x128xf32, #tpu.memory_space<hbm>>) dst(%arg9 : memref<128x128xf32, #tpu.memory_space<vmem>>)
      %dma_start3A_65 = arith.constant 1 : i32
      %dma_start3A_66 = arith.constant 0 : i32
      %dma_start3A_67 = tpu.memref_slice %arg7[%dma_start3A_65, %dma_start3A_66] : memref<16x128xi32, #tpu.memory_space<vmem>> -> memref<1x128xi32, #tpu.memory_space<vmem>>
      %dma_start3A_68 = tpu.memref_squeeze %dma_start3A_67 : memref<1x128xi32, #tpu.memory_space<vmem>> -> memref<128xi32, #tpu.memory_space<vmem>>
      %dma_start3A_69 = arith.constant 0 : i32
      %dma_start3A_70 = arith.constant 0 : i32
      %dma_start3A_71 = tpu.memref_slice %arg14[%dma_start3A_69, %dma_start3A_70] : memref<10240x128xf32, #tpu.memory_space<vmem_shared>> -> memref<10240x128xf32, #tpu.memory_space<vmem_shared>>
      tpu.enqueue_indirect_dma source(%arg9 : memref<128x128xf32, #tpu.memory_space<vmem>>) target(%dma_start3A_71 : memref<10240x128xf32, #tpu.memory_space<vmem_shared>>) offsets(%dma_start3A_68 : memref<128xi32, #tpu.memory_space<vmem>>) semaphore(%arg13 : memref<!tpu.dma_semaphore, #tpu.memory_space<semaphore_mem>>) {add = true}
      %dma_wait3A_72 = arith.constant 0 : i32
      %dma_wait3A_73 = arith.constant 0 : i32
      %dma_wait3A_74 = tpu.memref_slice %arg14[%dma_wait3A_72, %dma_wait3A_73] : memref<10240x128xf32, #tpu.memory_space<vmem_shared>> -> memref<128x128xf32, #tpu.memory_space<vmem_shared>>
      %dma_wait3A_75 = arith.constant 0 : i32
      %dma_wait3A_76 = arith.constant 0 : i32
      %dma_wait3A_77 = tpu.memref_slice %arg14[%dma_wait3A_75, %dma_wait3A_76] : memref<10240x128xf32, #tpu.memory_space<vmem_shared>> -> memref<128x128xf32, #tpu.memory_space<vmem_shared>>
      tpu.wait_dma2 semaphore(%arg13 : memref<!tpu.dma_semaphore, #tpu.memory_space<semaphore_mem>>) src(%arg9 : memref<128x128xf32, #tpu.memory_space<vmem>>) dst(%dma_wait3A_77 : memref<128x128xf32, #tpu.memory_space<vmem_shared>>)
      %dma_start3A_78 = arith.constant 3 : i32
      %dma_start3A_79 = arith.constant 0 : i32
      %dma_start3A_80 = tpu.memref_slice %arg6[%dma_start3A_78, %dma_start3A_79] : memref<16x128xi32, #tpu.memory_space<vmem>> -> memref<1x128xi32, #tpu.memory_space<vmem>>
      %dma_start3A_81 = tpu.memref_squeeze %dma_start3A_80 : memref<1x128xi32, #tpu.memory_space<vmem>> -> memref<128xi32, #tpu.memory_space<vmem>>
      %dma_start3A_82 = arith.constant 0 : i32
      %dma_start3A_83 = arith.constant 0 : i32
      %dma_start3A_84 = tpu.memref_slice %arg2[%dma_start3A_82, %dma_start3A_83] : memref<20480x128xf32, #tpu.memory_space<hbm>> -> memref<20480x128xf32, #tpu.memory_space<hbm>>
      tpu.enqueue_indirect_dma source(%dma_start3A_84 : memref<20480x128xf32, #tpu.memory_space<hbm>>) target(%arg9 : memref<128x128xf32, #tpu.memory_space<vmem>>) offsets(%dma_start3A_81 : memref<128xi32, #tpu.memory_space<vmem>>) semaphore(%arg11 : memref<!tpu.dma_semaphore, #tpu.memory_space<semaphore_mem>>)
      %dma_wait3A_85 = arith.constant 0 : i32
      %dma_wait3A_86 = arith.constant 0 : i32
      %dma_wait3A_87 = tpu.memref_slice %arg2[%dma_wait3A_85, %dma_wait3A_86] : memref<20480x128xf32, #tpu.memory_space<hbm>> -> memref<128x128xf32, #tpu.memory_space<hbm>>
      %dma_wait3A_88 = arith.constant 0 : i32
      %dma_wait3A_89 = arith.constant 0 : i32
      %dma_wait3A_90 = tpu.memref_slice %arg2[%dma_wait3A_88, %dma_wait3A_89] : memref<20480x128xf32, #tpu.memory_space<hbm>> -> memref<128x128xf32, #tpu.memory_space<hbm>>
      tpu.wait_dma2 semaphore(%arg10 : memref<!tpu.dma_semaphore, #tpu.memory_space<semaphore_mem>>) src(%dma_wait3A_90 : memref<128x128xf32, #tpu.memory_space<hbm>>) dst(%arg8 : memref<128x128xf32, #tpu.memory_space<vmem>>)
      %dma_start3A_91 = arith.constant 2 : i32
      %dma_start3A_92 = arith.constant 0 : i32
      %dma_start3A_93 = tpu.memref_slice %arg7[%dma_start3A_91, %dma_start3A_92] : memref<16x128xi32, #tpu.memory_space<vmem>> -> memref<1x128xi32, #tpu.memory_space<vmem>>
      %dma_start3A_94 = tpu.memref_squeeze %dma_start3A_93 : memref<1x128xi32, #tpu.memory_space<vmem>> -> memref<128xi32, #tpu.memory_space<vmem>>
      %dma_start3A_95 = arith.constant 0 : i32
      %dma_start3A_96 = arith.constant 0 : i32
      %dma_start3A_97 = tpu.memref_slice %arg14[%dma_start3A_95, %dma_start3A_96] : memref<10240x128xf32, #tpu.memory_space<vmem_shared>> -> memref<10240x128xf32, #tpu.memory_space<vmem_shared>>
      tpu.enqueue_indirect_dma source(%arg8 : memref<128x128xf32, #tpu.memory_space<vmem>>) target(%dma_start3A_97 : memref<10240x128xf32, #tpu.memory_space<vmem_shared>>) offsets(%dma_start3A_94 : memref<128xi32, #tpu.memory_space<vmem>>) semaphore(%arg12 : memref<!tpu.dma_semaphore, #tpu.memory_space<semaphore_mem>>) {add = true}
      %dma_wait3A_98 = arith.constant 0 : i32
      %dma_wait3A_99 = arith.constant 0 : i32
      %dma_wait3A_100 = tpu.memref_slice %arg14[%dma_wait3A_98, %dma_wait3A_99] : memref<10240x128xf32, #tpu.memory_space<vmem_shared>> -> memref<128x128xf32, #tpu.memory_space<vmem_shared>>
      %dma_wait3A_101 = arith.constant 0 : i32
      %dma_wait3A_102 = arith.constant 0 : i32
      %dma_wait3A_103 = tpu.memref_slice %arg14[%dma_wait3A_101, %dma_wait3A_102] : memref<10240x128xf32, #tpu.memory_space<vmem_shared>> -> memref<128x128xf32, #tpu.memory_space<vmem_shared>>
      tpu.wait_dma2 semaphore(%arg12 : memref<!tpu.dma_semaphore, #tpu.memory_space<semaphore_mem>>) src(%arg8 : memref<128x128xf32, #tpu.memory_space<vmem>>) dst(%dma_wait3A_103 : memref<128x128xf32, #tpu.memory_space<vmem_shared>>)
      %dma_start3A_104 = arith.constant 4 : i32
      %dma_start3A_105 = arith.constant 0 : i32
      %dma_start3A_106 = tpu.memref_slice %arg6[%dma_start3A_104, %dma_start3A_105] : memref<16x128xi32, #tpu.memory_space<vmem>> -> memref<1x128xi32, #tpu.memory_space<vmem>>
      %dma_start3A_107 = tpu.memref_squeeze %dma_start3A_106 : memref<1x128xi32, #tpu.memory_space<vmem>> -> memref<128xi32, #tpu.memory_space<vmem>>
      %dma_start3A_108 = arith.constant 0 : i32
      %dma_start3A_109 = arith.constant 0 : i32
      %dma_start3A_110 = tpu.memref_slice %arg2[%dma_start3A_108, %dma_start3A_109] : memref<20480x128xf32, #tpu.memory_space<hbm>> -> memref<20480x128xf32, #tpu.memory_space<hbm>>
      tpu.enqueue_indirect_dma source(%dma_start3A_110 : memref<20480x128xf32, #tpu.memory_space<hbm>>) target(%arg8 : memref<128x128xf32, #tpu.memory_space<vmem>>) offsets(%dma_start3A_107 : memref<128xi32, #tpu.memory_space<vmem>>) semaphore(%arg10 : memref<!tpu.dma_semaphore, #tpu.memory_space<semaphore_mem>>)
      %dma_wait3A_111 = arith.constant 0 : i32
      %dma_wait3A_112 = arith.constant 0 : i32
      %dma_wait3A_113 = tpu.memref_slice %arg2[%dma_wait3A_111, %dma_wait3A_112] : memref<20480x128xf32, #tpu.memory_space<hbm>> -> memref<128x128xf32, #tpu.memory_space<hbm>>
      %dma_wait3A_114 = arith.constant 0 : i32
      %dma_wait3A_115 = arith.constant 0 : i32
      %dma_wait3A_116 = tpu.memref_slice %arg2[%dma_wait3A_114, %dma_wait3A_115] : memref<20480x128xf32, #tpu.memory_space<hbm>> -> memref<128x128xf32, #tpu.memory_space<hbm>>
      tpu.wait_dma2 semaphore(%arg11 : memref<!tpu.dma_semaphore, #tpu.memory_space<semaphore_mem>>) src(%dma_wait3A_116 : memref<128x128xf32, #tpu.memory_space<hbm>>) dst(%arg9 : memref<128x128xf32, #tpu.memory_space<vmem>>)
      %dma_start3A_117 = arith.constant 3 : i32
      %dma_start3A_118 = arith.constant 0 : i32
      %dma_start3A_119 = tpu.memref_slice %arg7[%dma_start3A_117, %dma_start3A_118] : memref<16x128xi32, #tpu.memory_space<vmem>> -> memref<1x128xi32, #tpu.memory_space<vmem>>
      %dma_start3A_120 = tpu.memref_squeeze %dma_start3A_119 : memref<1x128xi32, #tpu.memory_space<vmem>> -> memref<128xi32, #tpu.memory_space<vmem>>
      %dma_start3A_121 = arith.constant 0 : i32
      %dma_start3A_122 = arith.constant 0 : i32
      %dma_start3A_123 = tpu.memref_slice %arg14[%dma_start3A_121, %dma_start3A_122] : memref<10240x128xf32, #tpu.memory_space<vmem_shared>> -> memref<10240x128xf32, #tpu.memory_space<vmem_shared>>
      tpu.enqueue_indirect_dma source(%arg9 : memref<128x128xf32, #tpu.memory_space<vmem>>) target(%dma_start3A_123 : memref<10240x128xf32, #tpu.memory_space<vmem_shared>>) offsets(%dma_start3A_120 : memref<128xi32, #tpu.memory_space<vmem>>) semaphore(%arg13 : memref<!tpu.dma_semaphore, #tpu.memory_space<semaphore_mem>>) {add = true}
      %dma_wait3A_124 = arith.constant 0 : i32
      %dma_wait3A_125 = arith.constant 0 : i32
      %dma_wait3A_126 = tpu.memref_slice %arg14[%dma_wait3A_124, %dma_wait3A_125] : memref<10240x128xf32, #tpu.memory_space<vmem_shared>> -> memref<128x128xf32, #tpu.memory_space<vmem_shared>>
      %dma_wait3A_127 = arith.constant 0 : i32
      %dma_wait3A_128 = arith.constant 0 : i32
      %dma_wait3A_129 = tpu.memref_slice %arg14[%dma_wait3A_127, %dma_wait3A_128] : memref<10240x128xf32, #tpu.memory_space<vmem_shared>> -> memref<128x128xf32, #tpu.memory_space<vmem_shared>>
      tpu.wait_dma2 semaphore(%arg13 : memref<!tpu.dma_semaphore, #tpu.memory_space<semaphore_mem>>) src(%arg9 : memref<128x128xf32, #tpu.memory_space<vmem>>) dst(%dma_wait3A_129 : memref<128x128xf32, #tpu.memory_space<vmem_shared>>)
      %dma_start3A_130 = arith.constant 5 : i32
      %dma_start3A_131 = arith.constant 0 : i32
      %dma_start3A_132 = tpu.memref_slice %arg6[%dma_start3A_130, %dma_start3A_131] : memref<16x128xi32, #tpu.memory_space<vmem>> -> memref<1x128xi32, #tpu.memory_space<vmem>>
      %dma_start3A_133 = tpu.memref_squeeze %dma_start3A_132 : memref<1x128xi32, #tpu.memory_space<vmem>> -> memref<128xi32, #tpu.memory_space<vmem>>
      %dma_start3A_134 = arith.constant 0 : i32
      %dma_start3A_135 = arith.constant 0 : i32
      %dma_start3A_136 = tpu.memref_slice %arg2[%dma_start3A_134, %dma_start3A_135] : memref<20480x128xf32, #tpu.memory_space<hbm>> -> memref<20480x128xf32, #tpu.memory_space<hbm>>
      tpu.enqueue_indirect_dma source(%dma_start3A_136 : memref<20480x128xf32, #tpu.memory_space<hbm>>) target(%arg9 : memref<128x128xf32, #tpu.memory_space<vmem>>) offsets(%dma_start3A_133 : memref<128xi32, #tpu.memory_space<vmem>>) semaphore(%arg11 : memref<!tpu.dma_semaphore, #tpu.memory_space<semaphore_mem>>)
      %dma_wait3A_137 = arith.constant 0 : i32
      %dma_wait3A_138 = arith.constant 0 : i32
      %dma_wait3A_139 = tpu.memref_slice %arg2[%dma_wait3A_137, %dma_wait3A_138] : memref<20480x128xf32, #tpu.memory_space<hbm>> -> memref<128x128xf32, #tpu.memory_space<hbm>>
      %dma_wait3A_140 = arith.constant 0 : i32
      %dma_wait3A_141 = arith.constant 0 : i32
      %dma_wait3A_142 = tpu.memref_slice %arg2[%dma_wait3A_140, %dma_wait3A_141] : memref<20480x128xf32, #tpu.memory_space<hbm>> -> memref<128x128xf32, #tpu.memory_space<hbm>>
      tpu.wait_dma2 semaphore(%arg10 : memref<!tpu.dma_semaphore, #tpu.memory_space<semaphore_mem>>) src(%dma_wait3A_142 : memref<128x128xf32, #tpu.memory_space<hbm>>) dst(%arg8 : memref<128x128xf32, #tpu.memory_space<vmem>>)
      %dma_start3A_143 = arith.constant 4 : i32
      %dma_start3A_144 = arith.constant 0 : i32
      %dma_start3A_145 = tpu.memref_slice %arg7[%dma_start3A_143, %dma_start3A_144] : memref<16x128xi32, #tpu.memory_space<vmem>> -> memref<1x128xi32, #tpu.memory_space<vmem>>
      %dma_start3A_146 = tpu.memref_squeeze %dma_start3A_145 : memref<1x128xi32, #tpu.memory_space<vmem>> -> memref<128xi32, #tpu.memory_space<vmem>>
      %dma_start3A_147 = arith.constant 0 : i32
      %dma_start3A_148 = arith.constant 0 : i32
      %dma_start3A_149 = tpu.memref_slice %arg14[%dma_start3A_147, %dma_start3A_148] : memref<10240x128xf32, #tpu.memory_space<vmem_shared>> -> memref<10240x128xf32, #tpu.memory_space<vmem_shared>>
      tpu.enqueue_indirect_dma source(%arg8 : memref<128x128xf32, #tpu.memory_space<vmem>>) target(%dma_start3A_149 : memref<10240x128xf32, #tpu.memory_space<vmem_shared>>) offsets(%dma_start3A_146 : memref<128xi32, #tpu.memory_space<vmem>>) semaphore(%arg12 : memref<!tpu.dma_semaphore, #tpu.memory_space<semaphore_mem>>) {add = true}
      %dma_wait3A_150 = arith.constant 0 : i32
      %dma_wait3A_151 = arith.constant 0 : i32
      %dma_wait3A_152 = tpu.memref_slice %arg14[%dma_wait3A_150, %dma_wait3A_151] : memref<10240x128xf32, #tpu.memory_space<vmem_shared>> -> memref<128x128xf32, #tpu.memory_space<vmem_shared>>
      %dma_wait3A_153 = arith.constant 0 : i32
      %dma_wait3A_154 = arith.constant 0 : i32
      %dma_wait3A_155 = tpu.memref_slice %arg14[%dma_wait3A_153, %dma_wait3A_154] : memref<10240x128xf32, #tpu.memory_space<vmem_shared>> -> memref<128x128xf32, #tpu.memory_space<vmem_shared>>
      tpu.wait_dma2 semaphore(%arg12 : memref<!tpu.dma_semaphore, #tpu.memory_space<semaphore_mem>>) src(%arg8 : memref<128x128xf32, #tpu.memory_space<vmem>>) dst(%dma_wait3A_155 : memref<128x128xf32, #tpu.memory_space<vmem_shared>>)
      %dma_start3A_156 = arith.constant 6 : i32
      %dma_start3A_157 = arith.constant 0 : i32
      %dma_start3A_158 = tpu.memref_slice %arg6[%dma_start3A_156, %dma_start3A_157] : memref<16x128xi32, #tpu.memory_space<vmem>> -> memref<1x128xi32, #tpu.memory_space<vmem>>
      %dma_start3A_159 = tpu.memref_squeeze %dma_start3A_158 : memref<1x128xi32, #tpu.memory_space<vmem>> -> memref<128xi32, #tpu.memory_space<vmem>>
      %dma_start3A_160 = arith.constant 0 : i32
      %dma_start3A_161 = arith.constant 0 : i32
      %dma_start3A_162 = tpu.memref_slice %arg2[%dma_start3A_160, %dma_start3A_161] : memref<20480x128xf32, #tpu.memory_space<hbm>> -> memref<20480x128xf32, #tpu.memory_space<hbm>>
      tpu.enqueue_indirect_dma source(%dma_start3A_162 : memref<20480x128xf32, #tpu.memory_space<hbm>>) target(%arg8 : memref<128x128xf32, #tpu.memory_space<vmem>>) offsets(%dma_start3A_159 : memref<128xi32, #tpu.memory_space<vmem>>) semaphore(%arg10 : memref<!tpu.dma_semaphore, #tpu.memory_space<semaphore_mem>>)
      %dma_wait3A_163 = arith.constant 0 : i32
      %dma_wait3A_164 = arith.constant 0 : i32
      %dma_wait3A_165 = tpu.memref_slice %arg2[%dma_wait3A_163, %dma_wait3A_164] : memref<20480x128xf32, #tpu.memory_space<hbm>> -> memref<128x128xf32, #tpu.memory_space<hbm>>
      %dma_wait3A_166 = arith.constant 0 : i32
      %dma_wait3A_167 = arith.constant 0 : i32
      %dma_wait3A_168 = tpu.memref_slice %arg2[%dma_wait3A_166, %dma_wait3A_167] : memref<20480x128xf32, #tpu.memory_space<hbm>> -> memref<128x128xf32, #tpu.memory_space<hbm>>
      tpu.wait_dma2 semaphore(%arg11 : memref<!tpu.dma_semaphore, #tpu.memory_space<semaphore_mem>>) src(%dma_wait3A_168 : memref<128x128xf32, #tpu.memory_space<hbm>>) dst(%arg9 : memref<128x128xf32, #tpu.memory_space<vmem>>)
      %dma_start3A_169 = arith.constant 5 : i32
      %dma_start3A_170 = arith.constant 0 : i32
      %dma_start3A_171 = tpu.memref_slice %arg7[%dma_start3A_169, %dma_start3A_170] : memref<16x128xi32, #tpu.memory_space<vmem>> -> memref<1x128xi32, #tpu.memory_space<vmem>>
      %dma_start3A_172 = tpu.memref_squeeze %dma_start3A_171 : memref<1x128xi32, #tpu.memory_space<vmem>> -> memref<128xi32, #tpu.memory_space<vmem>>
      %dma_start3A_173 = arith.constant 0 : i32
      %dma_start3A_174 = arith.constant 0 : i32
      %dma_start3A_175 = tpu.memref_slice %arg14[%dma_start3A_173, %dma_start3A_174] : memref<10240x128xf32, #tpu.memory_space<vmem_shared>> -> memref<10240x128xf32, #tpu.memory_space<vmem_shared>>
      tpu.enqueue_indirect_dma source(%arg9 : memref<128x128xf32, #tpu.memory_space<vmem>>) target(%dma_start3A_175 : memref<10240x128xf32, #tpu.memory_space<vmem_shared>>) offsets(%dma_start3A_172 : memref<128xi32, #tpu.memory_space<vmem>>) semaphore(%arg13 : memref<!tpu.dma_semaphore, #tpu.memory_space<semaphore_mem>>) {add = true}
      %dma_wait3A_176 = arith.constant 0 : i32
      %dma_wait3A_177 = arith.constant 0 : i32
      %dma_wait3A_178 = tpu.memref_slice %arg14[%dma_wait3A_176, %dma_wait3A_177] : memref<10240x128xf32, #tpu.memory_space<vmem_shared>> -> memref<128x128xf32, #tpu.memory_space<vmem_shared>>
      %dma_wait3A_179 = arith.constant 0 : i32
      %dma_wait3A_180 = arith.constant 0 : i32
      %dma_wait3A_181 = tpu.memref_slice %arg14[%dma_wait3A_179, %dma_wait3A_180] : memref<10240x128xf32, #tpu.memory_space<vmem_shared>> -> memref<128x128xf32, #tpu.memory_space<vmem_shared>>
      tpu.wait_dma2 semaphore(%arg13 : memref<!tpu.dma_semaphore, #tpu.memory_space<semaphore_mem>>) src(%arg9 : memref<128x128xf32, #tpu.memory_space<vmem>>) dst(%dma_wait3A_181 : memref<128x128xf32, #tpu.memory_space<vmem_shared>>)
      %dma_start3A_182 = arith.constant 7 : i32
      %dma_start3A_183 = arith.constant 0 : i32
      %dma_start3A_184 = tpu.memref_slice %arg6[%dma_start3A_182, %dma_start3A_183] : memref<16x128xi32, #tpu.memory_space<vmem>> -> memref<1x128xi32, #tpu.memory_space<vmem>>
      %dma_start3A_185 = tpu.memref_squeeze %dma_start3A_184 : memref<1x128xi32, #tpu.memory_space<vmem>> -> memref<128xi32, #tpu.memory_space<vmem>>
      %dma_start3A_186 = arith.constant 0 : i32
      %dma_start3A_187 = arith.constant 0 : i32
      %dma_start3A_188 = tpu.memref_slice %arg2[%dma_start3A_186, %dma_start3A_187] : memref<20480x128xf32, #tpu.memory_space<hbm>> -> memref<20480x128xf32, #tpu.memory_space<hbm>>
      tpu.enqueue_indirect_dma source(%dma_start3A_188 : memref<20480x128xf32, #tpu.memory_space<hbm>>) target(%arg9 : memref<128x128xf32, #tpu.memory_space<vmem>>) offsets(%dma_start3A_185 : memref<128xi32, #tpu.memory_space<vmem>>) semaphore(%arg11 : memref<!tpu.dma_semaphore, #tpu.memory_space<semaphore_mem>>)
      %dma_wait3A_189 = arith.constant 0 : i32
      %dma_wait3A_190 = arith.constant 0 : i32
      %dma_wait3A_191 = tpu.memref_slice %arg2[%dma_wait3A_189, %dma_wait3A_190] : memref<20480x128xf32, #tpu.memory_space<hbm>> -> memref<128x128xf32, #tpu.memory_space<hbm>>
      %dma_wait3A_192 = arith.constant 0 : i32
      %dma_wait3A_193 = arith.constant 0 : i32
      %dma_wait3A_194 = tpu.memref_slice %arg2[%dma_wait3A_192, %dma_wait3A_193] : memref<20480x128xf32, #tpu.memory_space<hbm>> -> memref<128x128xf32, #tpu.memory_space<hbm>>
      tpu.wait_dma2 semaphore(%arg10 : memref<!tpu.dma_semaphore, #tpu.memory_space<semaphore_mem>>) src(%dma_wait3A_194 : memref<128x128xf32, #tpu.memory_space<hbm>>) dst(%arg8 : memref<128x128xf32, #tpu.memory_space<vmem>>)
      %dma_start3A_195 = arith.constant 6 : i32
      %dma_start3A_196 = arith.constant 0 : i32
      %dma_start3A_197 = tpu.memref_slice %arg7[%dma_start3A_195, %dma_start3A_196] : memref<16x128xi32, #tpu.memory_space<vmem>> -> memref<1x128xi32, #tpu.memory_space<vmem>>
      %dma_start3A_198 = tpu.memref_squeeze %dma_start3A_197 : memref<1x128xi32, #tpu.memory_space<vmem>> -> memref<128xi32, #tpu.memory_space<vmem>>
      %dma_start3A_199 = arith.constant 0 : i32
      %dma_start3A_200 = arith.constant 0 : i32
      %dma_start3A_201 = tpu.memref_slice %arg14[%dma_start3A_199, %dma_start3A_200] : memref<10240x128xf32, #tpu.memory_space<vmem_shared>> -> memref<10240x128xf32, #tpu.memory_space<vmem_shared>>
      tpu.enqueue_indirect_dma source(%arg8 : memref<128x128xf32, #tpu.memory_space<vmem>>) target(%dma_start3A_201 : memref<10240x128xf32, #tpu.memory_space<vmem_shared>>) offsets(%dma_start3A_198 : memref<128xi32, #tpu.memory_space<vmem>>) semaphore(%arg12 : memref<!tpu.dma_semaphore, #tpu.memory_space<semaphore_mem>>) {add = true}
      %dma_wait3A_202 = arith.constant 0 : i32
      %dma_wait3A_203 = arith.constant 0 : i32
      %dma_wait3A_204 = tpu.memref_slice %arg14[%dma_wait3A_202, %dma_wait3A_203] : memref<10240x128xf32, #tpu.memory_space<vmem_shared>> -> memref<128x128xf32, #tpu.memory_space<vmem_shared>>
      %dma_wait3A_205 = arith.constant 0 : i32
      %dma_wait3A_206 = arith.constant 0 : i32
      %dma_wait3A_207 = tpu.memref_slice %arg14[%dma_wait3A_205, %dma_wait3A_206] : memref<10240x128xf32, #tpu.memory_space<vmem_shared>> -> memref<128x128xf32, #tpu.memory_space<vmem_shared>>
      tpu.wait_dma2 semaphore(%arg12 : memref<!tpu.dma_semaphore, #tpu.memory_space<semaphore_mem>>) src(%arg8 : memref<128x128xf32, #tpu.memory_space<vmem>>) dst(%dma_wait3A_207 : memref<128x128xf32, #tpu.memory_space<vmem_shared>>)
      %dma_start3A_208 = arith.constant 8 : i32
      %dma_start3A_209 = arith.constant 0 : i32
      %dma_start3A_210 = tpu.memref_slice %arg6[%dma_start3A_208, %dma_start3A_209] : memref<16x128xi32, #tpu.memory_space<vmem>> -> memref<1x128xi32, #tpu.memory_space<vmem>>
      %dma_start3A_211 = tpu.memref_squeeze %dma_start3A_210 : memref<1x128xi32, #tpu.memory_space<vmem>> -> memref<128xi32, #tpu.memory_space<vmem>>
      %dma_start3A_212 = arith.constant 0 : i32
      %dma_start3A_213 = arith.constant 0 : i32
      %dma_start3A_214 = tpu.memref_slice %arg2[%dma_start3A_212, %dma_start3A_213] : memref<20480x128xf32, #tpu.memory_space<hbm>> -> memref<20480x128xf32, #tpu.memory_space<hbm>>
      tpu.enqueue_indirect_dma source(%dma_start3A_214 : memref<20480x128xf32, #tpu.memory_space<hbm>>) target(%arg8 : memref<128x128xf32, #tpu.memory_space<vmem>>) offsets(%dma_start3A_211 : memref<128xi32, #tpu.memory_space<vmem>>) semaphore(%arg10 : memref<!tpu.dma_semaphore, #tpu.memory_space<semaphore_mem>>)
      %dma_wait3A_215 = arith.constant 0 : i32
      %dma_wait3A_216 = arith.constant 0 : i32
      %dma_wait3A_217 = tpu.memref_slice %arg2[%dma_wait3A_215, %dma_wait3A_216] : memref<20480x128xf32, #tpu.memory_space<hbm>> -> memref<128x128xf32, #tpu.memory_space<hbm>>
      %dma_wait3A_218 = arith.constant 0 : i32
      %dma_wait3A_219 = arith.constant 0 : i32
      %dma_wait3A_220 = tpu.memref_slice %arg2[%dma_wait3A_218, %dma_wait3A_219] : memref<20480x128xf32, #tpu.memory_space<hbm>> -> memref<128x128xf32, #tpu.memory_space<hbm>>
      tpu.wait_dma2 semaphore(%arg11 : memref<!tpu.dma_semaphore, #tpu.memory_space<semaphore_mem>>) src(%dma_wait3A_220 : memref<128x128xf32, #tpu.memory_space<hbm>>) dst(%arg9 : memref<128x128xf32, #tpu.memory_space<vmem>>)
      %dma_start3A_221 = arith.constant 7 : i32
      %dma_start3A_222 = arith.constant 0 : i32
      %dma_start3A_223 = tpu.memref_slice %arg7[%dma_start3A_221, %dma_start3A_222] : memref<16x128xi32, #tpu.memory_space<vmem>> -> memref<1x128xi32, #tpu.memory_space<vmem>>
      %dma_start3A_224 = tpu.memref_squeeze %dma_start3A_223 : memref<1x128xi32, #tpu.memory_space<vmem>> -> memref<128xi32, #tpu.memory_space<vmem>>
      %dma_start3A_225 = arith.constant 0 : i32
      %dma_start3A_226 = arith.constant 0 : i32
      %dma_start3A_227 = tpu.memref_slice %arg14[%dma_start3A_225, %dma_start3A_226] : memref<10240x128xf32, #tpu.memory_space<vmem_shared>> -> memref<10240x128xf32, #tpu.memory_space<vmem_shared>>
      tpu.enqueue_indirect_dma source(%arg9 : memref<128x128xf32, #tpu.memory_space<vmem>>) target(%dma_start3A_227 : memref<10240x128xf32, #tpu.memory_space<vmem_shared>>) offsets(%dma_start3A_224 : memref<128xi32, #tpu.memory_space<vmem>>) semaphore(%arg13 : memref<!tpu.dma_semaphore, #tpu.memory_space<semaphore_mem>>) {add = true}
      %dma_wait3A_228 = arith.constant 0 : i32
      %dma_wait3A_229 = arith.constant 0 : i32
      %dma_wait3A_230 = tpu.memref_slice %arg14[%dma_wait3A_228, %dma_wait3A_229] : memref<10240x128xf32, #tpu.memory_space<vmem_shared>> -> memref<128x128xf32, #tpu.memory_space<vmem_shared>>
      %dma_wait3A_231 = arith.constant 0 : i32
      %dma_wait3A_232 = arith.constant 0 : i32
      %dma_wait3A_233 = tpu.memref_slice %arg14[%dma_wait3A_231, %dma_wait3A_232] : memref<10240x128xf32, #tpu.memory_space<vmem_shared>> -> memref<128x128xf32, #tpu.memory_space<vmem_shared>>
      tpu.wait_dma2 semaphore(%arg13 : memref<!tpu.dma_semaphore, #tpu.memory_space<semaphore_mem>>) src(%arg9 : memref<128x128xf32, #tpu.memory_space<vmem>>) dst(%dma_wait3A_233 : memref<128x128xf32, #tpu.memory_space<vmem_shared>>)
      %dma_start3A_234 = arith.constant 9 : i32
      %dma_start3A_235 = arith.constant 0 : i32
      %dma_start3A_236 = tpu.memref_slice %arg6[%dma_start3A_234, %dma_start3A_235] : memref<16x128xi32, #tpu.memory_space<vmem>> -> memref<1x128xi32, #tpu.memory_space<vmem>>
      %dma_start3A_237 = tpu.memref_squeeze %dma_start3A_236 : memref<1x128xi32, #tpu.memory_space<vmem>> -> memref<128xi32, #tpu.memory_space<vmem>>
      %dma_start3A_238 = arith.constant 0 : i32
      %dma_start3A_239 = arith.constant 0 : i32
      %dma_start3A_240 = tpu.memref_slice %arg2[%dma_start3A_238, %dma_start3A_239] : memref<20480x128xf32, #tpu.memory_space<hbm>> -> memref<20480x128xf32, #tpu.memory_space<hbm>>
      tpu.enqueue_indirect_dma source(%dma_start3A_240 : memref<20480x128xf32, #tpu.memory_space<hbm>>) target(%arg9 : memref<128x128xf32, #tpu.memory_space<vmem>>) offsets(%dma_start3A_237 : memref<128xi32, #tpu.memory_space<vmem>>) semaphore(%arg11 : memref<!tpu.dma_semaphore, #tpu.memory_space<semaphore_mem>>)
      %dma_wait3A_241 = arith.constant 0 : i32
      %dma_wait3A_242 = arith.constant 0 : i32
      %dma_wait3A_243 = tpu.memref_slice %arg2[%dma_wait3A_241, %dma_wait3A_242] : memref<20480x128xf32, #tpu.memory_space<hbm>> -> memref<128x128xf32, #tpu.memory_space<hbm>>
      %dma_wait3A_244 = arith.constant 0 : i32
      %dma_wait3A_245 = arith.constant 0 : i32
      %dma_wait3A_246 = tpu.memref_slice %arg2[%dma_wait3A_244, %dma_wait3A_245] : memref<20480x128xf32, #tpu.memory_space<hbm>> -> memref<128x128xf32, #tpu.memory_space<hbm>>
      tpu.wait_dma2 semaphore(%arg10 : memref<!tpu.dma_semaphore, #tpu.memory_space<semaphore_mem>>) src(%dma_wait3A_246 : memref<128x128xf32, #tpu.memory_space<hbm>>) dst(%arg8 : memref<128x128xf32, #tpu.memory_space<vmem>>)
      %dma_start3A_247 = arith.constant 8 : i32
      %dma_start3A_248 = arith.constant 0 : i32
      %dma_start3A_249 = tpu.memref_slice %arg7[%dma_start3A_247, %dma_start3A_248] : memref<16x128xi32, #tpu.memory_space<vmem>> -> memref<1x128xi32, #tpu.memory_space<vmem>>
      %dma_start3A_250 = tpu.memref_squeeze %dma_start3A_249 : memref<1x128xi32, #tpu.memory_space<vmem>> -> memref<128xi32, #tpu.memory_space<vmem>>
      %dma_start3A_251 = arith.constant 0 : i32
      %dma_start3A_252 = arith.constant 0 : i32
      %dma_start3A_253 = tpu.memref_slice %arg14[%dma_start3A_251, %dma_start3A_252] : memref<10240x128xf32, #tpu.memory_space<vmem_shared>> -> memref<10240x128xf32, #tpu.memory_space<vmem_shared>>
      tpu.enqueue_indirect_dma source(%arg8 : memref<128x128xf32, #tpu.memory_space<vmem>>) target(%dma_start3A_253 : memref<10240x128xf32, #tpu.memory_space<vmem_shared>>) offsets(%dma_start3A_250 : memref<128xi32, #tpu.memory_space<vmem>>) semaphore(%arg12 : memref<!tpu.dma_semaphore, #tpu.memory_space<semaphore_mem>>) {add = true}
      %dma_wait3A_254 = arith.constant 0 : i32
      %dma_wait3A_255 = arith.constant 0 : i32
      %dma_wait3A_256 = tpu.memref_slice %arg14[%dma_wait3A_254, %dma_wait3A_255] : memref<10240x128xf32, #tpu.memory_space<vmem_shared>> -> memref<128x128xf32, #tpu.memory_space<vmem_shared>>
      %dma_wait3A_257 = arith.constant 0 : i32
      %dma_wait3A_258 = arith.constant 0 : i32
      %dma_wait3A_259 = tpu.memref_slice %arg14[%dma_wait3A_257, %dma_wait3A_258] : memref<10240x128xf32, #tpu.memory_space<vmem_shared>> -> memref<128x128xf32, #tpu.memory_space<vmem_shared>>
      tpu.wait_dma2 semaphore(%arg12 : memref<!tpu.dma_semaphore, #tpu.memory_space<semaphore_mem>>) src(%arg8 : memref<128x128xf32, #tpu.memory_space<vmem>>) dst(%dma_wait3A_259 : memref<128x128xf32, #tpu.memory_space<vmem_shared>>)
      %dma_start3A_260 = arith.constant 10 : i32
      %dma_start3A_261 = arith.constant 0 : i32
      %dma_start3A_262 = tpu.memref_slice %arg6[%dma_start3A_260, %dma_start3A_261] : memref<16x128xi32, #tpu.memory_space<vmem>> -> memref<1x128xi32, #tpu.memory_space<vmem>>
      %dma_start3A_263 = tpu.memref_squeeze %dma_start3A_262 : memref<1x128xi32, #tpu.memory_space<vmem>> -> memref<128xi32, #tpu.memory_space<vmem>>
      %dma_start3A_264 = arith.constant 0 : i32
      %dma_start3A_265 = arith.constant 0 : i32
      %dma_start3A_266 = tpu.memref_slice %arg2[%dma_start3A_264, %dma_start3A_265] : memref<20480x128xf32, #tpu.memory_space<hbm>> -> memref<20480x128xf32, #tpu.memory_space<hbm>>
      tpu.enqueue_indirect_dma source(%dma_start3A_266 : memref<20480x128xf32, #tpu.memory_space<hbm>>) target(%arg8 : memref<128x128xf32, #tpu.memory_space<vmem>>) offsets(%dma_start3A_263 : memref<128xi32, #tpu.memory_space<vmem>>) semaphore(%arg10 : memref<!tpu.dma_semaphore, #tpu.memory_space<semaphore_mem>>)
      %dma_wait3A_267 = arith.constant 0 : i32
      %dma_wait3A_268 = arith.constant 0 : i32
      %dma_wait3A_269 = tpu.memref_slice %arg2[%dma_wait3A_267, %dma_wait3A_268] : memref<20480x128xf32, #tpu.memory_space<hbm>> -> memref<128x128xf32, #tpu.memory_space<hbm>>
      %dma_wait3A_270 = arith.constant 0 : i32
      %dma_wait3A_271 = arith.constant 0 : i32
      %dma_wait3A_272 = tpu.memref_slice %arg2[%dma_wait3A_270, %dma_wait3A_271] : memref<20480x128xf32, #tpu.memory_space<hbm>> -> memref<128x128xf32, #tpu.memory_space<hbm>>
      tpu.wait_dma2 semaphore(%arg11 : memref<!tpu.dma_semaphore, #tpu.memory_space<semaphore_mem>>) src(%dma_wait3A_272 : memref<128x128xf32, #tpu.memory_space<hbm>>) dst(%arg9 : memref<128x128xf32, #tpu.memory_space<vmem>>)
      %dma_start3A_273 = arith.constant 9 : i32
      %dma_start3A_274 = arith.constant 0 : i32
      %dma_start3A_275 = tpu.memref_slice %arg7[%dma_start3A_273, %dma_start3A_274] : memref<16x128xi32, #tpu.memory_space<vmem>> -> memref<1x128xi32, #tpu.memory_space<vmem>>
      %dma_start3A_276 = tpu.memref_squeeze %dma_start3A_275 : memref<1x128xi32, #tpu.memory_space<vmem>> -> memref<128xi32, #tpu.memory_space<vmem>>
      %dma_start3A_277 = arith.constant 0 : i32
      %dma_start3A_278 = arith.constant 0 : i32
      %dma_start3A_279 = tpu.memref_slice %arg14[%dma_start3A_277, %dma_start3A_278] : memref<10240x128xf32, #tpu.memory_space<vmem_shared>> -> memref<10240x128xf32, #tpu.memory_space<vmem_shared>>
      tpu.enqueue_indirect_dma source(%arg9 : memref<128x128xf32, #tpu.memory_space<vmem>>) target(%dma_start3A_279 : memref<10240x128xf32, #tpu.memory_space<vmem_shared>>) offsets(%dma_start3A_276 : memref<128xi32, #tpu.memory_space<vmem>>) semaphore(%arg13 : memref<!tpu.dma_semaphore, #tpu.memory_space<semaphore_mem>>) {add = true}
      %dma_wait3A_280 = arith.constant 0 : i32
      %dma_wait3A_281 = arith.constant 0 : i32
      %dma_wait3A_282 = tpu.memref_slice %arg14[%dma_wait3A_280, %dma_wait3A_281] : memref<10240x128xf32, #tpu.memory_space<vmem_shared>> -> memref<128x128xf32, #tpu.memory_space<vmem_shared>>
      %dma_wait3A_283 = arith.constant 0 : i32
      %dma_wait3A_284 = arith.constant 0 : i32
      %dma_wait3A_285 = tpu.memref_slice %arg14[%dma_wait3A_283, %dma_wait3A_284] : memref<10240x128xf32, #tpu.memory_space<vmem_shared>> -> memref<128x128xf32, #tpu.memory_space<vmem_shared>>
      tpu.wait_dma2 semaphore(%arg13 : memref<!tpu.dma_semaphore, #tpu.memory_space<semaphore_mem>>) src(%arg9 : memref<128x128xf32, #tpu.memory_space<vmem>>) dst(%dma_wait3A_285 : memref<128x128xf32, #tpu.memory_space<vmem_shared>>)
      %dma_start3A_286 = arith.constant 11 : i32
      %dma_start3A_287 = arith.constant 0 : i32
      %dma_start3A_288 = tpu.memref_slice %arg6[%dma_start3A_286, %dma_start3A_287] : memref<16x128xi32, #tpu.memory_space<vmem>> -> memref<1x128xi32, #tpu.memory_space<vmem>>
      %dma_start3A_289 = tpu.memref_squeeze %dma_start3A_288 : memref<1x128xi32, #tpu.memory_space<vmem>> -> memref<128xi32, #tpu.memory_space<vmem>>
      %dma_start3A_290 = arith.constant 0 : i32
      %dma_start3A_291 = arith.constant 0 : i32
      %dma_start3A_292 = tpu.memref_slice %arg2[%dma_start3A_290, %dma_start3A_291] : memref<20480x128xf32, #tpu.memory_space<hbm>> -> memref<20480x128xf32, #tpu.memory_space<hbm>>
      tpu.enqueue_indirect_dma source(%dma_start3A_292 : memref<20480x128xf32, #tpu.memory_space<hbm>>) target(%arg9 : memref<128x128xf32, #tpu.memory_space<vmem>>) offsets(%dma_start3A_289 : memref<128xi32, #tpu.memory_space<vmem>>) semaphore(%arg11 : memref<!tpu.dma_semaphore, #tpu.memory_space<semaphore_mem>>)
      %dma_wait3A_293 = arith.constant 0 : i32
      %dma_wait3A_294 = arith.constant 0 : i32
      %dma_wait3A_295 = tpu.memref_slice %arg2[%dma_wait3A_293, %dma_wait3A_294] : memref<20480x128xf32, #tpu.memory_space<hbm>> -> memref<128x128xf32, #tpu.memory_space<hbm>>
      %dma_wait3A_296 = arith.constant 0 : i32
      %dma_wait3A_297 = arith.constant 0 : i32
      %dma_wait3A_298 = tpu.memref_slice %arg2[%dma_wait3A_296, %dma_wait3A_297] : memref<20480x128xf32, #tpu.memory_space<hbm>> -> memref<128x128xf32, #tpu.memory_space<hbm>>
      tpu.wait_dma2 semaphore(%arg10 : memref<!tpu.dma_semaphore, #tpu.memory_space<semaphore_mem>>) src(%dma_wait3A_298 : memref<128x128xf32, #tpu.memory_space<hbm>>) dst(%arg8 : memref<128x128xf32, #tpu.memory_space<vmem>>)
      %dma_start3A_299 = arith.constant 10 : i32
      %dma_start3A_300 = arith.constant 0 : i32
      %dma_start3A_301 = tpu.memref_slice %arg7[%dma_start3A_299, %dma_start3A_300] : memref<16x128xi32, #tpu.memory_space<vmem>> -> memref<1x128xi32, #tpu.memory_space<vmem>>
      %dma_start3A_302 = tpu.memref_squeeze %dma_start3A_301 : memref<1x128xi32, #tpu.memory_space<vmem>> -> memref<128xi32, #tpu.memory_space<vmem>>
      %dma_start3A_303 = arith.constant 0 : i32
      %dma_start3A_304 = arith.constant 0 : i32
      %dma_start3A_305 = tpu.memref_slice %arg14[%dma_start3A_303, %dma_start3A_304] : memref<10240x128xf32, #tpu.memory_space<vmem_shared>> -> memref<10240x128xf32, #tpu.memory_space<vmem_shared>>
      tpu.enqueue_indirect_dma source(%arg8 : memref<128x128xf32, #tpu.memory_space<vmem>>) target(%dma_start3A_305 : memref<10240x128xf32, #tpu.memory_space<vmem_shared>>) offsets(%dma_start3A_302 : memref<128xi32, #tpu.memory_space<vmem>>) semaphore(%arg12 : memref<!tpu.dma_semaphore, #tpu.memory_space<semaphore_mem>>) {add = true}
      %dma_wait3A_306 = arith.constant 0 : i32
      %dma_wait3A_307 = arith.constant 0 : i32
      %dma_wait3A_308 = tpu.memref_slice %arg14[%dma_wait3A_306, %dma_wait3A_307] : memref<10240x128xf32, #tpu.memory_space<vmem_shared>> -> memref<128x128xf32, #tpu.memory_space<vmem_shared>>
      %dma_wait3A_309 = arith.constant 0 : i32
      %dma_wait3A_310 = arith.constant 0 : i32
      %dma_wait3A_311 = tpu.memref_slice %arg14[%dma_wait3A_309, %dma_wait3A_310] : memref<10240x128xf32, #tpu.memory_space<vmem_shared>> -> memref<128x128xf32, #tpu.memory_space<vmem_shared>>
      tpu.wait_dma2 semaphore(%arg12 : memref<!tpu.dma_semaphore, #tpu.memory_space<semaphore_mem>>) src(%arg8 : memref<128x128xf32, #tpu.memory_space<vmem>>) dst(%dma_wait3A_311 : memref<128x128xf32, #tpu.memory_space<vmem_shared>>)
      %dma_start3A_312 = arith.constant 12 : i32
      %dma_start3A_313 = arith.constant 0 : i32
      %dma_start3A_314 = tpu.memref_slice %arg6[%dma_start3A_312, %dma_start3A_313] : memref<16x128xi32, #tpu.memory_space<vmem>> -> memref<1x128xi32, #tpu.memory_space<vmem>>
      %dma_start3A_315 = tpu.memref_squeeze %dma_start3A_314 : memref<1x128xi32, #tpu.memory_space<vmem>> -> memref<128xi32, #tpu.memory_space<vmem>>
      %dma_start3A_316 = arith.constant 0 : i32
      %dma_start3A_317 = arith.constant 0 : i32
      %dma_start3A_318 = tpu.memref_slice %arg2[%dma_start3A_316, %dma_start3A_317] : memref<20480x128xf32, #tpu.memory_space<hbm>> -> memref<20480x128xf32, #tpu.memory_space<hbm>>
      tpu.enqueue_indirect_dma source(%dma_start3A_318 : memref<20480x128xf32, #tpu.memory_space<hbm>>) target(%arg8 : memref<128x128xf32, #tpu.memory_space<vmem>>) offsets(%dma_start3A_315 : memref<128xi32, #tpu.memory_space<vmem>>) semaphore(%arg10 : memref<!tpu.dma_semaphore, #tpu.memory_space<semaphore_mem>>)
      %dma_wait3A_319 = arith.constant 0 : i32
      %dma_wait3A_320 = arith.constant 0 : i32
      %dma_wait3A_321 = tpu.memref_slice %arg2[%dma_wait3A_319, %dma_wait3A_320] : memref<20480x128xf32, #tpu.memory_space<hbm>> -> memref<128x128xf32, #tpu.memory_space<hbm>>
      %dma_wait3A_322 = arith.constant 0 : i32
      %dma_wait3A_323 = arith.constant 0 : i32
      %dma_wait3A_324 = tpu.memref_slice %arg2[%dma_wait3A_322, %dma_wait3A_323] : memref<20480x128xf32, #tpu.memory_space<hbm>> -> memref<128x128xf32, #tpu.memory_space<hbm>>
      tpu.wait_dma2 semaphore(%arg11 : memref<!tpu.dma_semaphore, #tpu.memory_space<semaphore_mem>>) src(%dma_wait3A_324 : memref<128x128xf32, #tpu.memory_space<hbm>>) dst(%arg9 : memref<128x128xf32, #tpu.memory_space<vmem>>)
      %dma_start3A_325 = arith.constant 11 : i32
      %dma_start3A_326 = arith.constant 0 : i32
      %dma_start3A_327 = tpu.memref_slice %arg7[%dma_start3A_325, %dma_start3A_326] : memref<16x128xi32, #tpu.memory_space<vmem>> -> memref<1x128xi32, #tpu.memory_space<vmem>>
      %dma_start3A_328 = tpu.memref_squeeze %dma_start3A_327 : memref<1x128xi32, #tpu.memory_space<vmem>> -> memref<128xi32, #tpu.memory_space<vmem>>
      %dma_start3A_329 = arith.constant 0 : i32
      %dma_start3A_330 = arith.constant 0 : i32
      %dma_start3A_331 = tpu.memref_slice %arg14[%dma_start3A_329, %dma_start3A_330] : memref<10240x128xf32, #tpu.memory_space<vmem_shared>> -> memref<10240x128xf32, #tpu.memory_space<vmem_shared>>
      tpu.enqueue_indirect_dma source(%arg9 : memref<128x128xf32, #tpu.memory_space<vmem>>) target(%dma_start3A_331 : memref<10240x128xf32, #tpu.memory_space<vmem_shared>>) offsets(%dma_start3A_328 : memref<128xi32, #tpu.memory_space<vmem>>) semaphore(%arg13 : memref<!tpu.dma_semaphore, #tpu.memory_space<semaphore_mem>>) {add = true}
      %dma_wait3A_332 = arith.constant 0 : i32
      %dma_wait3A_333 = arith.constant 0 : i32
      %dma_wait3A_334 = tpu.memref_slice %arg14[%dma_wait3A_332, %dma_wait3A_333] : memref<10240x128xf32, #tpu.memory_space<vmem_shared>> -> memref<128x128xf32, #tpu.memory_space<vmem_shared>>
      %dma_wait3A_335 = arith.constant 0 : i32
      %dma_wait3A_336 = arith.constant 0 : i32
      %dma_wait3A_337 = tpu.memref_slice %arg14[%dma_wait3A_335, %dma_wait3A_336] : memref<10240x128xf32, #tpu.memory_space<vmem_shared>> -> memref<128x128xf32, #tpu.memory_space<vmem_shared>>
      tpu.wait_dma2 semaphore(%arg13 : memref<!tpu.dma_semaphore, #tpu.memory_space<semaphore_mem>>) src(%arg9 : memref<128x128xf32, #tpu.memory_space<vmem>>) dst(%dma_wait3A_337 : memref<128x128xf32, #tpu.memory_space<vmem_shared>>)
      %dma_start3A_338 = arith.constant 13 : i32
      %dma_start3A_339 = arith.constant 0 : i32
      %dma_start3A_340 = tpu.memref_slice %arg6[%dma_start3A_338, %dma_start3A_339] : memref<16x128xi32, #tpu.memory_space<vmem>> -> memref<1x128xi32, #tpu.memory_space<vmem>>
      %dma_start3A_341 = tpu.memref_squeeze %dma_start3A_340 : memref<1x128xi32, #tpu.memory_space<vmem>> -> memref<128xi32, #tpu.memory_space<vmem>>
      %dma_start3A_342 = arith.constant 0 : i32
      %dma_start3A_343 = arith.constant 0 : i32
      %dma_start3A_344 = tpu.memref_slice %arg2[%dma_start3A_342, %dma_start3A_343] : memref<20480x128xf32, #tpu.memory_space<hbm>> -> memref<20480x128xf32, #tpu.memory_space<hbm>>
      tpu.enqueue_indirect_dma source(%dma_start3A_344 : memref<20480x128xf32, #tpu.memory_space<hbm>>) target(%arg9 : memref<128x128xf32, #tpu.memory_space<vmem>>) offsets(%dma_start3A_341 : memref<128xi32, #tpu.memory_space<vmem>>) semaphore(%arg11 : memref<!tpu.dma_semaphore, #tpu.memory_space<semaphore_mem>>)
      %dma_wait3A_345 = arith.constant 0 : i32
      %dma_wait3A_346 = arith.constant 0 : i32
      %dma_wait3A_347 = tpu.memref_slice %arg2[%dma_wait3A_345, %dma_wait3A_346] : memref<20480x128xf32, #tpu.memory_space<hbm>> -> memref<128x128xf32, #tpu.memory_space<hbm>>
      %dma_wait3A_348 = arith.constant 0 : i32
      %dma_wait3A_349 = arith.constant 0 : i32
      %dma_wait3A_350 = tpu.memref_slice %arg2[%dma_wait3A_348, %dma_wait3A_349] : memref<20480x128xf32, #tpu.memory_space<hbm>> -> memref<128x128xf32, #tpu.memory_space<hbm>>
      tpu.wait_dma2 semaphore(%arg10 : memref<!tpu.dma_semaphore, #tpu.memory_space<semaphore_mem>>) src(%dma_wait3A_350 : memref<128x128xf32, #tpu.memory_space<hbm>>) dst(%arg8 : memref<128x128xf32, #tpu.memory_space<vmem>>)
      %dma_start3A_351 = arith.constant 12 : i32
      %dma_start3A_352 = arith.constant 0 : i32
      %dma_start3A_353 = tpu.memref_slice %arg7[%dma_start3A_351, %dma_start3A_352] : memref<16x128xi32, #tpu.memory_space<vmem>> -> memref<1x128xi32, #tpu.memory_space<vmem>>
      %dma_start3A_354 = tpu.memref_squeeze %dma_start3A_353 : memref<1x128xi32, #tpu.memory_space<vmem>> -> memref<128xi32, #tpu.memory_space<vmem>>
      %dma_start3A_355 = arith.constant 0 : i32
      %dma_start3A_356 = arith.constant 0 : i32
      %dma_start3A_357 = tpu.memref_slice %arg14[%dma_start3A_355, %dma_start3A_356] : memref<10240x128xf32, #tpu.memory_space<vmem_shared>> -> memref<10240x128xf32, #tpu.memory_space<vmem_shared>>
      tpu.enqueue_indirect_dma source(%arg8 : memref<128x128xf32, #tpu.memory_space<vmem>>) target(%dma_start3A_357 : memref<10240x128xf32, #tpu.memory_space<vmem_shared>>) offsets(%dma_start3A_354 : memref<128xi32, #tpu.memory_space<vmem>>) semaphore(%arg12 : memref<!tpu.dma_semaphore, #tpu.memory_space<semaphore_mem>>) {add = true}
      %dma_wait3A_358 = arith.constant 0 : i32
      %dma_wait3A_359 = arith.constant 0 : i32
      %dma_wait3A_360 = tpu.memref_slice %arg14[%dma_wait3A_358, %dma_wait3A_359] : memref<10240x128xf32, #tpu.memory_space<vmem_shared>> -> memref<128x128xf32, #tpu.memory_space<vmem_shared>>
      %dma_wait3A_361 = arith.constant 0 : i32
      %dma_wait3A_362 = arith.constant 0 : i32
      %dma_wait3A_363 = tpu.memref_slice %arg14[%dma_wait3A_361, %dma_wait3A_362] : memref<10240x128xf32, #tpu.memory_space<vmem_shared>> -> memref<128x128xf32, #tpu.memory_space<vmem_shared>>
      tpu.wait_dma2 semaphore(%arg12 : memref<!tpu.dma_semaphore, #tpu.memory_space<semaphore_mem>>) src(%arg8 : memref<128x128xf32, #tpu.memory_space<vmem>>) dst(%dma_wait3A_363 : memref<128x128xf32, #tpu.memory_space<vmem_shared>>)
      %dma_start3A_364 = arith.constant 14 : i32
      %dma_start3A_365 = arith.constant 0 : i32
      %dma_start3A_366 = tpu.memref_slice %arg6[%dma_start3A_364, %dma_start3A_365] : memref<16x128xi32, #tpu.memory_space<vmem>> -> memref<1x128xi32, #tpu.memory_space<vmem>>
      %dma_start3A_367 = tpu.memref_squeeze %dma_start3A_366 : memref<1x128xi32, #tpu.memory_space<vmem>> -> memref<128xi32, #tpu.memory_space<vmem>>
      %dma_start3A_368 = arith.constant 0 : i32
      %dma_start3A_369 = arith.constant 0 : i32
      %dma_start3A_370 = tpu.memref_slice %arg2[%dma_start3A_368, %dma_start3A_369] : memref<20480x128xf32, #tpu.memory_space<hbm>> -> memref<20480x128xf32, #tpu.memory_space<hbm>>
      tpu.enqueue_indirect_dma source(%dma_start3A_370 : memref<20480x128xf32, #tpu.memory_space<hbm>>) target(%arg8 : memref<128x128xf32, #tpu.memory_space<vmem>>) offsets(%dma_start3A_367 : memref<128xi32, #tpu.memory_space<vmem>>) semaphore(%arg10 : memref<!tpu.dma_semaphore, #tpu.memory_space<semaphore_mem>>)
      %dma_wait3A_371 = arith.constant 0 : i32
      %dma_wait3A_372 = arith.constant 0 : i32
      %dma_wait3A_373 = tpu.memref_slice %arg2[%dma_wait3A_371, %dma_wait3A_372] : memref<20480x128xf32, #tpu.memory_space<hbm>> -> memref<128x128xf32, #tpu.memory_space<hbm>>
      %dma_wait3A_374 = arith.constant 0 : i32
      %dma_wait3A_375 = arith.constant 0 : i32
      %dma_wait3A_376 = tpu.memref_slice %arg2[%dma_wait3A_374, %dma_wait3A_375] : memref<20480x128xf32, #tpu.memory_space<hbm>> -> memref<128x128xf32, #tpu.memory_space<hbm>>
      tpu.wait_dma2 semaphore(%arg11 : memref<!tpu.dma_semaphore, #tpu.memory_space<semaphore_mem>>) src(%dma_wait3A_376 : memref<128x128xf32, #tpu.memory_space<hbm>>) dst(%arg9 : memref<128x128xf32, #tpu.memory_space<vmem>>)
      %dma_start3A_377 = arith.constant 13 : i32
      %dma_start3A_378 = arith.constant 0 : i32
      %dma_start3A_379 = tpu.memref_slice %arg7[%dma_start3A_377, %dma_start3A_378] : memref<16x128xi32, #tpu.memory_space<vmem>> -> memref<1x128xi32, #tpu.memory_space<vmem>>
      %dma_start3A_380 = tpu.memref_squeeze %dma_start3A_379 : memref<1x128xi32, #tpu.memory_space<vmem>> -> memref<128xi32, #tpu.memory_space<vmem>>
      %dma_start3A_381 = arith.constant 0 : i32
      %dma_start3A_382 = arith.constant 0 : i32
      %dma_start3A_383 = tpu.memref_slice %arg14[%dma_start3A_381, %dma_start3A_382] : memref<10240x128xf32, #tpu.memory_space<vmem_shared>> -> memref<10240x128xf32, #tpu.memory_space<vmem_shared>>
      tpu.enqueue_indirect_dma source(%arg9 : memref<128x128xf32, #tpu.memory_space<vmem>>) target(%dma_start3A_383 : memref<10240x128xf32, #tpu.memory_space<vmem_shared>>) offsets(%dma_start3A_380 : memref<128xi32, #tpu.memory_space<vmem>>) semaphore(%arg13 : memref<!tpu.dma_semaphore, #tpu.memory_space<semaphore_mem>>) {add = true}
      %dma_wait3A_384 = arith.constant 0 : i32
      %dma_wait3A_385 = arith.constant 0 : i32
      %dma_wait3A_386 = tpu.memref_slice %arg14[%dma_wait3A_384, %dma_wait3A_385] : memref<10240x128xf32, #tpu.memory_space<vmem_shared>> -> memref<128x128xf32, #tpu.memory_space<vmem_shared>>
      %dma_wait3A_387 = arith.constant 0 : i32
      %dma_wait3A_388 = arith.constant 0 : i32
      %dma_wait3A_389 = tpu.memref_slice %arg14[%dma_wait3A_387, %dma_wait3A_388] : memref<10240x128xf32, #tpu.memory_space<vmem_shared>> -> memref<128x128xf32, #tpu.memory_space<vmem_shared>>
      tpu.wait_dma2 semaphore(%arg13 : memref<!tpu.dma_semaphore, #tpu.memory_space<semaphore_mem>>) src(%arg9 : memref<128x128xf32, #tpu.memory_space<vmem>>) dst(%dma_wait3A_389 : memref<128x128xf32, #tpu.memory_space<vmem_shared>>)
      %dma_start3A_390 = arith.constant 15 : i32
      %dma_start3A_391 = arith.constant 0 : i32
      %dma_start3A_392 = tpu.memref_slice %arg6[%dma_start3A_390, %dma_start3A_391] : memref<16x128xi32, #tpu.memory_space<vmem>> -> memref<1x128xi32, #tpu.memory_space<vmem>>
      %dma_start3A_393 = tpu.memref_squeeze %dma_start3A_392 : memref<1x128xi32, #tpu.memory_space<vmem>> -> memref<128xi32, #tpu.memory_space<vmem>>
      %dma_start3A_394 = arith.constant 0 : i32
      %dma_start3A_395 = arith.constant 0 : i32
      %dma_start3A_396 = tpu.memref_slice %arg2[%dma_start3A_394, %dma_start3A_395] : memref<20480x128xf32, #tpu.memory_space<hbm>> -> memref<20480x128xf32, #tpu.memory_space<hbm>>
      tpu.enqueue_indirect_dma source(%dma_start3A_396 : memref<20480x128xf32, #tpu.memory_space<hbm>>) target(%arg9 : memref<128x128xf32, #tpu.memory_space<vmem>>) offsets(%dma_start3A_393 : memref<128xi32, #tpu.memory_space<vmem>>) semaphore(%arg11 : memref<!tpu.dma_semaphore, #tpu.memory_space<semaphore_mem>>)
      %dma_wait3A_397 = arith.constant 0 : i32
      %dma_wait3A_398 = arith.constant 0 : i32
      %dma_wait3A_399 = tpu.memref_slice %arg2[%dma_wait3A_397, %dma_wait3A_398] : memref<20480x128xf32, #tpu.memory_space<hbm>> -> memref<128x128xf32, #tpu.memory_space<hbm>>
      %dma_wait3A_400 = arith.constant 0 : i32
      %dma_wait3A_401 = arith.constant 0 : i32
      %dma_wait3A_402 = tpu.memref_slice %arg2[%dma_wait3A_400, %dma_wait3A_401] : memref<20480x128xf32, #tpu.memory_space<hbm>> -> memref<128x128xf32, #tpu.memory_space<hbm>>
      tpu.wait_dma2 semaphore(%arg10 : memref<!tpu.dma_semaphore, #tpu.memory_space<semaphore_mem>>) src(%dma_wait3A_402 : memref<128x128xf32, #tpu.memory_space<hbm>>) dst(%arg8 : memref<128x128xf32, #tpu.memory_space<vmem>>)
      %dma_start3A_403 = arith.constant 14 : i32
      %dma_start3A_404 = arith.constant 0 : i32
      %dma_start3A_405 = tpu.memref_slice %arg7[%dma_start3A_403, %dma_start3A_404] : memref<16x128xi32, #tpu.memory_space<vmem>> -> memref<1x128xi32, #tpu.memory_space<vmem>>
      %dma_start3A_406 = tpu.memref_squeeze %dma_start3A_405 : memref<1x128xi32, #tpu.memory_space<vmem>> -> memref<128xi32, #tpu.memory_space<vmem>>
      %dma_start3A_407 = arith.constant 0 : i32
      %dma_start3A_408 = arith.constant 0 : i32
      %dma_start3A_409 = tpu.memref_slice %arg14[%dma_start3A_407, %dma_start3A_408] : memref<10240x128xf32, #tpu.memory_space<vmem_shared>> -> memref<10240x128xf32, #tpu.memory_space<vmem_shared>>
      tpu.enqueue_indirect_dma source(%arg8 : memref<128x128xf32, #tpu.memory_space<vmem>>) target(%dma_start3A_409 : memref<10240x128xf32, #tpu.memory_space<vmem_shared>>) offsets(%dma_start3A_406 : memref<128xi32, #tpu.memory_space<vmem>>) semaphore(%arg12 : memref<!tpu.dma_semaphore, #tpu.memory_space<semaphore_mem>>) {add = true}
      %dma_wait3A_410 = arith.constant 0 : i32
      %dma_wait3A_411 = arith.constant 0 : i32
      %dma_wait3A_412 = tpu.memref_slice %arg2[%dma_wait3A_410, %dma_wait3A_411] : memref<20480x128xf32, #tpu.memory_space<hbm>> -> memref<128x128xf32, #tpu.memory_space<hbm>>
      %dma_wait3A_413 = arith.constant 0 : i32
      %dma_wait3A_414 = arith.constant 0 : i32
      %dma_wait3A_415 = tpu.memref_slice %arg2[%dma_wait3A_413, %dma_wait3A_414] : memref<20480x128xf32, #tpu.memory_space<hbm>> -> memref<128x128xf32, #tpu.memory_space<hbm>>
      tpu.wait_dma2 semaphore(%arg11 : memref<!tpu.dma_semaphore, #tpu.memory_space<semaphore_mem>>) src(%dma_wait3A_415 : memref<128x128xf32, #tpu.memory_space<hbm>>) dst(%arg9 : memref<128x128xf32, #tpu.memory_space<vmem>>)
      %dma_start3A_416 = arith.constant 15 : i32
      %dma_start3A_417 = arith.constant 0 : i32
      %dma_start3A_418 = tpu.memref_slice %arg7[%dma_start3A_416, %dma_start3A_417] : memref<16x128xi32, #tpu.memory_space<vmem>> -> memref<1x128xi32, #tpu.memory_space<vmem>>
      %dma_start3A_419 = tpu.memref_squeeze %dma_start3A_418 : memref<1x128xi32, #tpu.memory_space<vmem>> -> memref<128xi32, #tpu.memory_space<vmem>>
      %dma_start3A_420 = arith.constant 0 : i32
      %dma_start3A_421 = arith.constant 0 : i32
      %dma_start3A_422 = tpu.memref_slice %arg14[%dma_start3A_420, %dma_start3A_421] : memref<10240x128xf32, #tpu.memory_space<vmem_shared>> -> memref<10240x128xf32, #tpu.memory_space<vmem_shared>>
      tpu.enqueue_indirect_dma source(%arg9 : memref<128x128xf32, #tpu.memory_space<vmem>>) target(%dma_start3A_422 : memref<10240x128xf32, #tpu.memory_space<vmem_shared>>) offsets(%dma_start3A_419 : memref<128xi32, #tpu.memory_space<vmem>>) semaphore(%arg13 : memref<!tpu.dma_semaphore, #tpu.memory_space<semaphore_mem>>) {add = true}
      %dma_wait3A_423 = arith.constant 0 : i32
      %dma_wait3A_424 = arith.constant 0 : i32
      %dma_wait3A_425 = tpu.memref_slice %arg14[%dma_wait3A_423, %dma_wait3A_424] : memref<10240x128xf32, #tpu.memory_space<vmem_shared>> -> memref<128x128xf32, #tpu.memory_space<vmem_shared>>
      %dma_wait3A_426 = arith.constant 0 : i32
      %dma_wait3A_427 = arith.constant 0 : i32
      %dma_wait3A_428 = tpu.memref_slice %arg14[%dma_wait3A_426, %dma_wait3A_427] : memref<10240x128xf32, #tpu.memory_space<vmem_shared>> -> memref<128x128xf32, #tpu.memory_space<vmem_shared>>
      tpu.wait_dma2 semaphore(%arg12 : memref<!tpu.dma_semaphore, #tpu.memory_space<semaphore_mem>>) src(%arg8 : memref<128x128xf32, #tpu.memory_space<vmem>>) dst(%dma_wait3A_428 : memref<128x128xf32, #tpu.memory_space<vmem_shared>>)
      %dma_wait3A_429 = arith.constant 0 : i32
      %dma_wait3A_430 = arith.constant 0 : i32
      %dma_wait3A_431 = tpu.memref_slice %arg14[%dma_wait3A_429, %dma_wait3A_430] : memref<10240x128xf32, #tpu.memory_space<vmem_shared>> -> memref<128x128xf32, #tpu.memory_space<vmem_shared>>
      %dma_wait3A_432 = arith.constant 0 : i32
      %dma_wait3A_433 = arith.constant 0 : i32
      %dma_wait3A_434 = tpu.memref_slice %arg14[%dma_wait3A_432, %dma_wait3A_433] : memref<10240x128xf32, #tpu.memory_space<vmem_shared>> -> memref<128x128xf32, #tpu.memory_space<vmem_shared>>
      tpu.wait_dma2 semaphore(%arg13 : memref<!tpu.dma_semaphore, #tpu.memory_space<semaphore_mem>>) src(%arg9 : memref<128x128xf32, #tpu.memory_space<vmem>>) dst(%dma_wait3A_434 : memref<128x128xf32, #tpu.memory_space<vmem_shared>>)
    }
    %scan3A_7 = arith.constant 5 : i32
    %barrier3A_8 = arith.constant 0 : index
    tpu.barrier barrier_id(%barrier3A_8)
    %mul3A_9 = arith.constant 10240 : i32
    %mul3A_10 = arith.muli %arg0, %mul3A_9 : i32
    %add3A_11 = arith.addi %mul3A_10, %mul3A_0 : i32
    "tpu.region"() ({
      %run_scoped3A = tpu.sem_alloc : memref<!tpu.dma_semaphore, #tpu.memory_space<semaphore_mem>>
      %dma_start3A = arith.constant 0 : i32
      %dma_start3A_12 = tpu.memref_slice %arg5[%add3A_11, %dma_start3A] : memref<20480x128xf32, #tpu.memory_space<hbm>> -> memref<640x128xf32, #tpu.memory_space<hbm>>
      %dma_start3A_13 = arith.constant 0 : i32
      %dma_start3A_14 = tpu.memref_slice %arg14[%mul3A_0, %dma_start3A_13] : memref<10240x128xf32, #tpu.memory_space<vmem_shared>> -> memref<640x128xf32, #tpu.memory_space<vmem_shared>>
      tpu.enqueue_dma source(%dma_start3A_14 : memref<640x128xf32, #tpu.memory_space<vmem_shared>>) target(%dma_start3A_12 : memref<640x128xf32, #tpu.memory_space<hbm>>) target_semaphore(%run_scoped3A : memref<!tpu.dma_semaphore, #tpu.memory_space<semaphore_mem>>)
      %dma_wait3A = arith.constant 0 : i32
      %dma_wait3A_15 = tpu.memref_slice %arg5[%add3A_11, %dma_wait3A] : memref<20480x128xf32, #tpu.memory_space<hbm>> -> memref<640x128xf32, #tpu.memory_space<hbm>>
      %dma_wait3A_16 = arith.constant 0 : i32
      %dma_wait3A_17 = tpu.memref_slice %arg14[%mul3A_0, %dma_wait3A_16] : memref<10240x128xf32, #tpu.memory_space<vmem_shared>> -> memref<640x128xf32, #tpu.memory_space<vmem_shared>>
      tpu.wait_dma2 semaphore(%run_scoped3A : memref<!tpu.dma_semaphore, #tpu.memory_space<semaphore_mem>>) src(%dma_wait3A_17 : memref<640x128xf32, #tpu.memory_space<vmem_shared>>) dst(%dma_wait3A_15 : memref<640x128xf32, #tpu.memory_space<hbm>>)
      tpu.yield
    }) : () -> ()
    return
  }
}

#map = affine_map<(d0, d1) -> (0, 0)>
module attributes {stable_mosaic.version = 14 : i64} {
  func.func @_deg_body(%arg0: i32, %arg1: i32, %arg2: memref<1280x128xi32, #tpu.memory_space<hbm>>, %arg3: memref<128x128xf32, #tpu.memory_space<hbm>>, %arg4: memref<10240x128xf32, #tpu.memory_space<hbm>>, %arg5: memref<20480x128xf32, #tpu.memory_space<hbm>>, %arg6: memref<40x128xi32, #tpu.memory_space<vmem>>, %arg7: memref<128x128xf32, #tpu.memory_space<vmem>>, %arg8: memref<10240x128xf32, #tpu.memory_space<vmem_shared>>) attributes {dimension_semantics = [#tpu.dimension_semantics<core_parallel>, #tpu.dimension_semantics<subcore_parallel>], iteration_bounds = array<i64: 2, 16>, scalar_prefetch = 0 : i64, scratch_operands = 3 : i64, tpu.core_type = #tpu.core_type<sc_vector_subcore>, window_params = [{transform_indices = #map}, {transform_indices = #map}, {transform_indices = #map}, {transform_indices = #map}]} {
    %mul3A = arith.constant 16 : i32
    %mul3A_0 = arith.muli %arg0, %mul3A : i32
    %add3A = arith.addi %mul3A_0, %arg1 : i32
    %mul3A_1 = arith.constant 640 : i32
    %mul3A_2 = arith.muli %arg1, %mul3A_1 : i32
    "tpu.region"() ({
      %run_scoped3A = tpu.sem_alloc : memref<!tpu.dma_semaphore, #tpu.memory_space<semaphore_mem>>
      %dma_start3A = arith.constant 0 : i32
      %dma_start3A_14 = tpu.memref_slice %arg8[%mul3A_2, %dma_start3A] : memref<10240x128xf32, #tpu.memory_space<vmem_shared>> -> memref<640x128xf32, #tpu.memory_space<vmem_shared>>
      %dma_start3A_15 = arith.constant 0 : i32
      %dma_start3A_16 = tpu.memref_slice %arg4[%mul3A_2, %dma_start3A_15] : memref<10240x128xf32, #tpu.memory_space<hbm>> -> memref<640x128xf32, #tpu.memory_space<hbm>>
      tpu.enqueue_dma source(%dma_start3A_16 : memref<640x128xf32, #tpu.memory_space<hbm>>) target(%dma_start3A_14 : memref<640x128xf32, #tpu.memory_space<vmem_shared>>) target_semaphore(%run_scoped3A : memref<!tpu.dma_semaphore, #tpu.memory_space<semaphore_mem>>)
      %dma_wait3A = arith.constant 0 : i32
      %dma_wait3A_17 = tpu.memref_slice %arg8[%mul3A_2, %dma_wait3A] : memref<10240x128xf32, #tpu.memory_space<vmem_shared>> -> memref<640x128xf32, #tpu.memory_space<vmem_shared>>
      %dma_wait3A_18 = arith.constant 0 : i32
      %dma_wait3A_19 = tpu.memref_slice %arg4[%mul3A_2, %dma_wait3A_18] : memref<10240x128xf32, #tpu.memory_space<hbm>> -> memref<640x128xf32, #tpu.memory_space<hbm>>
      tpu.wait_dma2 semaphore(%run_scoped3A : memref<!tpu.dma_semaphore, #tpu.memory_space<semaphore_mem>>) src(%dma_wait3A_19 : memref<640x128xf32, #tpu.memory_space<hbm>>) dst(%dma_wait3A_17 : memref<640x128xf32, #tpu.memory_space<vmem_shared>>)
      tpu.yield
    }) : () -> ()
    "tpu.region"() ({
      %run_scoped3A = tpu.sem_alloc : memref<!tpu.dma_semaphore, #tpu.memory_space<semaphore_mem>>
      tpu.enqueue_dma source(%arg3 : memref<128x128xf32, #tpu.memory_space<hbm>>) target(%arg7 : memref<128x128xf32, #tpu.memory_space<vmem>>) target_semaphore(%run_scoped3A : memref<!tpu.dma_semaphore, #tpu.memory_space<semaphore_mem>>)
      tpu.wait_dma2 semaphore(%run_scoped3A : memref<!tpu.dma_semaphore, #tpu.memory_space<semaphore_mem>>) src(%arg3 : memref<128x128xf32, #tpu.memory_space<hbm>>) dst(%arg7 : memref<128x128xf32, #tpu.memory_space<vmem>>)
      tpu.yield
    }) : () -> ()
    %mul3A_3 = arith.constant 40 : i32
    %mul3A_4 = arith.muli %add3A, %mul3A_3 : i32
    "tpu.region"() ({
      %run_scoped3A = tpu.sem_alloc : memref<!tpu.dma_semaphore, #tpu.memory_space<semaphore_mem>>
      %dma_start3A = arith.constant 0 : i32
      %dma_start3A_14 = tpu.memref_slice %arg2[%mul3A_4, %dma_start3A] : memref<1280x128xi32, #tpu.memory_space<hbm>> -> memref<40x128xi32, #tpu.memory_space<hbm>>
      %dma_start3A_15 = arith.constant 0 : i32
      %dma_start3A_16 = tpu.memref_slice %arg2[%mul3A_4, %dma_start3A_15] : memref<1280x128xi32, #tpu.memory_space<hbm>> -> memref<40x128xi32, #tpu.memory_space<hbm>>
      tpu.enqueue_dma source(%dma_start3A_16 : memref<40x128xi32, #tpu.memory_space<hbm>>) target(%arg6 : memref<40x128xi32, #tpu.memory_space<vmem>>) target_semaphore(%run_scoped3A : memref<!tpu.dma_semaphore, #tpu.memory_space<semaphore_mem>>)
      %dma_wait3A = arith.constant 0 : i32
      %dma_wait3A_17 = tpu.memref_slice %arg2[%mul3A_4, %dma_wait3A] : memref<1280x128xi32, #tpu.memory_space<hbm>> -> memref<40x128xi32, #tpu.memory_space<hbm>>
      %dma_wait3A_18 = arith.constant 0 : i32
      %dma_wait3A_19 = tpu.memref_slice %arg2[%mul3A_4, %dma_wait3A_18] : memref<1280x128xi32, #tpu.memory_space<hbm>> -> memref<40x128xi32, #tpu.memory_space<hbm>>
      tpu.wait_dma2 semaphore(%run_scoped3A : memref<!tpu.dma_semaphore, #tpu.memory_space<semaphore_mem>>) src(%dma_wait3A_19 : memref<40x128xi32, #tpu.memory_space<hbm>>) dst(%arg6 : memref<40x128xi32, #tpu.memory_space<vmem>>)
      tpu.yield
    }) : () -> ()
    %barrier3A = arith.constant 0 : index
    tpu.barrier barrier_id(%barrier3A)
    %scan3A = arith.constant 0 : i32
    %scan3A_5 = arith.constant 0 : i32
    %scan3A_6 = arith.constant 40 : i32
    %scan3A_7 = arith.addi %scan3A_5, %scan3A_6 : i32
    %scan3A_8 = arith.constant 1 : i32
    scf.for %scan3A_14 = %scan3A_5 to %scan3A_7 step %scan3A_8  : i32 {
      "tpu.region"() ({
        %run_scoped3A = tpu.sem_alloc : memref<!tpu.dma_semaphore, #tpu.memory_space<semaphore_mem>>
        %dma_start3A = arith.constant 0 : i32
        %dma_start3A_15 = tpu.memref_slice %arg6[%scan3A_14, %dma_start3A] : memref<40x128xi32, #tpu.memory_space<vmem>> -> memref<1x128xi32, #tpu.memory_space<vmem>>
        %dma_start3A_16 = tpu.memref_squeeze %dma_start3A_15 : memref<1x128xi32, #tpu.memory_space<vmem>> -> memref<128xi32, #tpu.memory_space<vmem>>
        %dma_start3A_17 = arith.constant 0 : i32
        %dma_start3A_18 = arith.constant 0 : i32
        %dma_start3A_19 = tpu.memref_slice %arg8[%dma_start3A_17, %dma_start3A_18] : memref<10240x128xf32, #tpu.memory_space<vmem_shared>> -> memref<10240x128xf32, #tpu.memory_space<vmem_shared>>
        tpu.enqueue_indirect_dma source(%arg7 : memref<128x128xf32, #tpu.memory_space<vmem>>) target(%dma_start3A_19 : memref<10240x128xf32, #tpu.memory_space<vmem_shared>>) offsets(%dma_start3A_16 : memref<128xi32, #tpu.memory_space<vmem>>) semaphore(%run_scoped3A : memref<!tpu.dma_semaphore, #tpu.memory_space<semaphore_mem>>) {add = true}
        %dma_wait3A = arith.constant 0 : i32
        %dma_wait3A_20 = tpu.memref_slice %arg6[%scan3A_14, %dma_wait3A] : memref<40x128xi32, #tpu.memory_space<vmem>> -> memref<1x128xi32, #tpu.memory_space<vmem>>
        %dma_wait3A_21 = tpu.memref_squeeze %dma_wait3A_20 : memref<1x128xi32, #tpu.memory_space<vmem>> -> memref<128xi32, #tpu.memory_space<vmem>>
        %dma_wait3A_22 = arith.constant 0 : i32
        %dma_wait3A_23 = arith.constant 0 : i32
        %dma_wait3A_24 = tpu.memref_slice %arg8[%dma_wait3A_22, %dma_wait3A_23] : memref<10240x128xf32, #tpu.memory_space<vmem_shared>> -> memref<10240x128xf32, #tpu.memory_space<vmem_shared>>
        tpu.wait_indirect_dma semaphore(%run_scoped3A : memref<!tpu.dma_semaphore, #tpu.memory_space<semaphore_mem>>) src(%arg7 : memref<128x128xf32, #tpu.memory_space<vmem>>) dst(%dma_wait3A_24 : memref<10240x128xf32, #tpu.memory_space<vmem_shared>>)
        tpu.yield
      }) : () -> ()
    }
    %scan3A_9 = arith.constant 40 : i32
    %barrier3A_10 = arith.constant 0 : index
    tpu.barrier barrier_id(%barrier3A_10)
    %mul3A_11 = arith.constant 10240 : i32
    %mul3A_12 = arith.muli %arg0, %mul3A_11 : i32
    %add3A_13 = arith.addi %mul3A_12, %mul3A_2 : i32
    "tpu.region"() ({
      %run_scoped3A = tpu.sem_alloc : memref<!tpu.dma_semaphore, #tpu.memory_space<semaphore_mem>>
      %dma_start3A = arith.constant 0 : i32
      %dma_start3A_14 = tpu.memref_slice %arg5[%add3A_13, %dma_start3A] : memref<20480x128xf32, #tpu.memory_space<hbm>> -> memref<640x128xf32, #tpu.memory_space<hbm>>
      %dma_start3A_15 = arith.constant 0 : i32
      %dma_start3A_16 = tpu.memref_slice %arg8[%mul3A_2, %dma_start3A_15] : memref<10240x128xf32, #tpu.memory_space<vmem_shared>> -> memref<640x128xf32, #tpu.memory_space<vmem_shared>>
      tpu.enqueue_dma source(%dma_start3A_16 : memref<640x128xf32, #tpu.memory_space<vmem_shared>>) target(%dma_start3A_14 : memref<640x128xf32, #tpu.memory_space<hbm>>) target_semaphore(%run_scoped3A : memref<!tpu.dma_semaphore, #tpu.memory_space<semaphore_mem>>)
      %dma_wait3A = arith.constant 0 : i32
      %dma_wait3A_17 = tpu.memref_slice %arg5[%add3A_13, %dma_wait3A] : memref<20480x128xf32, #tpu.memory_space<hbm>> -> memref<640x128xf32, #tpu.memory_space<hbm>>
      %dma_wait3A_18 = arith.constant 0 : i32
      %dma_wait3A_19 = tpu.memref_slice %arg8[%mul3A_2, %dma_wait3A_18] : memref<10240x128xf32, #tpu.memory_space<vmem_shared>> -> memref<640x128xf32, #tpu.memory_space<vmem_shared>>
      tpu.wait_dma2 semaphore(%run_scoped3A : memref<!tpu.dma_semaphore, #tpu.memory_space<semaphore_mem>>) src(%dma_wait3A_19 : memref<640x128xf32, #tpu.memory_space<vmem_shared>>) dst(%dma_wait3A_17 : memref<640x128xf32, #tpu.memory_space<hbm>>)
      tpu.yield
    }) : () -> ()
    return
  }
}

#map = affine_map<(d0, d1) -> (0, 0)>
module attributes {stable_mosaic.version = 14 : i64} {
  func.func @_seg_body(%arg0: i32, %arg1: i32, %arg2: memref<20480x128xf32, #tpu.memory_space<hbm>>, %arg3: memref<2560x128xi32, #tpu.memory_space<hbm>>, %arg4: memref<1280x128xi32, #tpu.memory_space<hbm>>, %arg5: memref<20480x128xf32, #tpu.memory_space<hbm>>, %arg6: memref<16x128xi32, #tpu.memory_space<vmem>>, %arg7: memref<16x128xi32, #tpu.memory_space<vmem>>, %arg8: memref<128x128xf32, #tpu.memory_space<vmem>>, %arg9: memref<128x128xf32, #tpu.memory_space<vmem>>, %arg10: memref<!tpu.dma_semaphore, #tpu.memory_space<semaphore_mem>>, %arg11: memref<!tpu.dma_semaphore, #tpu.memory_space<semaphore_mem>>, %arg12: memref<!tpu.dma_semaphore, #tpu.memory_space<semaphore_mem>>, %arg13: memref<!tpu.dma_semaphore, #tpu.memory_space<semaphore_mem>>, %arg14: memref<10240x128xf32, #tpu.memory_space<vmem_shared>>) attributes {dimension_semantics = [#tpu.dimension_semantics<core_parallel>, #tpu.dimension_semantics<subcore_parallel>], iteration_bounds = array<i64: 2, 16>, scalar_prefetch = 0 : i64, scratch_operands = 9 : i64, tpu.core_type = #tpu.core_type<sc_vector_subcore>, window_params = [{transform_indices = #map}, {transform_indices = #map}, {transform_indices = #map}, {transform_indices = #map}]} {
    %mul3A = arith.constant 640 : i32
    %mul3A_0 = arith.muli %arg1, %mul3A : i32
    %mul3A_1 = arith.constant 10240 : i32
    %mul3A_2 = arith.muli %arg0, %mul3A_1 : i32
    %add3A = arith.addi %mul3A_2, %mul3A_0 : i32
    "tpu.region"() ({
      %run_scoped3A = tpu.sem_alloc : memref<!tpu.dma_semaphore, #tpu.memory_space<semaphore_mem>>
      %dma_start3A = arith.constant 0 : i32
      %dma_start3A_12 = tpu.memref_slice %arg14[%mul3A_0, %dma_start3A] : memref<10240x128xf32, #tpu.memory_space<vmem_shared>> -> memref<640x128xf32, #tpu.memory_space<vmem_shared>>
      %dma_start3A_13 = arith.constant 0 : i32
      %dma_start3A_14 = tpu.memref_slice %arg2[%add3A, %dma_start3A_13] : memref<20480x128xf32, #tpu.memory_space<hbm>> -> memref<640x128xf32, #tpu.memory_space<hbm>>
      tpu.enqueue_dma source(%dma_start3A_14 : memref<640x128xf32, #tpu.memory_space<hbm>>) target(%dma_start3A_12 : memref<640x128xf32, #tpu.memory_space<vmem_shared>>) target_semaphore(%run_scoped3A : memref<!tpu.dma_semaphore, #tpu.memory_space<semaphore_mem>>)
      %dma_wait3A = arith.constant 0 : i32
      %dma_wait3A_15 = tpu.memref_slice %arg14[%mul3A_0, %dma_wait3A] : memref<10240x128xf32, #tpu.memory_space<vmem_shared>> -> memref<640x128xf32, #tpu.memory_space<vmem_shared>>
      %dma_wait3A_16 = arith.constant 0 : i32
      %dma_wait3A_17 = tpu.memref_slice %arg2[%add3A, %dma_wait3A_16] : memref<20480x128xf32, #tpu.memory_space<hbm>> -> memref<640x128xf32, #tpu.memory_space<hbm>>
      tpu.wait_dma2 semaphore(%run_scoped3A : memref<!tpu.dma_semaphore, #tpu.memory_space<semaphore_mem>>) src(%dma_wait3A_17 : memref<640x128xf32, #tpu.memory_space<hbm>>) dst(%dma_wait3A_15 : memref<640x128xf32, #tpu.memory_space<vmem_shared>>)
      tpu.yield
    }) : () -> ()
    %barrier3A = arith.constant 0 : index
    tpu.barrier barrier_id(%barrier3A)
    %scan3A = arith.constant 0 : i32
    %scan3A_3 = arith.constant 0 : i32
    %scan3A_4 = arith.constant 5 : i32
    %scan3A_5 = arith.addi %scan3A_3, %scan3A_4 : i32
    %scan3A_6 = arith.constant 1 : i32
    scf.for %scan3A_12 = %scan3A_3 to %scan3A_5 step %scan3A_6  : i32 {
      %mul3A_13 = arith.constant 80 : i32
      %mul3A_14 = arith.muli %arg1, %mul3A_13 : i32
      %mul3A_15 = arith.constant 16 : i32
      %mul3A_16 = arith.muli %scan3A_12, %mul3A_15 : i32
      %add3A_17 = arith.addi %mul3A_14, %mul3A_16 : i32
      %mul3A_18 = arith.constant 1280 : i32
      %mul3A_19 = arith.muli %arg0, %mul3A_18 : i32
      %add3A_20 = arith.addi %mul3A_19, %add3A_17 : i32
      "tpu.region"() ({
        %run_scoped3A = tpu.sem_alloc : memref<!tpu.dma_semaphore, #tpu.memory_space<semaphore_mem>>
        %dma_start3A_435 = arith.constant 0 : i32
        %dma_start3A_436 = tpu.memref_slice %arg3[%add3A_20, %dma_start3A_435] : memref<2560x128xi32, #tpu.memory_space<hbm>> -> memref<16x128xi32, #tpu.memory_space<hbm>>
        %dma_start3A_437 = arith.constant 0 : i32
        %dma_start3A_438 = tpu.memref_slice %arg3[%add3A_20, %dma_start3A_437] : memref<2560x128xi32, #tpu.memory_space<hbm>> -> memref<16x128xi32, #tpu.memory_space<hbm>>
        tpu.enqueue_dma source(%dma_start3A_438 : memref<16x128xi32, #tpu.memory_space<hbm>>) target(%arg6 : memref<16x128xi32, #tpu.memory_space<vmem>>) target_semaphore(%run_scoped3A : memref<!tpu.dma_semaphore, #tpu.memory_space<semaphore_mem>>)
        %dma_wait3A_439 = arith.constant 0 : i32
        %dma_wait3A_440 = tpu.memref_slice %arg3[%add3A_20, %dma_wait3A_439] : memref<2560x128xi32, #tpu.memory_space<hbm>> -> memref<16x128xi32, #tpu.memory_space<hbm>>
        %dma_wait3A_441 = arith.constant 0 : i32
        %dma_wait3A_442 = tpu.memref_slice %arg3[%add3A_20, %dma_wait3A_441] : memref<2560x128xi32, #tpu.memory_space<hbm>> -> memref<16x128xi32, #tpu.memory_space<hbm>>
        tpu.wait_dma2 semaphore(%run_scoped3A : memref<!tpu.dma_semaphore, #tpu.memory_space<semaphore_mem>>) src(%dma_wait3A_442 : memref<16x128xi32, #tpu.memory_space<hbm>>) dst(%arg6 : memref<16x128xi32, #tpu.memory_space<vmem>>)
        tpu.yield
      }) : () -> ()
      "tpu.region"() ({
        %run_scoped3A = tpu.sem_alloc : memref<!tpu.dma_semaphore, #tpu.memory_space<semaphore_mem>>
        %dma_start3A_435 = arith.constant 0 : i32
        %dma_start3A_436 = tpu.memref_slice %arg4[%add3A_17, %dma_start3A_435] : memref<1280x128xi32, #tpu.memory_space<hbm>> -> memref<16x128xi32, #tpu.memory_space<hbm>>
        %dma_start3A_437 = arith.constant 0 : i32
        %dma_start3A_438 = tpu.memref_slice %arg4[%add3A_17, %dma_start3A_437] : memref<1280x128xi32, #tpu.memory_space<hbm>> -> memref<16x128xi32, #tpu.memory_space<hbm>>
        tpu.enqueue_dma source(%dma_start3A_438 : memref<16x128xi32, #tpu.memory_space<hbm>>) target(%arg7 : memref<16x128xi32, #tpu.memory_space<vmem>>) target_semaphore(%run_scoped3A : memref<!tpu.dma_semaphore, #tpu.memory_space<semaphore_mem>>)
        %dma_wait3A_439 = arith.constant 0 : i32
        %dma_wait3A_440 = tpu.memref_slice %arg4[%add3A_17, %dma_wait3A_439] : memref<1280x128xi32, #tpu.memory_space<hbm>> -> memref<16x128xi32, #tpu.memory_space<hbm>>
        %dma_wait3A_441 = arith.constant 0 : i32
        %dma_wait3A_442 = tpu.memref_slice %arg4[%add3A_17, %dma_wait3A_441] : memref<1280x128xi32, #tpu.memory_space<hbm>> -> memref<16x128xi32, #tpu.memory_space<hbm>>
        tpu.wait_dma2 semaphore(%run_scoped3A : memref<!tpu.dma_semaphore, #tpu.memory_space<semaphore_mem>>) src(%dma_wait3A_442 : memref<16x128xi32, #tpu.memory_space<hbm>>) dst(%arg7 : memref<16x128xi32, #tpu.memory_space<vmem>>)
        tpu.yield
      }) : () -> ()
      %dma_start3A = arith.constant 0 : i32
      %dma_start3A_21 = arith.constant 0 : i32
      %dma_start3A_22 = tpu.memref_slice %arg6[%dma_start3A, %dma_start3A_21] : memref<16x128xi32, #tpu.memory_space<vmem>> -> memref<1x128xi32, #tpu.memory_space<vmem>>
      %dma_start3A_23 = tpu.memref_squeeze %dma_start3A_22 : memref<1x128xi32, #tpu.memory_space<vmem>> -> memref<128xi32, #tpu.memory_space<vmem>>
      %dma_start3A_24 = arith.constant 0 : i32
      %dma_start3A_25 = arith.constant 0 : i32
      %dma_start3A_26 = tpu.memref_slice %arg2[%dma_start3A_24, %dma_start3A_25] : memref<20480x128xf32, #tpu.memory_space<hbm>> -> memref<20480x128xf32, #tpu.memory_space<hbm>>
      tpu.enqueue_indirect_dma source(%dma_start3A_26 : memref<20480x128xf32, #tpu.memory_space<hbm>>) target(%arg8 : memref<128x128xf32, #tpu.memory_space<vmem>>) offsets(%dma_start3A_23 : memref<128xi32, #tpu.memory_space<vmem>>) semaphore(%arg10 : memref<!tpu.dma_semaphore, #tpu.memory_space<semaphore_mem>>)
      %dma_start3A_27 = arith.constant 1 : i32
      %dma_start3A_28 = arith.constant 0 : i32
      %dma_start3A_29 = tpu.memref_slice %arg6[%dma_start3A_27, %dma_start3A_28] : memref<16x128xi32, #tpu.memory_space<vmem>> -> memref<1x128xi32, #tpu.memory_space<vmem>>
      %dma_start3A_30 = tpu.memref_squeeze %dma_start3A_29 : memref<1x128xi32, #tpu.memory_space<vmem>> -> memref<128xi32, #tpu.memory_space<vmem>>
      %dma_start3A_31 = arith.constant 0 : i32
      %dma_start3A_32 = arith.constant 0 : i32
      %dma_start3A_33 = tpu.memref_slice %arg2[%dma_start3A_31, %dma_start3A_32] : memref<20480x128xf32, #tpu.memory_space<hbm>> -> memref<20480x128xf32, #tpu.memory_space<hbm>>
      tpu.enqueue_indirect_dma source(%dma_start3A_33 : memref<20480x128xf32, #tpu.memory_space<hbm>>) target(%arg9 : memref<128x128xf32, #tpu.memory_space<vmem>>) offsets(%dma_start3A_30 : memref<128xi32, #tpu.memory_space<vmem>>) semaphore(%arg11 : memref<!tpu.dma_semaphore, #tpu.memory_space<semaphore_mem>>)
      %dma_wait3A = arith.constant 0 : i32
      %dma_wait3A_34 = arith.constant 0 : i32
      %dma_wait3A_35 = tpu.memref_slice %arg2[%dma_wait3A, %dma_wait3A_34] : memref<20480x128xf32, #tpu.memory_space<hbm>> -> memref<128x128xf32, #tpu.memory_space<hbm>>
      %dma_wait3A_36 = arith.constant 0 : i32
      %dma_wait3A_37 = arith.constant 0 : i32
      %dma_wait3A_38 = tpu.memref_slice %arg2[%dma_wait3A_36, %dma_wait3A_37] : memref<20480x128xf32, #tpu.memory_space<hbm>> -> memref<128x128xf32, #tpu.memory_space<hbm>>
      tpu.wait_dma2 semaphore(%arg10 : memref<!tpu.dma_semaphore, #tpu.memory_space<semaphore_mem>>) src(%dma_wait3A_38 : memref<128x128xf32, #tpu.memory_space<hbm>>) dst(%arg8 : memref<128x128xf32, #tpu.memory_space<vmem>>)
      %dma_start3A_39 = arith.constant 0 : i32
      %dma_start3A_40 = arith.constant 0 : i32
      %dma_start3A_41 = tpu.memref_slice %arg7[%dma_start3A_39, %dma_start3A_40] : memref<16x128xi32, #tpu.memory_space<vmem>> -> memref<1x128xi32, #tpu.memory_space<vmem>>
      %dma_start3A_42 = tpu.memref_squeeze %dma_start3A_41 : memref<1x128xi32, #tpu.memory_space<vmem>> -> memref<128xi32, #tpu.memory_space<vmem>>
      %dma_start3A_43 = arith.constant 0 : i32
      %dma_start3A_44 = arith.constant 0 : i32
      %dma_start3A_45 = tpu.memref_slice %arg14[%dma_start3A_43, %dma_start3A_44] : memref<10240x128xf32, #tpu.memory_space<vmem_shared>> -> memref<10240x128xf32, #tpu.memory_space<vmem_shared>>
      tpu.enqueue_indirect_dma source(%arg8 : memref<128x128xf32, #tpu.memory_space<vmem>>) target(%dma_start3A_45 : memref<10240x128xf32, #tpu.memory_space<vmem_shared>>) offsets(%dma_start3A_42 : memref<128xi32, #tpu.memory_space<vmem>>) semaphore(%arg12 : memref<!tpu.dma_semaphore, #tpu.memory_space<semaphore_mem>>) {add = true}
      %dma_wait3A_46 = arith.constant 0 : i32
      %dma_wait3A_47 = arith.constant 0 : i32
      %dma_wait3A_48 = tpu.memref_slice %arg14[%dma_wait3A_46, %dma_wait3A_47] : memref<10240x128xf32, #tpu.memory_space<vmem_shared>> -> memref<128x128xf32, #tpu.memory_space<vmem_shared>>
      %dma_wait3A_49 = arith.constant 0 : i32
      %dma_wait3A_50 = arith.constant 0 : i32
      %dma_wait3A_51 = tpu.memref_slice %arg14[%dma_wait3A_49, %dma_wait3A_50] : memref<10240x128xf32, #tpu.memory_space<vmem_shared>> -> memref<128x128xf32, #tpu.memory_space<vmem_shared>>
      tpu.wait_dma2 semaphore(%arg12 : memref<!tpu.dma_semaphore, #tpu.memory_space<semaphore_mem>>) src(%arg8 : memref<128x128xf32, #tpu.memory_space<vmem>>) dst(%dma_wait3A_51 : memref<128x128xf32, #tpu.memory_space<vmem_shared>>)
      %dma_start3A_52 = arith.constant 2 : i32
      %dma_start3A_53 = arith.constant 0 : i32
      %dma_start3A_54 = tpu.memref_slice %arg6[%dma_start3A_52, %dma_start3A_53] : memref<16x128xi32, #tpu.memory_space<vmem>> -> memref<1x128xi32, #tpu.memory_space<vmem>>
      %dma_start3A_55 = tpu.memref_squeeze %dma_start3A_54 : memref<1x128xi32, #tpu.memory_space<vmem>> -> memref<128xi32, #tpu.memory_space<vmem>>
      %dma_start3A_56 = arith.constant 0 : i32
      %dma_start3A_57 = arith.constant 0 : i32
      %dma_start3A_58 = tpu.memref_slice %arg2[%dma_start3A_56, %dma_start3A_57] : memref<20480x128xf32, #tpu.memory_space<hbm>> -> memref<20480x128xf32, #tpu.memory_space<hbm>>
      tpu.enqueue_indirect_dma source(%dma_start3A_58 : memref<20480x128xf32, #tpu.memory_space<hbm>>) target(%arg8 : memref<128x128xf32, #tpu.memory_space<vmem>>) offsets(%dma_start3A_55 : memref<128xi32, #tpu.memory_space<vmem>>) semaphore(%arg10 : memref<!tpu.dma_semaphore, #tpu.memory_space<semaphore_mem>>)
      %dma_wait3A_59 = arith.constant 0 : i32
      %dma_wait3A_60 = arith.constant 0 : i32
      %dma_wait3A_61 = tpu.memref_slice %arg2[%dma_wait3A_59, %dma_wait3A_60] : memref<20480x128xf32, #tpu.memory_space<hbm>> -> memref<128x128xf32, #tpu.memory_space<hbm>>
      %dma_wait3A_62 = arith.constant 0 : i32
      %dma_wait3A_63 = arith.constant 0 : i32
      %dma_wait3A_64 = tpu.memref_slice %arg2[%dma_wait3A_62, %dma_wait3A_63] : memref<20480x128xf32, #tpu.memory_space<hbm>> -> memref<128x128xf32, #tpu.memory_space<hbm>>
      tpu.wait_dma2 semaphore(%arg11 : memref<!tpu.dma_semaphore, #tpu.memory_space<semaphore_mem>>) src(%dma_wait3A_64 : memref<128x128xf32, #tpu.memory_space<hbm>>) dst(%arg9 : memref<128x128xf32, #tpu.memory_space<vmem>>)
      %dma_start3A_65 = arith.constant 1 : i32
      %dma_start3A_66 = arith.constant 0 : i32
      %dma_start3A_67 = tpu.memref_slice %arg7[%dma_start3A_65, %dma_start3A_66] : memref<16x128xi32, #tpu.memory_space<vmem>> -> memref<1x128xi32, #tpu.memory_space<vmem>>
      %dma_start3A_68 = tpu.memref_squeeze %dma_start3A_67 : memref<1x128xi32, #tpu.memory_space<vmem>> -> memref<128xi32, #tpu.memory_space<vmem>>
      %dma_start3A_69 = arith.constant 0 : i32
      %dma_start3A_70 = arith.constant 0 : i32
      %dma_start3A_71 = tpu.memref_slice %arg14[%dma_start3A_69, %dma_start3A_70] : memref<10240x128xf32, #tpu.memory_space<vmem_shared>> -> memref<10240x128xf32, #tpu.memory_space<vmem_shared>>
      tpu.enqueue_indirect_dma source(%arg9 : memref<128x128xf32, #tpu.memory_space<vmem>>) target(%dma_start3A_71 : memref<10240x128xf32, #tpu.memory_space<vmem_shared>>) offsets(%dma_start3A_68 : memref<128xi32, #tpu.memory_space<vmem>>) semaphore(%arg13 : memref<!tpu.dma_semaphore, #tpu.memory_space<semaphore_mem>>) {add = true}
      %dma_wait3A_72 = arith.constant 0 : i32
      %dma_wait3A_73 = arith.constant 0 : i32
      %dma_wait3A_74 = tpu.memref_slice %arg14[%dma_wait3A_72, %dma_wait3A_73] : memref<10240x128xf32, #tpu.memory_space<vmem_shared>> -> memref<128x128xf32, #tpu.memory_space<vmem_shared>>
      %dma_wait3A_75 = arith.constant 0 : i32
      %dma_wait3A_76 = arith.constant 0 : i32
      %dma_wait3A_77 = tpu.memref_slice %arg14[%dma_wait3A_75, %dma_wait3A_76] : memref<10240x128xf32, #tpu.memory_space<vmem_shared>> -> memref<128x128xf32, #tpu.memory_space<vmem_shared>>
      tpu.wait_dma2 semaphore(%arg13 : memref<!tpu.dma_semaphore, #tpu.memory_space<semaphore_mem>>) src(%arg9 : memref<128x128xf32, #tpu.memory_space<vmem>>) dst(%dma_wait3A_77 : memref<128x128xf32, #tpu.memory_space<vmem_shared>>)
      %dma_start3A_78 = arith.constant 3 : i32
      %dma_start3A_79 = arith.constant 0 : i32
      %dma_start3A_80 = tpu.memref_slice %arg6[%dma_start3A_78, %dma_start3A_79] : memref<16x128xi32, #tpu.memory_space<vmem>> -> memref<1x128xi32, #tpu.memory_space<vmem>>
      %dma_start3A_81 = tpu.memref_squeeze %dma_start3A_80 : memref<1x128xi32, #tpu.memory_space<vmem>> -> memref<128xi32, #tpu.memory_space<vmem>>
      %dma_start3A_82 = arith.constant 0 : i32
      %dma_start3A_83 = arith.constant 0 : i32
      %dma_start3A_84 = tpu.memref_slice %arg2[%dma_start3A_82, %dma_start3A_83] : memref<20480x128xf32, #tpu.memory_space<hbm>> -> memref<20480x128xf32, #tpu.memory_space<hbm>>
      tpu.enqueue_indirect_dma source(%dma_start3A_84 : memref<20480x128xf32, #tpu.memory_space<hbm>>) target(%arg9 : memref<128x128xf32, #tpu.memory_space<vmem>>) offsets(%dma_start3A_81 : memref<128xi32, #tpu.memory_space<vmem>>) semaphore(%arg11 : memref<!tpu.dma_semaphore, #tpu.memory_space<semaphore_mem>>)
      %dma_wait3A_85 = arith.constant 0 : i32
      %dma_wait3A_86 = arith.constant 0 : i32
      %dma_wait3A_87 = tpu.memref_slice %arg2[%dma_wait3A_85, %dma_wait3A_86] : memref<20480x128xf32, #tpu.memory_space<hbm>> -> memref<128x128xf32, #tpu.memory_space<hbm>>
      %dma_wait3A_88 = arith.constant 0 : i32
      %dma_wait3A_89 = arith.constant 0 : i32
      %dma_wait3A_90 = tpu.memref_slice %arg2[%dma_wait3A_88, %dma_wait3A_89] : memref<20480x128xf32, #tpu.memory_space<hbm>> -> memref<128x128xf32, #tpu.memory_space<hbm>>
      tpu.wait_dma2 semaphore(%arg10 : memref<!tpu.dma_semaphore, #tpu.memory_space<semaphore_mem>>) src(%dma_wait3A_90 : memref<128x128xf32, #tpu.memory_space<hbm>>) dst(%arg8 : memref<128x128xf32, #tpu.memory_space<vmem>>)
      %dma_start3A_91 = arith.constant 2 : i32
      %dma_start3A_92 = arith.constant 0 : i32
      %dma_start3A_93 = tpu.memref_slice %arg7[%dma_start3A_91, %dma_start3A_92] : memref<16x128xi32, #tpu.memory_space<vmem>> -> memref<1x128xi32, #tpu.memory_space<vmem>>
      %dma_start3A_94 = tpu.memref_squeeze %dma_start3A_93 : memref<1x128xi32, #tpu.memory_space<vmem>> -> memref<128xi32, #tpu.memory_space<vmem>>
      %dma_start3A_95 = arith.constant 0 : i32
      %dma_start3A_96 = arith.constant 0 : i32
      %dma_start3A_97 = tpu.memref_slice %arg14[%dma_start3A_95, %dma_start3A_96] : memref<10240x128xf32, #tpu.memory_space<vmem_shared>> -> memref<10240x128xf32, #tpu.memory_space<vmem_shared>>
      tpu.enqueue_indirect_dma source(%arg8 : memref<128x128xf32, #tpu.memory_space<vmem>>) target(%dma_start3A_97 : memref<10240x128xf32, #tpu.memory_space<vmem_shared>>) offsets(%dma_start3A_94 : memref<128xi32, #tpu.memory_space<vmem>>) semaphore(%arg12 : memref<!tpu.dma_semaphore, #tpu.memory_space<semaphore_mem>>) {add = true}
      %dma_wait3A_98 = arith.constant 0 : i32
      %dma_wait3A_99 = arith.constant 0 : i32
      %dma_wait3A_100 = tpu.memref_slice %arg14[%dma_wait3A_98, %dma_wait3A_99] : memref<10240x128xf32, #tpu.memory_space<vmem_shared>> -> memref<128x128xf32, #tpu.memory_space<vmem_shared>>
      %dma_wait3A_101 = arith.constant 0 : i32
      %dma_wait3A_102 = arith.constant 0 : i32
      %dma_wait3A_103 = tpu.memref_slice %arg14[%dma_wait3A_101, %dma_wait3A_102] : memref<10240x128xf32, #tpu.memory_space<vmem_shared>> -> memref<128x128xf32, #tpu.memory_space<vmem_shared>>
      tpu.wait_dma2 semaphore(%arg12 : memref<!tpu.dma_semaphore, #tpu.memory_space<semaphore_mem>>) src(%arg8 : memref<128x128xf32, #tpu.memory_space<vmem>>) dst(%dma_wait3A_103 : memref<128x128xf32, #tpu.memory_space<vmem_shared>>)
      %dma_start3A_104 = arith.constant 4 : i32
      %dma_start3A_105 = arith.constant 0 : i32
      %dma_start3A_106 = tpu.memref_slice %arg6[%dma_start3A_104, %dma_start3A_105] : memref<16x128xi32, #tpu.memory_space<vmem>> -> memref<1x128xi32, #tpu.memory_space<vmem>>
      %dma_start3A_107 = tpu.memref_squeeze %dma_start3A_106 : memref<1x128xi32, #tpu.memory_space<vmem>> -> memref<128xi32, #tpu.memory_space<vmem>>
      %dma_start3A_108 = arith.constant 0 : i32
      %dma_start3A_109 = arith.constant 0 : i32
      %dma_start3A_110 = tpu.memref_slice %arg2[%dma_start3A_108, %dma_start3A_109] : memref<20480x128xf32, #tpu.memory_space<hbm>> -> memref<20480x128xf32, #tpu.memory_space<hbm>>
      tpu.enqueue_indirect_dma source(%dma_start3A_110 : memref<20480x128xf32, #tpu.memory_space<hbm>>) target(%arg8 : memref<128x128xf32, #tpu.memory_space<vmem>>) offsets(%dma_start3A_107 : memref<128xi32, #tpu.memory_space<vmem>>) semaphore(%arg10 : memref<!tpu.dma_semaphore, #tpu.memory_space<semaphore_mem>>)
      %dma_wait3A_111 = arith.constant 0 : i32
      %dma_wait3A_112 = arith.constant 0 : i32
      %dma_wait3A_113 = tpu.memref_slice %arg2[%dma_wait3A_111, %dma_wait3A_112] : memref<20480x128xf32, #tpu.memory_space<hbm>> -> memref<128x128xf32, #tpu.memory_space<hbm>>
      %dma_wait3A_114 = arith.constant 0 : i32
      %dma_wait3A_115 = arith.constant 0 : i32
      %dma_wait3A_116 = tpu.memref_slice %arg2[%dma_wait3A_114, %dma_wait3A_115] : memref<20480x128xf32, #tpu.memory_space<hbm>> -> memref<128x128xf32, #tpu.memory_space<hbm>>
      tpu.wait_dma2 semaphore(%arg11 : memref<!tpu.dma_semaphore, #tpu.memory_space<semaphore_mem>>) src(%dma_wait3A_116 : memref<128x128xf32, #tpu.memory_space<hbm>>) dst(%arg9 : memref<128x128xf32, #tpu.memory_space<vmem>>)
      %dma_start3A_117 = arith.constant 3 : i32
      %dma_start3A_118 = arith.constant 0 : i32
      %dma_start3A_119 = tpu.memref_slice %arg7[%dma_start3A_117, %dma_start3A_118] : memref<16x128xi32, #tpu.memory_space<vmem>> -> memref<1x128xi32, #tpu.memory_space<vmem>>
      %dma_start3A_120 = tpu.memref_squeeze %dma_start3A_119 : memref<1x128xi32, #tpu.memory_space<vmem>> -> memref<128xi32, #tpu.memory_space<vmem>>
      %dma_start3A_121 = arith.constant 0 : i32
      %dma_start3A_122 = arith.constant 0 : i32
      %dma_start3A_123 = tpu.memref_slice %arg14[%dma_start3A_121, %dma_start3A_122] : memref<10240x128xf32, #tpu.memory_space<vmem_shared>> -> memref<10240x128xf32, #tpu.memory_space<vmem_shared>>
      tpu.enqueue_indirect_dma source(%arg9 : memref<128x128xf32, #tpu.memory_space<vmem>>) target(%dma_start3A_123 : memref<10240x128xf32, #tpu.memory_space<vmem_shared>>) offsets(%dma_start3A_120 : memref<128xi32, #tpu.memory_space<vmem>>) semaphore(%arg13 : memref<!tpu.dma_semaphore, #tpu.memory_space<semaphore_mem>>) {add = true}
      %dma_wait3A_124 = arith.constant 0 : i32
      %dma_wait3A_125 = arith.constant 0 : i32
      %dma_wait3A_126 = tpu.memref_slice %arg14[%dma_wait3A_124, %dma_wait3A_125] : memref<10240x128xf32, #tpu.memory_space<vmem_shared>> -> memref<128x128xf32, #tpu.memory_space<vmem_shared>>
      %dma_wait3A_127 = arith.constant 0 : i32
      %dma_wait3A_128 = arith.constant 0 : i32
      %dma_wait3A_129 = tpu.memref_slice %arg14[%dma_wait3A_127, %dma_wait3A_128] : memref<10240x128xf32, #tpu.memory_space<vmem_shared>> -> memref<128x128xf32, #tpu.memory_space<vmem_shared>>
      tpu.wait_dma2 semaphore(%arg13 : memref<!tpu.dma_semaphore, #tpu.memory_space<semaphore_mem>>) src(%arg9 : memref<128x128xf32, #tpu.memory_space<vmem>>) dst(%dma_wait3A_129 : memref<128x128xf32, #tpu.memory_space<vmem_shared>>)
      %dma_start3A_130 = arith.constant 5 : i32
      %dma_start3A_131 = arith.constant 0 : i32
      %dma_start3A_132 = tpu.memref_slice %arg6[%dma_start3A_130, %dma_start3A_131] : memref<16x128xi32, #tpu.memory_space<vmem>> -> memref<1x128xi32, #tpu.memory_space<vmem>>
      %dma_start3A_133 = tpu.memref_squeeze %dma_start3A_132 : memref<1x128xi32, #tpu.memory_space<vmem>> -> memref<128xi32, #tpu.memory_space<vmem>>
      %dma_start3A_134 = arith.constant 0 : i32
      %dma_start3A_135 = arith.constant 0 : i32
      %dma_start3A_136 = tpu.memref_slice %arg2[%dma_start3A_134, %dma_start3A_135] : memref<20480x128xf32, #tpu.memory_space<hbm>> -> memref<20480x128xf32, #tpu.memory_space<hbm>>
      tpu.enqueue_indirect_dma source(%dma_start3A_136 : memref<20480x128xf32, #tpu.memory_space<hbm>>) target(%arg9 : memref<128x128xf32, #tpu.memory_space<vmem>>) offsets(%dma_start3A_133 : memref<128xi32, #tpu.memory_space<vmem>>) semaphore(%arg11 : memref<!tpu.dma_semaphore, #tpu.memory_space<semaphore_mem>>)
      %dma_wait3A_137 = arith.constant 0 : i32
      %dma_wait3A_138 = arith.constant 0 : i32
      %dma_wait3A_139 = tpu.memref_slice %arg2[%dma_wait3A_137, %dma_wait3A_138] : memref<20480x128xf32, #tpu.memory_space<hbm>> -> memref<128x128xf32, #tpu.memory_space<hbm>>
      %dma_wait3A_140 = arith.constant 0 : i32
      %dma_wait3A_141 = arith.constant 0 : i32
      %dma_wait3A_142 = tpu.memref_slice %arg2[%dma_wait3A_140, %dma_wait3A_141] : memref<20480x128xf32, #tpu.memory_space<hbm>> -> memref<128x128xf32, #tpu.memory_space<hbm>>
      tpu.wait_dma2 semaphore(%arg10 : memref<!tpu.dma_semaphore, #tpu.memory_space<semaphore_mem>>) src(%dma_wait3A_142 : memref<128x128xf32, #tpu.memory_space<hbm>>) dst(%arg8 : memref<128x128xf32, #tpu.memory_space<vmem>>)
      %dma_start3A_143 = arith.constant 4 : i32
      %dma_start3A_144 = arith.constant 0 : i32
      %dma_start3A_145 = tpu.memref_slice %arg7[%dma_start3A_143, %dma_start3A_144] : memref<16x128xi32, #tpu.memory_space<vmem>> -> memref<1x128xi32, #tpu.memory_space<vmem>>
      %dma_start3A_146 = tpu.memref_squeeze %dma_start3A_145 : memref<1x128xi32, #tpu.memory_space<vmem>> -> memref<128xi32, #tpu.memory_space<vmem>>
      %dma_start3A_147 = arith.constant 0 : i32
      %dma_start3A_148 = arith.constant 0 : i32
      %dma_start3A_149 = tpu.memref_slice %arg14[%dma_start3A_147, %dma_start3A_148] : memref<10240x128xf32, #tpu.memory_space<vmem_shared>> -> memref<10240x128xf32, #tpu.memory_space<vmem_shared>>
      tpu.enqueue_indirect_dma source(%arg8 : memref<128x128xf32, #tpu.memory_space<vmem>>) target(%dma_start3A_149 : memref<10240x128xf32, #tpu.memory_space<vmem_shared>>) offsets(%dma_start3A_146 : memref<128xi32, #tpu.memory_space<vmem>>) semaphore(%arg12 : memref<!tpu.dma_semaphore, #tpu.memory_space<semaphore_mem>>) {add = true}
      %dma_wait3A_150 = arith.constant 0 : i32
      %dma_wait3A_151 = arith.constant 0 : i32
      %dma_wait3A_152 = tpu.memref_slice %arg14[%dma_wait3A_150, %dma_wait3A_151] : memref<10240x128xf32, #tpu.memory_space<vmem_shared>> -> memref<128x128xf32, #tpu.memory_space<vmem_shared>>
      %dma_wait3A_153 = arith.constant 0 : i32
      %dma_wait3A_154 = arith.constant 0 : i32
      %dma_wait3A_155 = tpu.memref_slice %arg14[%dma_wait3A_153, %dma_wait3A_154] : memref<10240x128xf32, #tpu.memory_space<vmem_shared>> -> memref<128x128xf32, #tpu.memory_space<vmem_shared>>
      tpu.wait_dma2 semaphore(%arg12 : memref<!tpu.dma_semaphore, #tpu.memory_space<semaphore_mem>>) src(%arg8 : memref<128x128xf32, #tpu.memory_space<vmem>>) dst(%dma_wait3A_155 : memref<128x128xf32, #tpu.memory_space<vmem_shared>>)
      %dma_start3A_156 = arith.constant 6 : i32
      %dma_start3A_157 = arith.constant 0 : i32
      %dma_start3A_158 = tpu.memref_slice %arg6[%dma_start3A_156, %dma_start3A_157] : memref<16x128xi32, #tpu.memory_space<vmem>> -> memref<1x128xi32, #tpu.memory_space<vmem>>
      %dma_start3A_159 = tpu.memref_squeeze %dma_start3A_158 : memref<1x128xi32, #tpu.memory_space<vmem>> -> memref<128xi32, #tpu.memory_space<vmem>>
      %dma_start3A_160 = arith.constant 0 : i32
      %dma_start3A_161 = arith.constant 0 : i32
      %dma_start3A_162 = tpu.memref_slice %arg2[%dma_start3A_160, %dma_start3A_161] : memref<20480x128xf32, #tpu.memory_space<hbm>> -> memref<20480x128xf32, #tpu.memory_space<hbm>>
      tpu.enqueue_indirect_dma source(%dma_start3A_162 : memref<20480x128xf32, #tpu.memory_space<hbm>>) target(%arg8 : memref<128x128xf32, #tpu.memory_space<vmem>>) offsets(%dma_start3A_159 : memref<128xi32, #tpu.memory_space<vmem>>) semaphore(%arg10 : memref<!tpu.dma_semaphore, #tpu.memory_space<semaphore_mem>>)
      %dma_wait3A_163 = arith.constant 0 : i32
      %dma_wait3A_164 = arith.constant 0 : i32
      %dma_wait3A_165 = tpu.memref_slice %arg2[%dma_wait3A_163, %dma_wait3A_164] : memref<20480x128xf32, #tpu.memory_space<hbm>> -> memref<128x128xf32, #tpu.memory_space<hbm>>
      %dma_wait3A_166 = arith.constant 0 : i32
      %dma_wait3A_167 = arith.constant 0 : i32
      %dma_wait3A_168 = tpu.memref_slice %arg2[%dma_wait3A_166, %dma_wait3A_167] : memref<20480x128xf32, #tpu.memory_space<hbm>> -> memref<128x128xf32, #tpu.memory_space<hbm>>
      tpu.wait_dma2 semaphore(%arg11 : memref<!tpu.dma_semaphore, #tpu.memory_space<semaphore_mem>>) src(%dma_wait3A_168 : memref<128x128xf32, #tpu.memory_space<hbm>>) dst(%arg9 : memref<128x128xf32, #tpu.memory_space<vmem>>)
      %dma_start3A_169 = arith.constant 5 : i32
      %dma_start3A_170 = arith.constant 0 : i32
      %dma_start3A_171 = tpu.memref_slice %arg7[%dma_start3A_169, %dma_start3A_170] : memref<16x128xi32, #tpu.memory_space<vmem>> -> memref<1x128xi32, #tpu.memory_space<vmem>>
      %dma_start3A_172 = tpu.memref_squeeze %dma_start3A_171 : memref<1x128xi32, #tpu.memory_space<vmem>> -> memref<128xi32, #tpu.memory_space<vmem>>
      %dma_start3A_173 = arith.constant 0 : i32
      %dma_start3A_174 = arith.constant 0 : i32
      %dma_start3A_175 = tpu.memref_slice %arg14[%dma_start3A_173, %dma_start3A_174] : memref<10240x128xf32, #tpu.memory_space<vmem_shared>> -> memref<10240x128xf32, #tpu.memory_space<vmem_shared>>
      tpu.enqueue_indirect_dma source(%arg9 : memref<128x128xf32, #tpu.memory_space<vmem>>) target(%dma_start3A_175 : memref<10240x128xf32, #tpu.memory_space<vmem_shared>>) offsets(%dma_start3A_172 : memref<128xi32, #tpu.memory_space<vmem>>) semaphore(%arg13 : memref<!tpu.dma_semaphore, #tpu.memory_space<semaphore_mem>>) {add = true}
      %dma_wait3A_176 = arith.constant 0 : i32
      %dma_wait3A_177 = arith.constant 0 : i32
      %dma_wait3A_178 = tpu.memref_slice %arg14[%dma_wait3A_176, %dma_wait3A_177] : memref<10240x128xf32, #tpu.memory_space<vmem_shared>> -> memref<128x128xf32, #tpu.memory_space<vmem_shared>>
      %dma_wait3A_179 = arith.constant 0 : i32
      %dma_wait3A_180 = arith.constant 0 : i32
      %dma_wait3A_181 = tpu.memref_slice %arg14[%dma_wait3A_179, %dma_wait3A_180] : memref<10240x128xf32, #tpu.memory_space<vmem_shared>> -> memref<128x128xf32, #tpu.memory_space<vmem_shared>>
      tpu.wait_dma2 semaphore(%arg13 : memref<!tpu.dma_semaphore, #tpu.memory_space<semaphore_mem>>) src(%arg9 : memref<128x128xf32, #tpu.memory_space<vmem>>) dst(%dma_wait3A_181 : memref<128x128xf32, #tpu.memory_space<vmem_shared>>)
      %dma_start3A_182 = arith.constant 7 : i32
      %dma_start3A_183 = arith.constant 0 : i32
      %dma_start3A_184 = tpu.memref_slice %arg6[%dma_start3A_182, %dma_start3A_183] : memref<16x128xi32, #tpu.memory_space<vmem>> -> memref<1x128xi32, #tpu.memory_space<vmem>>
      %dma_start3A_185 = tpu.memref_squeeze %dma_start3A_184 : memref<1x128xi32, #tpu.memory_space<vmem>> -> memref<128xi32, #tpu.memory_space<vmem>>
      %dma_start3A_186 = arith.constant 0 : i32
      %dma_start3A_187 = arith.constant 0 : i32
      %dma_start3A_188 = tpu.memref_slice %arg2[%dma_start3A_186, %dma_start3A_187] : memref<20480x128xf32, #tpu.memory_space<hbm>> -> memref<20480x128xf32, #tpu.memory_space<hbm>>
      tpu.enqueue_indirect_dma source(%dma_start3A_188 : memref<20480x128xf32, #tpu.memory_space<hbm>>) target(%arg9 : memref<128x128xf32, #tpu.memory_space<vmem>>) offsets(%dma_start3A_185 : memref<128xi32, #tpu.memory_space<vmem>>) semaphore(%arg11 : memref<!tpu.dma_semaphore, #tpu.memory_space<semaphore_mem>>)
      %dma_wait3A_189 = arith.constant 0 : i32
      %dma_wait3A_190 = arith.constant 0 : i32
      %dma_wait3A_191 = tpu.memref_slice %arg2[%dma_wait3A_189, %dma_wait3A_190] : memref<20480x128xf32, #tpu.memory_space<hbm>> -> memref<128x128xf32, #tpu.memory_space<hbm>>
      %dma_wait3A_192 = arith.constant 0 : i32
      %dma_wait3A_193 = arith.constant 0 : i32
      %dma_wait3A_194 = tpu.memref_slice %arg2[%dma_wait3A_192, %dma_wait3A_193] : memref<20480x128xf32, #tpu.memory_space<hbm>> -> memref<128x128xf32, #tpu.memory_space<hbm>>
      tpu.wait_dma2 semaphore(%arg10 : memref<!tpu.dma_semaphore, #tpu.memory_space<semaphore_mem>>) src(%dma_wait3A_194 : memref<128x128xf32, #tpu.memory_space<hbm>>) dst(%arg8 : memref<128x128xf32, #tpu.memory_space<vmem>>)
      %dma_start3A_195 = arith.constant 6 : i32
      %dma_start3A_196 = arith.constant 0 : i32
      %dma_start3A_197 = tpu.memref_slice %arg7[%dma_start3A_195, %dma_start3A_196] : memref<16x128xi32, #tpu.memory_space<vmem>> -> memref<1x128xi32, #tpu.memory_space<vmem>>
      %dma_start3A_198 = tpu.memref_squeeze %dma_start3A_197 : memref<1x128xi32, #tpu.memory_space<vmem>> -> memref<128xi32, #tpu.memory_space<vmem>>
      %dma_start3A_199 = arith.constant 0 : i32
      %dma_start3A_200 = arith.constant 0 : i32
      %dma_start3A_201 = tpu.memref_slice %arg14[%dma_start3A_199, %dma_start3A_200] : memref<10240x128xf32, #tpu.memory_space<vmem_shared>> -> memref<10240x128xf32, #tpu.memory_space<vmem_shared>>
      tpu.enqueue_indirect_dma source(%arg8 : memref<128x128xf32, #tpu.memory_space<vmem>>) target(%dma_start3A_201 : memref<10240x128xf32, #tpu.memory_space<vmem_shared>>) offsets(%dma_start3A_198 : memref<128xi32, #tpu.memory_space<vmem>>) semaphore(%arg12 : memref<!tpu.dma_semaphore, #tpu.memory_space<semaphore_mem>>) {add = true}
      %dma_wait3A_202 = arith.constant 0 : i32
      %dma_wait3A_203 = arith.constant 0 : i32
      %dma_wait3A_204 = tpu.memref_slice %arg14[%dma_wait3A_202, %dma_wait3A_203] : memref<10240x128xf32, #tpu.memory_space<vmem_shared>> -> memref<128x128xf32, #tpu.memory_space<vmem_shared>>
      %dma_wait3A_205 = arith.constant 0 : i32
      %dma_wait3A_206 = arith.constant 0 : i32
      %dma_wait3A_207 = tpu.memref_slice %arg14[%dma_wait3A_205, %dma_wait3A_206] : memref<10240x128xf32, #tpu.memory_space<vmem_shared>> -> memref<128x128xf32, #tpu.memory_space<vmem_shared>>
      tpu.wait_dma2 semaphore(%arg12 : memref<!tpu.dma_semaphore, #tpu.memory_space<semaphore_mem>>) src(%arg8 : memref<128x128xf32, #tpu.memory_space<vmem>>) dst(%dma_wait3A_207 : memref<128x128xf32, #tpu.memory_space<vmem_shared>>)
      %dma_start3A_208 = arith.constant 8 : i32
      %dma_start3A_209 = arith.constant 0 : i32
      %dma_start3A_210 = tpu.memref_slice %arg6[%dma_start3A_208, %dma_start3A_209] : memref<16x128xi32, #tpu.memory_space<vmem>> -> memref<1x128xi32, #tpu.memory_space<vmem>>
      %dma_start3A_211 = tpu.memref_squeeze %dma_start3A_210 : memref<1x128xi32, #tpu.memory_space<vmem>> -> memref<128xi32, #tpu.memory_space<vmem>>
      %dma_start3A_212 = arith.constant 0 : i32
      %dma_start3A_213 = arith.constant 0 : i32
      %dma_start3A_214 = tpu.memref_slice %arg2[%dma_start3A_212, %dma_start3A_213] : memref<20480x128xf32, #tpu.memory_space<hbm>> -> memref<20480x128xf32, #tpu.memory_space<hbm>>
      tpu.enqueue_indirect_dma source(%dma_start3A_214 : memref<20480x128xf32, #tpu.memory_space<hbm>>) target(%arg8 : memref<128x128xf32, #tpu.memory_space<vmem>>) offsets(%dma_start3A_211 : memref<128xi32, #tpu.memory_space<vmem>>) semaphore(%arg10 : memref<!tpu.dma_semaphore, #tpu.memory_space<semaphore_mem>>)
      %dma_wait3A_215 = arith.constant 0 : i32
      %dma_wait3A_216 = arith.constant 0 : i32
      %dma_wait3A_217 = tpu.memref_slice %arg2[%dma_wait3A_215, %dma_wait3A_216] : memref<20480x128xf32, #tpu.memory_space<hbm>> -> memref<128x128xf32, #tpu.memory_space<hbm>>
      %dma_wait3A_218 = arith.constant 0 : i32
      %dma_wait3A_219 = arith.constant 0 : i32
      %dma_wait3A_220 = tpu.memref_slice %arg2[%dma_wait3A_218, %dma_wait3A_219] : memref<20480x128xf32, #tpu.memory_space<hbm>> -> memref<128x128xf32, #tpu.memory_space<hbm>>
      tpu.wait_dma2 semaphore(%arg11 : memref<!tpu.dma_semaphore, #tpu.memory_space<semaphore_mem>>) src(%dma_wait3A_220 : memref<128x128xf32, #tpu.memory_space<hbm>>) dst(%arg9 : memref<128x128xf32, #tpu.memory_space<vmem>>)
      %dma_start3A_221 = arith.constant 7 : i32
      %dma_start3A_222 = arith.constant 0 : i32
      %dma_start3A_223 = tpu.memref_slice %arg7[%dma_start3A_221, %dma_start3A_222] : memref<16x128xi32, #tpu.memory_space<vmem>> -> memref<1x128xi32, #tpu.memory_space<vmem>>
      %dma_start3A_224 = tpu.memref_squeeze %dma_start3A_223 : memref<1x128xi32, #tpu.memory_space<vmem>> -> memref<128xi32, #tpu.memory_space<vmem>>
      %dma_start3A_225 = arith.constant 0 : i32
      %dma_start3A_226 = arith.constant 0 : i32
      %dma_start3A_227 = tpu.memref_slice %arg14[%dma_start3A_225, %dma_start3A_226] : memref<10240x128xf32, #tpu.memory_space<vmem_shared>> -> memref<10240x128xf32, #tpu.memory_space<vmem_shared>>
      tpu.enqueue_indirect_dma source(%arg9 : memref<128x128xf32, #tpu.memory_space<vmem>>) target(%dma_start3A_227 : memref<10240x128xf32, #tpu.memory_space<vmem_shared>>) offsets(%dma_start3A_224 : memref<128xi32, #tpu.memory_space<vmem>>) semaphore(%arg13 : memref<!tpu.dma_semaphore, #tpu.memory_space<semaphore_mem>>) {add = true}
      %dma_wait3A_228 = arith.constant 0 : i32
      %dma_wait3A_229 = arith.constant 0 : i32
      %dma_wait3A_230 = tpu.memref_slice %arg14[%dma_wait3A_228, %dma_wait3A_229] : memref<10240x128xf32, #tpu.memory_space<vmem_shared>> -> memref<128x128xf32, #tpu.memory_space<vmem_shared>>
      %dma_wait3A_231 = arith.constant 0 : i32
      %dma_wait3A_232 = arith.constant 0 : i32
      %dma_wait3A_233 = tpu.memref_slice %arg14[%dma_wait3A_231, %dma_wait3A_232] : memref<10240x128xf32, #tpu.memory_space<vmem_shared>> -> memref<128x128xf32, #tpu.memory_space<vmem_shared>>
      tpu.wait_dma2 semaphore(%arg13 : memref<!tpu.dma_semaphore, #tpu.memory_space<semaphore_mem>>) src(%arg9 : memref<128x128xf32, #tpu.memory_space<vmem>>) dst(%dma_wait3A_233 : memref<128x128xf32, #tpu.memory_space<vmem_shared>>)
      %dma_start3A_234 = arith.constant 9 : i32
      %dma_start3A_235 = arith.constant 0 : i32
      %dma_start3A_236 = tpu.memref_slice %arg6[%dma_start3A_234, %dma_start3A_235] : memref<16x128xi32, #tpu.memory_space<vmem>> -> memref<1x128xi32, #tpu.memory_space<vmem>>
      %dma_start3A_237 = tpu.memref_squeeze %dma_start3A_236 : memref<1x128xi32, #tpu.memory_space<vmem>> -> memref<128xi32, #tpu.memory_space<vmem>>
      %dma_start3A_238 = arith.constant 0 : i32
      %dma_start3A_239 = arith.constant 0 : i32
      %dma_start3A_240 = tpu.memref_slice %arg2[%dma_start3A_238, %dma_start3A_239] : memref<20480x128xf32, #tpu.memory_space<hbm>> -> memref<20480x128xf32, #tpu.memory_space<hbm>>
      tpu.enqueue_indirect_dma source(%dma_start3A_240 : memref<20480x128xf32, #tpu.memory_space<hbm>>) target(%arg9 : memref<128x128xf32, #tpu.memory_space<vmem>>) offsets(%dma_start3A_237 : memref<128xi32, #tpu.memory_space<vmem>>) semaphore(%arg11 : memref<!tpu.dma_semaphore, #tpu.memory_space<semaphore_mem>>)
      %dma_wait3A_241 = arith.constant 0 : i32
      %dma_wait3A_242 = arith.constant 0 : i32
      %dma_wait3A_243 = tpu.memref_slice %arg2[%dma_wait3A_241, %dma_wait3A_242] : memref<20480x128xf32, #tpu.memory_space<hbm>> -> memref<128x128xf32, #tpu.memory_space<hbm>>
      %dma_wait3A_244 = arith.constant 0 : i32
      %dma_wait3A_245 = arith.constant 0 : i32
      %dma_wait3A_246 = tpu.memref_slice %arg2[%dma_wait3A_244, %dma_wait3A_245] : memref<20480x128xf32, #tpu.memory_space<hbm>> -> memref<128x128xf32, #tpu.memory_space<hbm>>
      tpu.wait_dma2 semaphore(%arg10 : memref<!tpu.dma_semaphore, #tpu.memory_space<semaphore_mem>>) src(%dma_wait3A_246 : memref<128x128xf32, #tpu.memory_space<hbm>>) dst(%arg8 : memref<128x128xf32, #tpu.memory_space<vmem>>)
      %dma_start3A_247 = arith.constant 8 : i32
      %dma_start3A_248 = arith.constant 0 : i32
      %dma_start3A_249 = tpu.memref_slice %arg7[%dma_start3A_247, %dma_start3A_248] : memref<16x128xi32, #tpu.memory_space<vmem>> -> memref<1x128xi32, #tpu.memory_space<vmem>>
      %dma_start3A_250 = tpu.memref_squeeze %dma_start3A_249 : memref<1x128xi32, #tpu.memory_space<vmem>> -> memref<128xi32, #tpu.memory_space<vmem>>
      %dma_start3A_251 = arith.constant 0 : i32
      %dma_start3A_252 = arith.constant 0 : i32
      %dma_start3A_253 = tpu.memref_slice %arg14[%dma_start3A_251, %dma_start3A_252] : memref<10240x128xf32, #tpu.memory_space<vmem_shared>> -> memref<10240x128xf32, #tpu.memory_space<vmem_shared>>
      tpu.enqueue_indirect_dma source(%arg8 : memref<128x128xf32, #tpu.memory_space<vmem>>) target(%dma_start3A_253 : memref<10240x128xf32, #tpu.memory_space<vmem_shared>>) offsets(%dma_start3A_250 : memref<128xi32, #tpu.memory_space<vmem>>) semaphore(%arg12 : memref<!tpu.dma_semaphore, #tpu.memory_space<semaphore_mem>>) {add = true}
      %dma_wait3A_254 = arith.constant 0 : i32
      %dma_wait3A_255 = arith.constant 0 : i32
      %dma_wait3A_256 = tpu.memref_slice %arg14[%dma_wait3A_254, %dma_wait3A_255] : memref<10240x128xf32, #tpu.memory_space<vmem_shared>> -> memref<128x128xf32, #tpu.memory_space<vmem_shared>>
      %dma_wait3A_257 = arith.constant 0 : i32
      %dma_wait3A_258 = arith.constant 0 : i32
      %dma_wait3A_259 = tpu.memref_slice %arg14[%dma_wait3A_257, %dma_wait3A_258] : memref<10240x128xf32, #tpu.memory_space<vmem_shared>> -> memref<128x128xf32, #tpu.memory_space<vmem_shared>>
      tpu.wait_dma2 semaphore(%arg12 : memref<!tpu.dma_semaphore, #tpu.memory_space<semaphore_mem>>) src(%arg8 : memref<128x128xf32, #tpu.memory_space<vmem>>) dst(%dma_wait3A_259 : memref<128x128xf32, #tpu.memory_space<vmem_shared>>)
      %dma_start3A_260 = arith.constant 10 : i32
      %dma_start3A_261 = arith.constant 0 : i32
      %dma_start3A_262 = tpu.memref_slice %arg6[%dma_start3A_260, %dma_start3A_261] : memref<16x128xi32, #tpu.memory_space<vmem>> -> memref<1x128xi32, #tpu.memory_space<vmem>>
      %dma_start3A_263 = tpu.memref_squeeze %dma_start3A_262 : memref<1x128xi32, #tpu.memory_space<vmem>> -> memref<128xi32, #tpu.memory_space<vmem>>
      %dma_start3A_264 = arith.constant 0 : i32
      %dma_start3A_265 = arith.constant 0 : i32
      %dma_start3A_266 = tpu.memref_slice %arg2[%dma_start3A_264, %dma_start3A_265] : memref<20480x128xf32, #tpu.memory_space<hbm>> -> memref<20480x128xf32, #tpu.memory_space<hbm>>
      tpu.enqueue_indirect_dma source(%dma_start3A_266 : memref<20480x128xf32, #tpu.memory_space<hbm>>) target(%arg8 : memref<128x128xf32, #tpu.memory_space<vmem>>) offsets(%dma_start3A_263 : memref<128xi32, #tpu.memory_space<vmem>>) semaphore(%arg10 : memref<!tpu.dma_semaphore, #tpu.memory_space<semaphore_mem>>)
      %dma_wait3A_267 = arith.constant 0 : i32
      %dma_wait3A_268 = arith.constant 0 : i32
      %dma_wait3A_269 = tpu.memref_slice %arg2[%dma_wait3A_267, %dma_wait3A_268] : memref<20480x128xf32, #tpu.memory_space<hbm>> -> memref<128x128xf32, #tpu.memory_space<hbm>>
      %dma_wait3A_270 = arith.constant 0 : i32
      %dma_wait3A_271 = arith.constant 0 : i32
      %dma_wait3A_272 = tpu.memref_slice %arg2[%dma_wait3A_270, %dma_wait3A_271] : memref<20480x128xf32, #tpu.memory_space<hbm>> -> memref<128x128xf32, #tpu.memory_space<hbm>>
      tpu.wait_dma2 semaphore(%arg11 : memref<!tpu.dma_semaphore, #tpu.memory_space<semaphore_mem>>) src(%dma_wait3A_272 : memref<128x128xf32, #tpu.memory_space<hbm>>) dst(%arg9 : memref<128x128xf32, #tpu.memory_space<vmem>>)
      %dma_start3A_273 = arith.constant 9 : i32
      %dma_start3A_274 = arith.constant 0 : i32
      %dma_start3A_275 = tpu.memref_slice %arg7[%dma_start3A_273, %dma_start3A_274] : memref<16x128xi32, #tpu.memory_space<vmem>> -> memref<1x128xi32, #tpu.memory_space<vmem>>
      %dma_start3A_276 = tpu.memref_squeeze %dma_start3A_275 : memref<1x128xi32, #tpu.memory_space<vmem>> -> memref<128xi32, #tpu.memory_space<vmem>>
      %dma_start3A_277 = arith.constant 0 : i32
      %dma_start3A_278 = arith.constant 0 : i32
      %dma_start3A_279 = tpu.memref_slice %arg14[%dma_start3A_277, %dma_start3A_278] : memref<10240x128xf32, #tpu.memory_space<vmem_shared>> -> memref<10240x128xf32, #tpu.memory_space<vmem_shared>>
      tpu.enqueue_indirect_dma source(%arg9 : memref<128x128xf32, #tpu.memory_space<vmem>>) target(%dma_start3A_279 : memref<10240x128xf32, #tpu.memory_space<vmem_shared>>) offsets(%dma_start3A_276 : memref<128xi32, #tpu.memory_space<vmem>>) semaphore(%arg13 : memref<!tpu.dma_semaphore, #tpu.memory_space<semaphore_mem>>) {add = true}
      %dma_wait3A_280 = arith.constant 0 : i32
      %dma_wait3A_281 = arith.constant 0 : i32
      %dma_wait3A_282 = tpu.memref_slice %arg14[%dma_wait3A_280, %dma_wait3A_281] : memref<10240x128xf32, #tpu.memory_space<vmem_shared>> -> memref<128x128xf32, #tpu.memory_space<vmem_shared>>
      %dma_wait3A_283 = arith.constant 0 : i32
      %dma_wait3A_284 = arith.constant 0 : i32
      %dma_wait3A_285 = tpu.memref_slice %arg14[%dma_wait3A_283, %dma_wait3A_284] : memref<10240x128xf32, #tpu.memory_space<vmem_shared>> -> memref<128x128xf32, #tpu.memory_space<vmem_shared>>
      tpu.wait_dma2 semaphore(%arg13 : memref<!tpu.dma_semaphore, #tpu.memory_space<semaphore_mem>>) src(%arg9 : memref<128x128xf32, #tpu.memory_space<vmem>>) dst(%dma_wait3A_285 : memref<128x128xf32, #tpu.memory_space<vmem_shared>>)
      %dma_start3A_286 = arith.constant 11 : i32
      %dma_start3A_287 = arith.constant 0 : i32
      %dma_start3A_288 = tpu.memref_slice %arg6[%dma_start3A_286, %dma_start3A_287] : memref<16x128xi32, #tpu.memory_space<vmem>> -> memref<1x128xi32, #tpu.memory_space<vmem>>
      %dma_start3A_289 = tpu.memref_squeeze %dma_start3A_288 : memref<1x128xi32, #tpu.memory_space<vmem>> -> memref<128xi32, #tpu.memory_space<vmem>>
      %dma_start3A_290 = arith.constant 0 : i32
      %dma_start3A_291 = arith.constant 0 : i32
      %dma_start3A_292 = tpu.memref_slice %arg2[%dma_start3A_290, %dma_start3A_291] : memref<20480x128xf32, #tpu.memory_space<hbm>> -> memref<20480x128xf32, #tpu.memory_space<hbm>>
      tpu.enqueue_indirect_dma source(%dma_start3A_292 : memref<20480x128xf32, #tpu.memory_space<hbm>>) target(%arg9 : memref<128x128xf32, #tpu.memory_space<vmem>>) offsets(%dma_start3A_289 : memref<128xi32, #tpu.memory_space<vmem>>) semaphore(%arg11 : memref<!tpu.dma_semaphore, #tpu.memory_space<semaphore_mem>>)
      %dma_wait3A_293 = arith.constant 0 : i32
      %dma_wait3A_294 = arith.constant 0 : i32
      %dma_wait3A_295 = tpu.memref_slice %arg2[%dma_wait3A_293, %dma_wait3A_294] : memref<20480x128xf32, #tpu.memory_space<hbm>> -> memref<128x128xf32, #tpu.memory_space<hbm>>
      %dma_wait3A_296 = arith.constant 0 : i32
      %dma_wait3A_297 = arith.constant 0 : i32
      %dma_wait3A_298 = tpu.memref_slice %arg2[%dma_wait3A_296, %dma_wait3A_297] : memref<20480x128xf32, #tpu.memory_space<hbm>> -> memref<128x128xf32, #tpu.memory_space<hbm>>
      tpu.wait_dma2 semaphore(%arg10 : memref<!tpu.dma_semaphore, #tpu.memory_space<semaphore_mem>>) src(%dma_wait3A_298 : memref<128x128xf32, #tpu.memory_space<hbm>>) dst(%arg8 : memref<128x128xf32, #tpu.memory_space<vmem>>)
      %dma_start3A_299 = arith.constant 10 : i32
      %dma_start3A_300 = arith.constant 0 : i32
      %dma_start3A_301 = tpu.memref_slice %arg7[%dma_start3A_299, %dma_start3A_300] : memref<16x128xi32, #tpu.memory_space<vmem>> -> memref<1x128xi32, #tpu.memory_space<vmem>>
      %dma_start3A_302 = tpu.memref_squeeze %dma_start3A_301 : memref<1x128xi32, #tpu.memory_space<vmem>> -> memref<128xi32, #tpu.memory_space<vmem>>
      %dma_start3A_303 = arith.constant 0 : i32
      %dma_start3A_304 = arith.constant 0 : i32
      %dma_start3A_305 = tpu.memref_slice %arg14[%dma_start3A_303, %dma_start3A_304] : memref<10240x128xf32, #tpu.memory_space<vmem_shared>> -> memref<10240x128xf32, #tpu.memory_space<vmem_shared>>
      tpu.enqueue_indirect_dma source(%arg8 : memref<128x128xf32, #tpu.memory_space<vmem>>) target(%dma_start3A_305 : memref<10240x128xf32, #tpu.memory_space<vmem_shared>>) offsets(%dma_start3A_302 : memref<128xi32, #tpu.memory_space<vmem>>) semaphore(%arg12 : memref<!tpu.dma_semaphore, #tpu.memory_space<semaphore_mem>>) {add = true}
      %dma_wait3A_306 = arith.constant 0 : i32
      %dma_wait3A_307 = arith.constant 0 : i32
      %dma_wait3A_308 = tpu.memref_slice %arg14[%dma_wait3A_306, %dma_wait3A_307] : memref<10240x128xf32, #tpu.memory_space<vmem_shared>> -> memref<128x128xf32, #tpu.memory_space<vmem_shared>>
      %dma_wait3A_309 = arith.constant 0 : i32
      %dma_wait3A_310 = arith.constant 0 : i32
      %dma_wait3A_311 = tpu.memref_slice %arg14[%dma_wait3A_309, %dma_wait3A_310] : memref<10240x128xf32, #tpu.memory_space<vmem_shared>> -> memref<128x128xf32, #tpu.memory_space<vmem_shared>>
      tpu.wait_dma2 semaphore(%arg12 : memref<!tpu.dma_semaphore, #tpu.memory_space<semaphore_mem>>) src(%arg8 : memref<128x128xf32, #tpu.memory_space<vmem>>) dst(%dma_wait3A_311 : memref<128x128xf32, #tpu.memory_space<vmem_shared>>)
      %dma_start3A_312 = arith.constant 12 : i32
      %dma_start3A_313 = arith.constant 0 : i32
      %dma_start3A_314 = tpu.memref_slice %arg6[%dma_start3A_312, %dma_start3A_313] : memref<16x128xi32, #tpu.memory_space<vmem>> -> memref<1x128xi32, #tpu.memory_space<vmem>>
      %dma_start3A_315 = tpu.memref_squeeze %dma_start3A_314 : memref<1x128xi32, #tpu.memory_space<vmem>> -> memref<128xi32, #tpu.memory_space<vmem>>
      %dma_start3A_316 = arith.constant 0 : i32
      %dma_start3A_317 = arith.constant 0 : i32
      %dma_start3A_318 = tpu.memref_slice %arg2[%dma_start3A_316, %dma_start3A_317] : memref<20480x128xf32, #tpu.memory_space<hbm>> -> memref<20480x128xf32, #tpu.memory_space<hbm>>
      tpu.enqueue_indirect_dma source(%dma_start3A_318 : memref<20480x128xf32, #tpu.memory_space<hbm>>) target(%arg8 : memref<128x128xf32, #tpu.memory_space<vmem>>) offsets(%dma_start3A_315 : memref<128xi32, #tpu.memory_space<vmem>>) semaphore(%arg10 : memref<!tpu.dma_semaphore, #tpu.memory_space<semaphore_mem>>)
      %dma_wait3A_319 = arith.constant 0 : i32
      %dma_wait3A_320 = arith.constant 0 : i32
      %dma_wait3A_321 = tpu.memref_slice %arg2[%dma_wait3A_319, %dma_wait3A_320] : memref<20480x128xf32, #tpu.memory_space<hbm>> -> memref<128x128xf32, #tpu.memory_space<hbm>>
      %dma_wait3A_322 = arith.constant 0 : i32
      %dma_wait3A_323 = arith.constant 0 : i32
      %dma_wait3A_324 = tpu.memref_slice %arg2[%dma_wait3A_322, %dma_wait3A_323] : memref<20480x128xf32, #tpu.memory_space<hbm>> -> memref<128x128xf32, #tpu.memory_space<hbm>>
      tpu.wait_dma2 semaphore(%arg11 : memref<!tpu.dma_semaphore, #tpu.memory_space<semaphore_mem>>) src(%dma_wait3A_324 : memref<128x128xf32, #tpu.memory_space<hbm>>) dst(%arg9 : memref<128x128xf32, #tpu.memory_space<vmem>>)
      %dma_start3A_325 = arith.constant 11 : i32
      %dma_start3A_326 = arith.constant 0 : i32
      %dma_start3A_327 = tpu.memref_slice %arg7[%dma_start3A_325, %dma_start3A_326] : memref<16x128xi32, #tpu.memory_space<vmem>> -> memref<1x128xi32, #tpu.memory_space<vmem>>
      %dma_start3A_328 = tpu.memref_squeeze %dma_start3A_327 : memref<1x128xi32, #tpu.memory_space<vmem>> -> memref<128xi32, #tpu.memory_space<vmem>>
      %dma_start3A_329 = arith.constant 0 : i32
      %dma_start3A_330 = arith.constant 0 : i32
      %dma_start3A_331 = tpu.memref_slice %arg14[%dma_start3A_329, %dma_start3A_330] : memref<10240x128xf32, #tpu.memory_space<vmem_shared>> -> memref<10240x128xf32, #tpu.memory_space<vmem_shared>>
      tpu.enqueue_indirect_dma source(%arg9 : memref<128x128xf32, #tpu.memory_space<vmem>>) target(%dma_start3A_331 : memref<10240x128xf32, #tpu.memory_space<vmem_shared>>) offsets(%dma_start3A_328 : memref<128xi32, #tpu.memory_space<vmem>>) semaphore(%arg13 : memref<!tpu.dma_semaphore, #tpu.memory_space<semaphore_mem>>) {add = true}
      %dma_wait3A_332 = arith.constant 0 : i32
      %dma_wait3A_333 = arith.constant 0 : i32
      %dma_wait3A_334 = tpu.memref_slice %arg14[%dma_wait3A_332, %dma_wait3A_333] : memref<10240x128xf32, #tpu.memory_space<vmem_shared>> -> memref<128x128xf32, #tpu.memory_space<vmem_shared>>
      %dma_wait3A_335 = arith.constant 0 : i32
      %dma_wait3A_336 = arith.constant 0 : i32
      %dma_wait3A_337 = tpu.memref_slice %arg14[%dma_wait3A_335, %dma_wait3A_336] : memref<10240x128xf32, #tpu.memory_space<vmem_shared>> -> memref<128x128xf32, #tpu.memory_space<vmem_shared>>
      tpu.wait_dma2 semaphore(%arg13 : memref<!tpu.dma_semaphore, #tpu.memory_space<semaphore_mem>>) src(%arg9 : memref<128x128xf32, #tpu.memory_space<vmem>>) dst(%dma_wait3A_337 : memref<128x128xf32, #tpu.memory_space<vmem_shared>>)
      %dma_start3A_338 = arith.constant 13 : i32
      %dma_start3A_339 = arith.constant 0 : i32
      %dma_start3A_340 = tpu.memref_slice %arg6[%dma_start3A_338, %dma_start3A_339] : memref<16x128xi32, #tpu.memory_space<vmem>> -> memref<1x128xi32, #tpu.memory_space<vmem>>
      %dma_start3A_341 = tpu.memref_squeeze %dma_start3A_340 : memref<1x128xi32, #tpu.memory_space<vmem>> -> memref<128xi32, #tpu.memory_space<vmem>>
      %dma_start3A_342 = arith.constant 0 : i32
      %dma_start3A_343 = arith.constant 0 : i32
      %dma_start3A_344 = tpu.memref_slice %arg2[%dma_start3A_342, %dma_start3A_343] : memref<20480x128xf32, #tpu.memory_space<hbm>> -> memref<20480x128xf32, #tpu.memory_space<hbm>>
      tpu.enqueue_indirect_dma source(%dma_start3A_344 : memref<20480x128xf32, #tpu.memory_space<hbm>>) target(%arg9 : memref<128x128xf32, #tpu.memory_space<vmem>>) offsets(%dma_start3A_341 : memref<128xi32, #tpu.memory_space<vmem>>) semaphore(%arg11 : memref<!tpu.dma_semaphore, #tpu.memory_space<semaphore_mem>>)
      %dma_wait3A_345 = arith.constant 0 : i32
      %dma_wait3A_346 = arith.constant 0 : i32
      %dma_wait3A_347 = tpu.memref_slice %arg2[%dma_wait3A_345, %dma_wait3A_346] : memref<20480x128xf32, #tpu.memory_space<hbm>> -> memref<128x128xf32, #tpu.memory_space<hbm>>
      %dma_wait3A_348 = arith.constant 0 : i32
      %dma_wait3A_349 = arith.constant 0 : i32
      %dma_wait3A_350 = tpu.memref_slice %arg2[%dma_wait3A_348, %dma_wait3A_349] : memref<20480x128xf32, #tpu.memory_space<hbm>> -> memref<128x128xf32, #tpu.memory_space<hbm>>
      tpu.wait_dma2 semaphore(%arg10 : memref<!tpu.dma_semaphore, #tpu.memory_space<semaphore_mem>>) src(%dma_wait3A_350 : memref<128x128xf32, #tpu.memory_space<hbm>>) dst(%arg8 : memref<128x128xf32, #tpu.memory_space<vmem>>)
      %dma_start3A_351 = arith.constant 12 : i32
      %dma_start3A_352 = arith.constant 0 : i32
      %dma_start3A_353 = tpu.memref_slice %arg7[%dma_start3A_351, %dma_start3A_352] : memref<16x128xi32, #tpu.memory_space<vmem>> -> memref<1x128xi32, #tpu.memory_space<vmem>>
      %dma_start3A_354 = tpu.memref_squeeze %dma_start3A_353 : memref<1x128xi32, #tpu.memory_space<vmem>> -> memref<128xi32, #tpu.memory_space<vmem>>
      %dma_start3A_355 = arith.constant 0 : i32
      %dma_start3A_356 = arith.constant 0 : i32
      %dma_start3A_357 = tpu.memref_slice %arg14[%dma_start3A_355, %dma_start3A_356] : memref<10240x128xf32, #tpu.memory_space<vmem_shared>> -> memref<10240x128xf32, #tpu.memory_space<vmem_shared>>
      tpu.enqueue_indirect_dma source(%arg8 : memref<128x128xf32, #tpu.memory_space<vmem>>) target(%dma_start3A_357 : memref<10240x128xf32, #tpu.memory_space<vmem_shared>>) offsets(%dma_start3A_354 : memref<128xi32, #tpu.memory_space<vmem>>) semaphore(%arg12 : memref<!tpu.dma_semaphore, #tpu.memory_space<semaphore_mem>>) {add = true}
      %dma_wait3A_358 = arith.constant 0 : i32
      %dma_wait3A_359 = arith.constant 0 : i32
      %dma_wait3A_360 = tpu.memref_slice %arg14[%dma_wait3A_358, %dma_wait3A_359] : memref<10240x128xf32, #tpu.memory_space<vmem_shared>> -> memref<128x128xf32, #tpu.memory_space<vmem_shared>>
      %dma_wait3A_361 = arith.constant 0 : i32
      %dma_wait3A_362 = arith.constant 0 : i32
      %dma_wait3A_363 = tpu.memref_slice %arg14[%dma_wait3A_361, %dma_wait3A_362] : memref<10240x128xf32, #tpu.memory_space<vmem_shared>> -> memref<128x128xf32, #tpu.memory_space<vmem_shared>>
      tpu.wait_dma2 semaphore(%arg12 : memref<!tpu.dma_semaphore, #tpu.memory_space<semaphore_mem>>) src(%arg8 : memref<128x128xf32, #tpu.memory_space<vmem>>) dst(%dma_wait3A_363 : memref<128x128xf32, #tpu.memory_space<vmem_shared>>)
      %dma_start3A_364 = arith.constant 14 : i32
      %dma_start3A_365 = arith.constant 0 : i32
      %dma_start3A_366 = tpu.memref_slice %arg6[%dma_start3A_364, %dma_start3A_365] : memref<16x128xi32, #tpu.memory_space<vmem>> -> memref<1x128xi32, #tpu.memory_space<vmem>>
      %dma_start3A_367 = tpu.memref_squeeze %dma_start3A_366 : memref<1x128xi32, #tpu.memory_space<vmem>> -> memref<128xi32, #tpu.memory_space<vmem>>
      %dma_start3A_368 = arith.constant 0 : i32
      %dma_start3A_369 = arith.constant 0 : i32
      %dma_start3A_370 = tpu.memref_slice %arg2[%dma_start3A_368, %dma_start3A_369] : memref<20480x128xf32, #tpu.memory_space<hbm>> -> memref<20480x128xf32, #tpu.memory_space<hbm>>
      tpu.enqueue_indirect_dma source(%dma_start3A_370 : memref<20480x128xf32, #tpu.memory_space<hbm>>) target(%arg8 : memref<128x128xf32, #tpu.memory_space<vmem>>) offsets(%dma_start3A_367 : memref<128xi32, #tpu.memory_space<vmem>>) semaphore(%arg10 : memref<!tpu.dma_semaphore, #tpu.memory_space<semaphore_mem>>)
      %dma_wait3A_371 = arith.constant 0 : i32
      %dma_wait3A_372 = arith.constant 0 : i32
      %dma_wait3A_373 = tpu.memref_slice %arg2[%dma_wait3A_371, %dma_wait3A_372] : memref<20480x128xf32, #tpu.memory_space<hbm>> -> memref<128x128xf32, #tpu.memory_space<hbm>>
      %dma_wait3A_374 = arith.constant 0 : i32
      %dma_wait3A_375 = arith.constant 0 : i32
      %dma_wait3A_376 = tpu.memref_slice %arg2[%dma_wait3A_374, %dma_wait3A_375] : memref<20480x128xf32, #tpu.memory_space<hbm>> -> memref<128x128xf32, #tpu.memory_space<hbm>>
      tpu.wait_dma2 semaphore(%arg11 : memref<!tpu.dma_semaphore, #tpu.memory_space<semaphore_mem>>) src(%dma_wait3A_376 : memref<128x128xf32, #tpu.memory_space<hbm>>) dst(%arg9 : memref<128x128xf32, #tpu.memory_space<vmem>>)
      %dma_start3A_377 = arith.constant 13 : i32
      %dma_start3A_378 = arith.constant 0 : i32
      %dma_start3A_379 = tpu.memref_slice %arg7[%dma_start3A_377, %dma_start3A_378] : memref<16x128xi32, #tpu.memory_space<vmem>> -> memref<1x128xi32, #tpu.memory_space<vmem>>
      %dma_start3A_380 = tpu.memref_squeeze %dma_start3A_379 : memref<1x128xi32, #tpu.memory_space<vmem>> -> memref<128xi32, #tpu.memory_space<vmem>>
      %dma_start3A_381 = arith.constant 0 : i32
      %dma_start3A_382 = arith.constant 0 : i32
      %dma_start3A_383 = tpu.memref_slice %arg14[%dma_start3A_381, %dma_start3A_382] : memref<10240x128xf32, #tpu.memory_space<vmem_shared>> -> memref<10240x128xf32, #tpu.memory_space<vmem_shared>>
      tpu.enqueue_indirect_dma source(%arg9 : memref<128x128xf32, #tpu.memory_space<vmem>>) target(%dma_start3A_383 : memref<10240x128xf32, #tpu.memory_space<vmem_shared>>) offsets(%dma_start3A_380 : memref<128xi32, #tpu.memory_space<vmem>>) semaphore(%arg13 : memref<!tpu.dma_semaphore, #tpu.memory_space<semaphore_mem>>) {add = true}
      %dma_wait3A_384 = arith.constant 0 : i32
      %dma_wait3A_385 = arith.constant 0 : i32
      %dma_wait3A_386 = tpu.memref_slice %arg14[%dma_wait3A_384, %dma_wait3A_385] : memref<10240x128xf32, #tpu.memory_space<vmem_shared>> -> memref<128x128xf32, #tpu.memory_space<vmem_shared>>
      %dma_wait3A_387 = arith.constant 0 : i32
      %dma_wait3A_388 = arith.constant 0 : i32
      %dma_wait3A_389 = tpu.memref_slice %arg14[%dma_wait3A_387, %dma_wait3A_388] : memref<10240x128xf32, #tpu.memory_space<vmem_shared>> -> memref<128x128xf32, #tpu.memory_space<vmem_shared>>
      tpu.wait_dma2 semaphore(%arg13 : memref<!tpu.dma_semaphore, #tpu.memory_space<semaphore_mem>>) src(%arg9 : memref<128x128xf32, #tpu.memory_space<vmem>>) dst(%dma_wait3A_389 : memref<128x128xf32, #tpu.memory_space<vmem_shared>>)
      %dma_start3A_390 = arith.constant 15 : i32
      %dma_start3A_391 = arith.constant 0 : i32
      %dma_start3A_392 = tpu.memref_slice %arg6[%dma_start3A_390, %dma_start3A_391] : memref<16x128xi32, #tpu.memory_space<vmem>> -> memref<1x128xi32, #tpu.memory_space<vmem>>
      %dma_start3A_393 = tpu.memref_squeeze %dma_start3A_392 : memref<1x128xi32, #tpu.memory_space<vmem>> -> memref<128xi32, #tpu.memory_space<vmem>>
      %dma_start3A_394 = arith.constant 0 : i32
      %dma_start3A_395 = arith.constant 0 : i32
      %dma_start3A_396 = tpu.memref_slice %arg2[%dma_start3A_394, %dma_start3A_395] : memref<20480x128xf32, #tpu.memory_space<hbm>> -> memref<20480x128xf32, #tpu.memory_space<hbm>>
      tpu.enqueue_indirect_dma source(%dma_start3A_396 : memref<20480x128xf32, #tpu.memory_space<hbm>>) target(%arg9 : memref<128x128xf32, #tpu.memory_space<vmem>>) offsets(%dma_start3A_393 : memref<128xi32, #tpu.memory_space<vmem>>) semaphore(%arg11 : memref<!tpu.dma_semaphore, #tpu.memory_space<semaphore_mem>>)
      %dma_wait3A_397 = arith.constant 0 : i32
      %dma_wait3A_398 = arith.constant 0 : i32
      %dma_wait3A_399 = tpu.memref_slice %arg2[%dma_wait3A_397, %dma_wait3A_398] : memref<20480x128xf32, #tpu.memory_space<hbm>> -> memref<128x128xf32, #tpu.memory_space<hbm>>
      %dma_wait3A_400 = arith.constant 0 : i32
      %dma_wait3A_401 = arith.constant 0 : i32
      %dma_wait3A_402 = tpu.memref_slice %arg2[%dma_wait3A_400, %dma_wait3A_401] : memref<20480x128xf32, #tpu.memory_space<hbm>> -> memref<128x128xf32, #tpu.memory_space<hbm>>
      tpu.wait_dma2 semaphore(%arg10 : memref<!tpu.dma_semaphore, #tpu.memory_space<semaphore_mem>>) src(%dma_wait3A_402 : memref<128x128xf32, #tpu.memory_space<hbm>>) dst(%arg8 : memref<128x128xf32, #tpu.memory_space<vmem>>)
      %dma_start3A_403 = arith.constant 14 : i32
      %dma_start3A_404 = arith.constant 0 : i32
      %dma_start3A_405 = tpu.memref_slice %arg7[%dma_start3A_403, %dma_start3A_404] : memref<16x128xi32, #tpu.memory_space<vmem>> -> memref<1x128xi32, #tpu.memory_space<vmem>>
      %dma_start3A_406 = tpu.memref_squeeze %dma_start3A_405 : memref<1x128xi32, #tpu.memory_space<vmem>> -> memref<128xi32, #tpu.memory_space<vmem>>
      %dma_start3A_407 = arith.constant 0 : i32
      %dma_start3A_408 = arith.constant 0 : i32
      %dma_start3A_409 = tpu.memref_slice %arg14[%dma_start3A_407, %dma_start3A_408] : memref<10240x128xf32, #tpu.memory_space<vmem_shared>> -> memref<10240x128xf32, #tpu.memory_space<vmem_shared>>
      tpu.enqueue_indirect_dma source(%arg8 : memref<128x128xf32, #tpu.memory_space<vmem>>) target(%dma_start3A_409 : memref<10240x128xf32, #tpu.memory_space<vmem_shared>>) offsets(%dma_start3A_406 : memref<128xi32, #tpu.memory_space<vmem>>) semaphore(%arg12 : memref<!tpu.dma_semaphore, #tpu.memory_space<semaphore_mem>>) {add = true}
      %dma_wait3A_410 = arith.constant 0 : i32
      %dma_wait3A_411 = arith.constant 0 : i32
      %dma_wait3A_412 = tpu.memref_slice %arg2[%dma_wait3A_410, %dma_wait3A_411] : memref<20480x128xf32, #tpu.memory_space<hbm>> -> memref<128x128xf32, #tpu.memory_space<hbm>>
      %dma_wait3A_413 = arith.constant 0 : i32
      %dma_wait3A_414 = arith.constant 0 : i32
      %dma_wait3A_415 = tpu.memref_slice %arg2[%dma_wait3A_413, %dma_wait3A_414] : memref<20480x128xf32, #tpu.memory_space<hbm>> -> memref<128x128xf32, #tpu.memory_space<hbm>>
      tpu.wait_dma2 semaphore(%arg11 : memref<!tpu.dma_semaphore, #tpu.memory_space<semaphore_mem>>) src(%dma_wait3A_415 : memref<128x128xf32, #tpu.memory_space<hbm>>) dst(%arg9 : memref<128x128xf32, #tpu.memory_space<vmem>>)
      %dma_start3A_416 = arith.constant 15 : i32
      %dma_start3A_417 = arith.constant 0 : i32
      %dma_start3A_418 = tpu.memref_slice %arg7[%dma_start3A_416, %dma_start3A_417] : memref<16x128xi32, #tpu.memory_space<vmem>> -> memref<1x128xi32, #tpu.memory_space<vmem>>
      %dma_start3A_419 = tpu.memref_squeeze %dma_start3A_418 : memref<1x128xi32, #tpu.memory_space<vmem>> -> memref<128xi32, #tpu.memory_space<vmem>>
      %dma_start3A_420 = arith.constant 0 : i32
      %dma_start3A_421 = arith.constant 0 : i32
      %dma_start3A_422 = tpu.memref_slice %arg14[%dma_start3A_420, %dma_start3A_421] : memref<10240x128xf32, #tpu.memory_space<vmem_shared>> -> memref<10240x128xf32, #tpu.memory_space<vmem_shared>>
      tpu.enqueue_indirect_dma source(%arg9 : memref<128x128xf32, #tpu.memory_space<vmem>>) target(%dma_start3A_422 : memref<10240x128xf32, #tpu.memory_space<vmem_shared>>) offsets(%dma_start3A_419 : memref<128xi32, #tpu.memory_space<vmem>>) semaphore(%arg13 : memref<!tpu.dma_semaphore, #tpu.memory_space<semaphore_mem>>) {add = true}
      %dma_wait3A_423 = arith.constant 0 : i32
      %dma_wait3A_424 = arith.constant 0 : i32
      %dma_wait3A_425 = tpu.memref_slice %arg14[%dma_wait3A_423, %dma_wait3A_424] : memref<10240x128xf32, #tpu.memory_space<vmem_shared>> -> memref<128x128xf32, #tpu.memory_space<vmem_shared>>
      %dma_wait3A_426 = arith.constant 0 : i32
      %dma_wait3A_427 = arith.constant 0 : i32
      %dma_wait3A_428 = tpu.memref_slice %arg14[%dma_wait3A_426, %dma_wait3A_427] : memref<10240x128xf32, #tpu.memory_space<vmem_shared>> -> memref<128x128xf32, #tpu.memory_space<vmem_shared>>
      tpu.wait_dma2 semaphore(%arg12 : memref<!tpu.dma_semaphore, #tpu.memory_space<semaphore_mem>>) src(%arg8 : memref<128x128xf32, #tpu.memory_space<vmem>>) dst(%dma_wait3A_428 : memref<128x128xf32, #tpu.memory_space<vmem_shared>>)
      %dma_wait3A_429 = arith.constant 0 : i32
      %dma_wait3A_430 = arith.constant 0 : i32
      %dma_wait3A_431 = tpu.memref_slice %arg14[%dma_wait3A_429, %dma_wait3A_430] : memref<10240x128xf32, #tpu.memory_space<vmem_shared>> -> memref<128x128xf32, #tpu.memory_space<vmem_shared>>
      %dma_wait3A_432 = arith.constant 0 : i32
      %dma_wait3A_433 = arith.constant 0 : i32
      %dma_wait3A_434 = tpu.memref_slice %arg14[%dma_wait3A_432, %dma_wait3A_433] : memref<10240x128xf32, #tpu.memory_space<vmem_shared>> -> memref<128x128xf32, #tpu.memory_space<vmem_shared>>
      tpu.wait_dma2 semaphore(%arg13 : memref<!tpu.dma_semaphore, #tpu.memory_space<semaphore_mem>>) src(%arg9 : memref<128x128xf32, #tpu.memory_space<vmem>>) dst(%dma_wait3A_434 : memref<128x128xf32, #tpu.memory_space<vmem_shared>>)
    }
    %scan3A_7 = arith.constant 5 : i32
    %barrier3A_8 = arith.constant 0 : index
    tpu.barrier barrier_id(%barrier3A_8)
    %mul3A_9 = arith.constant 10240 : i32
    %mul3A_10 = arith.muli %arg0, %mul3A_9 : i32
    %add3A_11 = arith.addi %mul3A_10, %mul3A_0 : i32
    "tpu.region"() ({
      %run_scoped3A = tpu.sem_alloc : memref<!tpu.dma_semaphore, #tpu.memory_space<semaphore_mem>>
      %dma_start3A = arith.constant 0 : i32
      %dma_start3A_12 = tpu.memref_slice %arg5[%add3A_11, %dma_start3A] : memref<20480x128xf32, #tpu.memory_space<hbm>> -> memref<640x128xf32, #tpu.memory_space<hbm>>
      %dma_start3A_13 = arith.constant 0 : i32
      %dma_start3A_14 = tpu.memref_slice %arg14[%mul3A_0, %dma_start3A_13] : memref<10240x128xf32, #tpu.memory_space<vmem_shared>> -> memref<640x128xf32, #tpu.memory_space<vmem_shared>>
      tpu.enqueue_dma source(%dma_start3A_14 : memref<640x128xf32, #tpu.memory_space<vmem_shared>>) target(%dma_start3A_12 : memref<640x128xf32, #tpu.memory_space<hbm>>) target_semaphore(%run_scoped3A : memref<!tpu.dma_semaphore, #tpu.memory_space<semaphore_mem>>)
      %dma_wait3A = arith.constant 0 : i32
      %dma_wait3A_15 = tpu.memref_slice %arg5[%add3A_11, %dma_wait3A] : memref<20480x128xf32, #tpu.memory_space<hbm>> -> memref<640x128xf32, #tpu.memory_space<hbm>>
      %dma_wait3A_16 = arith.constant 0 : i32
      %dma_wait3A_17 = tpu.memref_slice %arg14[%mul3A_0, %dma_wait3A_16] : memref<10240x128xf32, #tpu.memory_space<vmem_shared>> -> memref<640x128xf32, #tpu.memory_space<vmem_shared>>
      tpu.wait_dma2 semaphore(%run_scoped3A : memref<!tpu.dma_semaphore, #tpu.memory_space<semaphore_mem>>) src(%dma_wait3A_17 : memref<640x128xf32, #tpu.memory_space<vmem_shared>>) dst(%dma_wait3A_15 : memref<640x128xf32, #tpu.memory_space<hbm>>)
      tpu.yield
    }) : () -> ()
    return
  }
}

module attributes {stable_mosaic.version = 14 : i64} {
  func.func @_tc1_body(%arg0: i32, %arg1: memref<256x256xf32, #tpu.memory_space<vmem>>, %arg2: memref<2x256x128xf32, #tpu.memory_space<vmem>>, %arg3: memref<256x256xf32, #tpu.memory_space<vmem>>, %arg4: memref<2x256x128xf32, #tpu.memory_space<vmem>>) attributes {dimension_semantics = [#tpu.dimension_semantics<arbitrary>], iteration_bounds = array<i64: 40>, scalar_prefetch = 0 : i64, scratch_operands = 0 : i64, tpu.core_type = #tpu.core_type<tc>, window_params = [{transform_indices = @transform_0, window_bounds = array<i64: 256, 256>}, {transform_indices = @transform_1, window_bounds = array<i64: 2, 256, 128>}, {pipeline_mode = #tpu.pipeline_mode<synchronous>, transform_indices = @transform_2, window_bounds = array<i64: 256, 256>}, {transform_indices = @transform_3, window_bounds = array<i64: 2, 256, 128>}]} {
    %get3A = arith.constant 0 : index
    %get3A_0 = arith.constant 0 : index
    %get3A_1 = arith.constant 0 : index
    %get3A_2 = vector.load %arg2[%get3A, %get3A_0, %get3A_1] : memref<2x256x128xf32, #tpu.memory_space<vmem>>, vector<1x256x1xf32>
    %get3A_3 = vector.shape_cast %get3A_2 : vector<1x256x1xf32> to vector<256x1xf32>
    %get3A_4 = arith.constant 1 : index
    %get3A_5 = arith.constant 0 : index
    %get3A_6 = arith.constant 0 : index
    %get3A_7 = vector.load %arg2[%get3A_4, %get3A_5, %get3A_6] : memref<2x256x128xf32, #tpu.memory_space<vmem>>, vector<1x256x1xf32>
    %get3A_8 = vector.shape_cast %get3A_7 : vector<1x256x1xf32> to vector<256x1xf32>
    %add3A = arith.addf %get3A_3, %get3A_8 : vector<256x1xf32>
    %add3A_9 = arith.constant 1.000000e+00 : f32
    %add3A_10 = vector.broadcast %add3A_9 : f32 to vector<256x1xf32>
    %add3A_11 = arith.addf %add3A, %add3A_10 : vector<256x1xf32>
    %rsqrt3A = math.rsqrt %add3A_11 : vector<256x1xf32>
    %get3A_12 = arith.constant 0 : index
    %get3A_13 = arith.constant 0 : index
    %get3A_14 = vector.load %arg1[%get3A_12, %get3A_13] : memref<256x256xf32, #tpu.memory_space<vmem>>, vector<256x256xf32>
    %get3A_15 = arith.constant 0 : index
    %get3A_16 = arith.constant 0 : index
    %get3A_17 = vector.load %arg3[%get3A_15, %get3A_16] : memref<256x256xf32, #tpu.memory_space<vmem>>, vector<256x256xf32>
    %dot_general3A = arith.constant dense<0.000000e+00> : vector<256x256xf32>
    %dot_general3A_18 = tpu.matmul %get3A_14, %get3A_17, %dot_general3A {dimension_numbers = #tpu.dot_dimension_numbers<[1], [0], [0], [1], [0, 0, 1, 1], [], []>, transpose_lhs_hint = false} : vector<256x256xf32>, vector<256x256xf32>, vector<256x256xf32> -> vector<256x256xf32>
    %mul3A = vector.broadcast %rsqrt3A : vector<256x1xf32> to vector<256x256xf32>
    %mul3A_19 = arith.mulf %dot_general3A_18, %mul3A : vector<256x256xf32>
    %slice3A = vector.extract_strided_slice %mul3A_19 {offsets = [0, 0], sizes = [256, 128], strides = [1, 1]} : vector<256x256xf32> to vector<256x128xf32>
    %swap3A = arith.constant 0 : index
    %swap3A_20 = arith.constant 0 : index
    %swap3A_21 = arith.constant 0 : index
    %swap3A_22 = vector.load %arg4[%swap3A, %swap3A_20, %swap3A_21] : memref<2x256x128xf32, #tpu.memory_space<vmem>>, vector<1x256x128xf32>
    %swap3A_23 = vector.shape_cast %swap3A_22 : vector<1x256x128xf32> to vector<256x128xf32>
    %swap3A_24 = vector.shape_cast %slice3A : vector<256x128xf32> to vector<1x256x128xf32>
    tpu.vector_store %arg4[%swap3A, %swap3A_20, %swap3A_21], %swap3A_24 {strides = array<i32>} : memref<2x256x128xf32, #tpu.memory_space<vmem>>, vector<1x256x128xf32>,
    %slice3A_25 = vector.extract_strided_slice %mul3A_19 {offsets = [0, 128], sizes = [256, 128], strides = [1, 1]} : vector<256x256xf32> to vector<256x128xf32>
    %swap3A_26 = arith.constant 1 : index
    %swap3A_27 = arith.constant 0 : index
    %swap3A_28 = arith.constant 0 : index
    %swap3A_29 = vector.load %arg4[%swap3A_26, %swap3A_27, %swap3A_28] : memref<2x256x128xf32, #tpu.memory_space<vmem>>, vector<1x256x128xf32>
    %swap3A_30 = vector.shape_cast %swap3A_29 : vector<1x256x128xf32> to vector<256x128xf32>
    %swap3A_31 = vector.shape_cast %slice3A_25 : vector<256x128xf32> to vector<1x256x128xf32>
    tpu.vector_store %arg4[%swap3A_26, %swap3A_27, %swap3A_28], %swap3A_31 {strides = array<i32>} : memref<2x256x128xf32, #tpu.memory_space<vmem>>, vector<1x256x128xf32>,
    return
  }
  func.func @transform_0(%arg0: i32) -> (i32, i32) {
    %c0_i32 = arith.constant 0 : i32
    %c0_i32_0 = arith.constant 0 : i32
    return %arg0, %c0_i32 : i32, i32
  }
  func.func @transform_1(%arg0: i32) -> (i32, i32, i32) {
    %c0_i32 = arith.constant 0 : i32
    %c0_i32_0 = arith.constant 0 : i32
    %c0_i32_1 = arith.constant 0 : i32
    return %c0_i32, %arg0, %c0_i32_0 : i32, i32, i32
  }
  func.func @transform_2(%arg0: i32) -> (i32, i32) {
    %c0_i32 = arith.constant 0 : i32
    %c0_i32_0 = arith.constant 0 : i32
    %c0_i32_1 = arith.constant 0 : i32
    return %c0_i32, %c0_i32_0 : i32, i32
  }
  func.func @transform_3(%arg0: i32) -> (i32, i32, i32) {
    %c0_i32 = arith.constant 0 : i32
    %c0_i32_0 = arith.constant 0 : i32
    %c0_i32_1 = arith.constant 0 : i32
    return %c0_i32, %arg0, %c0_i32_0 : i32, i32, i32
  }
}

module attributes {stable_mosaic.version = 14 : i64} {
  func.func @_tc2_body(%arg0: i32, %arg1: memref<2x256x128xf32, #tpu.memory_space<vmem>>, %arg2: memref<2x256x128xf32, #tpu.memory_space<vmem>>, %arg3: memref<256x256xf32, #tpu.memory_space<vmem>>, %arg4: memref<1x256xf32, #tpu.memory_space<vmem>>, %arg5: memref<2x256x128xf32, #tpu.memory_space<vmem>>) attributes {dimension_semantics = [#tpu.dimension_semantics<arbitrary>], iteration_bounds = array<i64: 40>, scalar_prefetch = 0 : i64, scratch_operands = 0 : i64, tpu.core_type = #tpu.core_type<tc>, window_params = [{transform_indices = @transform_0, window_bounds = array<i64: 2, 256, 128>}, {transform_indices = @transform_1, window_bounds = array<i64: 2, 256, 128>}, {pipeline_mode = #tpu.pipeline_mode<synchronous>, transform_indices = @transform_2, window_bounds = array<i64: 256, 256>}, {pipeline_mode = #tpu.pipeline_mode<synchronous>, transform_indices = @transform_3, window_bounds = array<i64: 1, 256>}, {transform_indices = @transform_4, window_bounds = array<i64: 2, 256, 128>}]} {
    %get3A = arith.constant 0 : index
    %get3A_0 = arith.constant 0 : index
    %get3A_1 = arith.constant 0 : index
    %get3A_2 = vector.load %arg2[%get3A, %get3A_0, %get3A_1] : memref<2x256x128xf32, #tpu.memory_space<vmem>>, vector<1x256x1xf32>
    %get3A_3 = vector.shape_cast %get3A_2 : vector<1x256x1xf32> to vector<256x1xf32>
    %get3A_4 = arith.constant 1 : index
    %get3A_5 = arith.constant 0 : index
    %get3A_6 = arith.constant 0 : index
    %get3A_7 = vector.load %arg2[%get3A_4, %get3A_5, %get3A_6] : memref<2x256x128xf32, #tpu.memory_space<vmem>>, vector<1x256x1xf32>
    %get3A_8 = vector.shape_cast %get3A_7 : vector<1x256x1xf32> to vector<256x1xf32>
    %add3A = arith.addf %get3A_3, %get3A_8 : vector<256x1xf32>
    %add3A_9 = arith.constant 1.000000e+00 : f32
    %add3A_10 = vector.broadcast %add3A_9 : f32 to vector<256x1xf32>
    %add3A_11 = arith.addf %add3A, %add3A_10 : vector<256x1xf32>
    %rsqrt3A = math.rsqrt %add3A_11 : vector<256x1xf32>
    %get3A_12 = arith.constant 0 : index
    %get3A_13 = arith.constant 0 : index
    %get3A_14 = arith.constant 0 : index
    %get3A_15 = vector.load %arg1[%get3A_12, %get3A_13, %get3A_14] : memref<2x256x128xf32, #tpu.memory_space<vmem>>, vector<1x256x128xf32>
    %get3A_16 = vector.shape_cast %get3A_15 : vector<1x256x128xf32> to vector<256x128xf32>
    %get3A_17 = arith.constant 1 : index
    %get3A_18 = arith.constant 0 : index
    %get3A_19 = arith.constant 0 : index
    %get3A_20 = vector.load %arg1[%get3A_17, %get3A_18, %get3A_19] : memref<2x256x128xf32, #tpu.memory_space<vmem>>, vector<1x256x128xf32>
    %get3A_21 = vector.shape_cast %get3A_20 : vector<1x256x128xf32> to vector<256x128xf32>
    %concatenate3A = tpu.concatenate %get3A_16, %get3A_21 in 1 : vector<256x128xf32>, vector<256x128xf32> -> vector<256x256xf32>
    %mul3A = vector.broadcast %rsqrt3A : vector<256x1xf32> to vector<256x256xf32>
    %mul3A_22 = arith.mulf %concatenate3A, %mul3A : vector<256x256xf32>
    %get3A_23 = arith.constant 0 : index
    %get3A_24 = arith.constant 0 : index
    %get3A_25 = vector.load %arg4[%get3A_23, %get3A_24] : memref<1x256xf32, #tpu.memory_space<vmem>>, vector<1x256xf32>
    %add3A_26 = vector.broadcast %get3A_25 : vector<1x256xf32> to vector<256x256xf32>
    %add3A_27 = arith.addf %mul3A_22, %add3A_26 : vector<256x256xf32>
    %max3A = arith.constant 0.000000e+00 : f32
    %max3A_28 = vector.broadcast %max3A : f32 to vector<256x256xf32>
    %max3A_29 = arith.maximumf %add3A_27, %max3A_28 : vector<256x256xf32>
    %get3A_30 = arith.constant 0 : index
    %get3A_31 = arith.constant 0 : index
    %get3A_32 = vector.load %arg3[%get3A_30, %get3A_31] : memref<256x256xf32, #tpu.memory_space<vmem>>, vector<256x256xf32>
    %dot_general3A = arith.constant dense<0.000000e+00> : vector<256x256xf32>
    %dot_general3A_33 = tpu.matmul %max3A_29, %get3A_32, %dot_general3A {dimension_numbers = #tpu.dot_dimension_numbers<[1], [0], [0], [1], [0, 0, 1, 1], [], []>, transpose_lhs_hint = false} : vector<256x256xf32>, vector<256x256xf32>, vector<256x256xf32> -> vector<256x256xf32>
    %mul3A_34 = vector.broadcast %rsqrt3A : vector<256x1xf32> to vector<256x256xf32>
    %mul3A_35 = arith.mulf %dot_general3A_33, %mul3A_34 : vector<256x256xf32>
    %slice3A = vector.extract_strided_slice %mul3A_35 {offsets = [0, 0], sizes = [256, 128], strides = [1, 1]} : vector<256x256xf32> to vector<256x128xf32>
    %swap3A = arith.constant 0 : index
    %swap3A_36 = arith.constant 0 : index
    %swap3A_37 = arith.constant 0 : index
    %swap3A_38 = vector.load %arg5[%swap3A, %swap3A_36, %swap3A_37] : memref<2x256x128xf32, #tpu.memory_space<vmem>>, vector<1x256x128xf32>
    %swap3A_39 = vector.shape_cast %swap3A_38 : vector<1x256x128xf32> to vector<256x128xf32>
    %swap3A_40 = vector.shape_cast %slice3A : vector<256x128xf32> to vector<1x256x128xf32>
    tpu.vector_store %arg5[%swap3A, %swap3A_36, %swap3A_37], %swap3A_40 {strides = array<i32>} : memref<2x256x128xf32, #tpu.memory_space<vmem>>, vector<1x256x128xf32>,
    %slice3A_41 = vector.extract_strided_slice %mul3A_35 {offsets = [0, 128], sizes = [256, 128], strides = [1, 1]} : vector<256x256xf32> to vector<256x128xf32>
    %swap3A_42 = arith.constant 1 : index
    %swap3A_43 = arith.constant 0 : index
    %swap3A_44 = arith.constant 0 : index
    %swap3A_45 = vector.load %arg5[%swap3A_42, %swap3A_43, %swap3A_44] : memref<2x256x128xf32, #tpu.memory_space<vmem>>, vector<1x256x128xf32>
    %swap3A_46 = vector.shape_cast %swap3A_45 : vector<1x256x128xf32> to vector<256x128xf32>
    %swap3A_47 = vector.shape_cast %slice3A_41 : vector<256x128xf32> to vector<1x256x128xf32>
    tpu.vector_store %arg5[%swap3A_42, %swap3A_43, %swap3A_44], %swap3A_47 {strides = array<i32>} : memref<2x256x128xf32, #tpu.memory_space<vmem>>, vector<1x256x128xf32>,
    return
  }
  func.func @transform_0(%arg0: i32) -> (i32, i32, i32) {
    %c0_i32 = arith.constant 0 : i32
    %c0_i32_0 = arith.constant 0 : i32
    %c0_i32_1 = arith.constant 0 : i32
    return %c0_i32, %arg0, %c0_i32_0 : i32, i32, i32
  }
  func.func @transform_1(%arg0: i32) -> (i32, i32, i32) {
    %c0_i32 = arith.constant 0 : i32
    %c0_i32_0 = arith.constant 0 : i32
    %c0_i32_1 = arith.constant 0 : i32
    return %c0_i32, %arg0, %c0_i32_0 : i32, i32, i32
  }
  func.func @transform_2(%arg0: i32) -> (i32, i32) {
    %c0_i32 = arith.constant 0 : i32
    %c0_i32_0 = arith.constant 0 : i32
    %c0_i32_1 = arith.constant 0 : i32
    return %c0_i32, %c0_i32_0 : i32, i32
  }
  func.func @transform_3(%arg0: i32) -> (i32, i32) {
    %c0_i32 = arith.constant 0 : i32
    %c0_i32_0 = arith.constant 0 : i32
    %c0_i32_1 = arith.constant 0 : i32
    return %c0_i32, %c0_i32_0 : i32, i32
  }
  func.func @transform_4(%arg0: i32) -> (i32, i32, i32) {
    %c0_i32 = arith.constant 0 : i32
    %c0_i32_0 = arith.constant 0 : i32
    %c0_i32_1 = arith.constant 0 : i32
    return %c0_i32, %arg0, %c0_i32_0 : i32, i32, i32
  }
}

module attributes {stable_mosaic.version = 14 : i64} {
  func.func @_tcl2_body(%arg0: i32, %arg1: memref<256x256xf32, #tpu.memory_space<vmem>>, %arg2: memref<256x256xf32, #tpu.memory_space<vmem>>, %arg3: memref<1x256xf32, #tpu.memory_space<vmem>>, %arg4: memref<256x16xf32, #tpu.memory_space<vmem>>, %arg5: memref<1x16xf32, #tpu.memory_space<vmem>>, %arg6: memref<256x16xf32, #tpu.memory_space<vmem>>) attributes {dimension_semantics = [#tpu.dimension_semantics<arbitrary>], iteration_bounds = array<i64: 40>, scalar_prefetch = 0 : i64, scratch_operands = 0 : i64, tpu.core_type = #tpu.core_type<tc>, window_params = [{transform_indices = @transform_0, window_bounds = array<i64: 256, 256>}, {pipeline_mode = #tpu.pipeline_mode<synchronous>, transform_indices = @transform_1, window_bounds = array<i64: 256, 256>}, {pipeline_mode = #tpu.pipeline_mode<synchronous>, transform_indices = @transform_2, window_bounds = array<i64: 1, 256>}, {pipeline_mode = #tpu.pipeline_mode<synchronous>, transform_indices = @transform_3, window_bounds = array<i64: 256, 16>}, {pipeline_mode = #tpu.pipeline_mode<synchronous>, transform_indices = @transform_4, window_bounds = array<i64: 1, 16>}, {transform_indices = @transform_5, window_bounds = array<i64: 256, 16>}]} {
    %get3A = arith.constant 0 : index
    %get3A_0 = arith.constant 0 : index
    %get3A_1 = vector.load %arg1[%get3A, %get3A_0] : memref<256x256xf32, #tpu.memory_space<vmem>>, vector<256x256xf32>
    %get3A_2 = arith.constant 0 : index
    %get3A_3 = arith.constant 0 : index
    %get3A_4 = vector.load %arg2[%get3A_2, %get3A_3] : memref<256x256xf32, #tpu.memory_space<vmem>>, vector<256x256xf32>
    %dot_general3A = arith.constant dense<0.000000e+00> : vector<256x256xf32>
    %dot_general3A_5 = tpu.matmul %get3A_1, %get3A_4, %dot_general3A {dimension_numbers = #tpu.dot_dimension_numbers<[1], [0], [0], [1], [0, 0, 1, 1], [], []>, transpose_lhs_hint = false} : vector<256x256xf32>, vector<256x256xf32>, vector<256x256xf32> -> vector<256x256xf32>
    %get3A_6 = arith.constant 0 : index
    %get3A_7 = arith.constant 0 : index
    %get3A_8 = vector.load %arg3[%get3A_6, %get3A_7] : memref<1x256xf32, #tpu.memory_space<vmem>>, vector<1x256xf32>
    %add3A = vector.broadcast %get3A_8 : vector<1x256xf32> to vector<256x256xf32>
    %add3A_9 = arith.addf %dot_general3A_5, %add3A : vector<256x256xf32>
    %max3A = arith.constant 0.000000e+00 : f32
    %max3A_10 = vector.broadcast %max3A : f32 to vector<256x256xf32>
    %max3A_11 = arith.maximumf %add3A_9, %max3A_10 : vector<256x256xf32>
    %get3A_12 = arith.constant 0 : index
    %get3A_13 = arith.constant 0 : index
    %get3A_14 = vector.load %arg4[%get3A_12, %get3A_13] : memref<256x16xf32, #tpu.memory_space<vmem>>, vector<256x16xf32>
    %dot_general3A_15 = arith.constant dense<0.000000e+00> : vector<256x16xf32>
    %dot_general3A_16 = tpu.matmul %max3A_11, %get3A_14, %dot_general3A_15 {dimension_numbers = #tpu.dot_dimension_numbers<[1], [0], [0], [1], [0, 0, 1, 1], [], []>, transpose_lhs_hint = false} : vector<256x256xf32>, vector<256x16xf32>, vector<256x16xf32> -> vector<256x16xf32>
    %get3A_17 = arith.constant 0 : index
    %get3A_18 = arith.constant 0 : index
    %get3A_19 = vector.load %arg5[%get3A_17, %get3A_18] : memref<1x16xf32, #tpu.memory_space<vmem>>, vector<1x16xf32>
    %add3A_20 = vector.broadcast %get3A_19 : vector<1x16xf32> to vector<256x16xf32>
    %add3A_21 = arith.addf %dot_general3A_16, %add3A_20 : vector<256x16xf32>
    %swap3A = arith.constant 0 : index
    %swap3A_22 = arith.constant 0 : index
    %swap3A_23 = vector.load %arg6[%swap3A, %swap3A_22] : memref<256x16xf32, #tpu.memory_space<vmem>>, vector<256x16xf32>
    tpu.vector_store %arg6[%swap3A, %swap3A_22], %add3A_21 {strides = array<i32>} : memref<256x16xf32, #tpu.memory_space<vmem>>, vector<256x16xf32>,
    return
  }
  func.func @transform_0(%arg0: i32) -> (i32, i32) {
    %c0_i32 = arith.constant 0 : i32
    %c0_i32_0 = arith.constant 0 : i32
    return %arg0, %c0_i32 : i32, i32
  }
  func.func @transform_1(%arg0: i32) -> (i32, i32) {
    %c0_i32 = arith.constant 0 : i32
    %c0_i32_0 = arith.constant 0 : i32
    %c0_i32_1 = arith.constant 0 : i32
    return %c0_i32, %c0_i32_0 : i32, i32
  }
  func.func @transform_2(%arg0: i32) -> (i32, i32) {
    %c0_i32 = arith.constant 0 : i32
    %c0_i32_0 = arith.constant 0 : i32
    %c0_i32_1 = arith.constant 0 : i32
    return %c0_i32, %c0_i32_0 : i32, i32
  }
  func.func @transform_3(%arg0: i32) -> (i32, i32) {
    %c0_i32 = arith.constant 0 : i32
    %c0_i32_0 = arith.constant 0 : i32
    %c0_i32_1 = arith.constant 0 : i32
    return %c0_i32, %c0_i32_0 : i32, i32
  }
  func.func @transform_4(%arg0: i32) -> (i32, i32) {
    %c0_i32 = arith.constant 0 : i32
    %c0_i32_0 = arith.constant 0 : i32
    %c0_i32_1 = arith.constant 0 : i32
    return %c0_i32, %c0_i32_0 : i32, i32
  }
  func.func @transform_5(%arg0: i32) -> (i32, i32) {
    %c0_i32 = arith.constant 0 : i32
    %c0_i32_0 = arith.constant 0 : i32
    return %arg0, %c0_i32 : i32, i32
  }
}

module attributes {stable_mosaic.version = 14 : i64} {
  func.func @_tc3_body(%arg0: i32, %arg1: memref<2x256x128xf32, #tpu.memory_space<vmem>>, %arg2: memref<2x256x128xf32, #tpu.memory_space<vmem>>, %arg3: memref<1x256xf32, #tpu.memory_space<vmem>>, %arg4: memref<256x16xf32, #tpu.memory_space<vmem>>, %arg5: memref<256x16xf32, #tpu.memory_space<vmem>>, %arg6: memref<256x16xf32, #tpu.memory_space<vmem>>, %arg7: memref<256x16xf32, #tpu.memory_space<vmem>>) attributes {dimension_semantics = [#tpu.dimension_semantics<arbitrary>], iteration_bounds = array<i64: 40>, scalar_prefetch = 0 : i64, scratch_operands = 0 : i64, tpu.core_type = #tpu.core_type<tc>, window_params = [{transform_indices = @transform_0, window_bounds = array<i64: 2, 256, 128>}, {transform_indices = @transform_1, window_bounds = array<i64: 2, 256, 128>}, {pipeline_mode = #tpu.pipeline_mode<synchronous>, transform_indices = @transform_2, window_bounds = array<i64: 1, 256>}, {transform_indices = @transform_3, window_bounds = array<i64: 256, 16>}, {pipeline_mode = #tpu.pipeline_mode<synchronous>, transform_indices = @transform_4, window_bounds = array<i64: 256, 16>}, {transform_indices = @transform_5, window_bounds = array<i64: 256, 16>}, {transform_indices = @transform_6, window_bounds = array<i64: 256, 16>}]} {
    %get3A = arith.constant 0 : index
    %get3A_0 = arith.constant 0 : index
    %get3A_1 = arith.constant 0 : index
    %get3A_2 = vector.load %arg2[%get3A, %get3A_0, %get3A_1] : memref<2x256x128xf32, #tpu.memory_space<vmem>>, vector<1x256x1xf32>
    %get3A_3 = vector.shape_cast %get3A_2 : vector<1x256x1xf32> to vector<256x1xf32>
    %get3A_4 = arith.constant 1 : index
    %get3A_5 = arith.constant 0 : index
    %get3A_6 = arith.constant 0 : index
    %get3A_7 = vector.load %arg2[%get3A_4, %get3A_5, %get3A_6] : memref<2x256x128xf32, #tpu.memory_space<vmem>>, vector<1x256x1xf32>
    %get3A_8 = vector.shape_cast %get3A_7 : vector<1x256x1xf32> to vector<256x1xf32>
    %add3A = arith.addf %get3A_3, %get3A_8 : vector<256x1xf32>
    %add3A_9 = arith.constant 1.000000e+00 : f32
    %add3A_10 = vector.broadcast %add3A_9 : f32 to vector<256x1xf32>
    %add3A_11 = arith.addf %add3A, %add3A_10 : vector<256x1xf32>
    %rsqrt3A = math.rsqrt %add3A_11 : vector<256x1xf32>
    %get3A_12 = arith.constant 0 : index
    %get3A_13 = arith.constant 0 : index
    %get3A_14 = arith.constant 0 : index
    %get3A_15 = vector.load %arg1[%get3A_12, %get3A_13, %get3A_14] : memref<2x256x128xf32, #tpu.memory_space<vmem>>, vector<1x256x128xf32>
    %get3A_16 = vector.shape_cast %get3A_15 : vector<1x256x128xf32> to vector<256x128xf32>
    %get3A_17 = arith.constant 1 : index
    %get3A_18 = arith.constant 0 : index
    %get3A_19 = arith.constant 0 : index
    %get3A_20 = vector.load %arg1[%get3A_17, %get3A_18, %get3A_19] : memref<2x256x128xf32, #tpu.memory_space<vmem>>, vector<1x256x128xf32>
    %get3A_21 = vector.shape_cast %get3A_20 : vector<1x256x128xf32> to vector<256x128xf32>
    %concatenate3A = tpu.concatenate %get3A_16, %get3A_21 in 1 : vector<256x128xf32>, vector<256x128xf32> -> vector<256x256xf32>
    %mul3A = vector.broadcast %rsqrt3A : vector<256x1xf32> to vector<256x256xf32>
    %mul3A_22 = arith.mulf %concatenate3A, %mul3A : vector<256x256xf32>
    %get3A_23 = arith.constant 0 : index
    %get3A_24 = arith.constant 0 : index
    %get3A_25 = vector.load %arg3[%get3A_23, %get3A_24] : memref<1x256xf32, #tpu.memory_space<vmem>>, vector<1x256xf32>
    %add3A_26 = vector.broadcast %get3A_25 : vector<1x256xf32> to vector<256x256xf32>
    %add3A_27 = arith.addf %mul3A_22, %add3A_26 : vector<256x256xf32>
    %max3A = arith.constant 0.000000e+00 : f32
    %max3A_28 = vector.broadcast %max3A : f32 to vector<256x256xf32>
    %max3A_29 = arith.maximumf %add3A_27, %max3A_28 : vector<256x256xf32>
    %get3A_30 = arith.constant 0 : index
    %get3A_31 = arith.constant 0 : index
    %get3A_32 = vector.load %arg5[%get3A_30, %get3A_31] : memref<256x16xf32, #tpu.memory_space<vmem>>, vector<256x16xf32>
    %dot_general3A = arith.constant dense<0.000000e+00> : vector<256x16xf32>
    %dot_general3A_33 = tpu.matmul %max3A_29, %get3A_32, %dot_general3A {dimension_numbers = #tpu.dot_dimension_numbers<[1], [0], [0], [1], [0, 0, 1, 1], [], []>, transpose_lhs_hint = false} : vector<256x256xf32>, vector<256x16xf32>, vector<256x16xf32> -> vector<256x16xf32>
    %get3A_34 = arith.constant 0 : index
    %get3A_35 = arith.constant 0 : index
    %get3A_36 = vector.load %arg4[%get3A_34, %get3A_35] : memref<256x16xf32, #tpu.memory_space<vmem>>, vector<256x16xf32>
    %add3A_37 = arith.addf %dot_general3A_33, %get3A_36 : vector<256x16xf32>
    %swap3A = arith.constant 0 : index
    %swap3A_38 = arith.constant 0 : index
    %swap3A_39 = vector.load %arg6[%swap3A, %swap3A_38] : memref<256x16xf32, #tpu.memory_space<vmem>>, vector<256x16xf32>
    tpu.vector_store %arg6[%swap3A, %swap3A_38], %add3A_37 {strides = array<i32>} : memref<256x16xf32, #tpu.memory_space<vmem>>, vector<256x16xf32>,
    %reduce_max3A = arith.constant dense<0xFF800000> : vector<256xf32>
    %reduce_max3A_40 = vector.multi_reduction <maximumf>, %add3A_37, %reduce_max3A [1] : vector<256x16xf32> to vector<256xf32>
    %broadcast_in_dim3A = vector.shape_cast %reduce_max3A_40 : vector<256xf32> to vector<256x1xf32>
    %sub3A = vector.broadcast %broadcast_in_dim3A : vector<256x1xf32> to vector<256x16xf32>
    %sub3A_41 = arith.subf %add3A_37, %sub3A : vector<256x16xf32>
    %exp3A = math.exp %sub3A_41 : vector<256x16xf32>
    %reduce_sum3A = arith.constant dense<0.000000e+00> : vector<256xf32>
    %reduce_sum3A_42 = vector.multi_reduction <add>, %exp3A, %reduce_sum3A [1] : vector<256x16xf32> to vector<256xf32>
    %broadcast_in_dim3A_43 = vector.shape_cast %reduce_sum3A_42 : vector<256xf32> to vector<256x1xf32>
    %div3A = vector.broadcast %broadcast_in_dim3A_43 : vector<256x1xf32> to vector<256x16xf32>
    %div3A_44 = arith.divf %exp3A, %div3A : vector<256x16xf32>
    %swap3A_45 = arith.constant 0 : index
    %swap3A_46 = arith.constant 0 : index
    %swap3A_47 = vector.load %arg7[%swap3A_45, %swap3A_46] : memref<256x16xf32, #tpu.memory_space<vmem>>, vector<256x16xf32>
    tpu.vector_store %arg7[%swap3A_45, %swap3A_46], %div3A_44 {strides = array<i32>} : memref<256x16xf32, #tpu.memory_space<vmem>>, vector<256x16xf32>,
    return
  }
  func.func @transform_0(%arg0: i32) -> (i32, i32, i32) {
    %c0_i32 = arith.constant 0 : i32
    %c0_i32_0 = arith.constant 0 : i32
    %c0_i32_1 = arith.constant 0 : i32
    return %c0_i32, %arg0, %c0_i32_0 : i32, i32, i32
  }
  func.func @transform_1(%arg0: i32) -> (i32, i32, i32) {
    %c0_i32 = arith.constant 0 : i32
    %c0_i32_0 = arith.constant 0 : i32
    %c0_i32_1 = arith.constant 0 : i32
    return %c0_i32, %arg0, %c0_i32_0 : i32, i32, i32
  }
  func.func @transform_2(%arg0: i32) -> (i32, i32) {
    %c0_i32 = arith.constant 0 : i32
    %c0_i32_0 = arith.constant 0 : i32
    %c0_i32_1 = arith.constant 0 : i32
    return %c0_i32, %c0_i32_0 : i32, i32
  }
  func.func @transform_3(%arg0: i32) -> (i32, i32) {
    %c0_i32 = arith.constant 0 : i32
    %c0_i32_0 = arith.constant 0 : i32
    return %arg0, %c0_i32 : i32, i32
  }
  func.func @transform_4(%arg0: i32) -> (i32, i32) {
    %c0_i32 = arith.constant 0 : i32
    %c0_i32_0 = arith.constant 0 : i32
    %c0_i32_1 = arith.constant 0 : i32
    return %c0_i32, %c0_i32_0 : i32, i32
  }
  func.func @transform_5(%arg0: i32) -> (i32, i32) {
    %c0_i32 = arith.constant 0 : i32
    %c0_i32_0 = arith.constant 0 : i32
    return %arg0, %c0_i32 : i32, i32
  }
  func.func @transform_6(%arg0: i32) -> (i32, i32) {
    %c0_i32 = arith.constant 0 : i32
    %c0_i32_0 = arith.constant 0 : i32
    return %arg0, %c0_i32 : i32, i32
  }
}

module attributes {stable_mosaic.version = 14 : i64} {
  func.func @_tc0_body(%arg0: i32, %arg1: memref<256x256xf32, #tpu.memory_space<vmem>>, %arg2: memref<256x256xf32, #tpu.memory_space<vmem>>, %arg3: memref<1x256xf32, #tpu.memory_space<vmem>>, %arg4: memref<256x256xf32, #tpu.memory_space<vmem>>) attributes {dimension_semantics = [#tpu.dimension_semantics<arbitrary>], iteration_bounds = array<i64: 40>, scalar_prefetch = 0 : i64, scratch_operands = 0 : i64, tpu.core_type = #tpu.core_type<tc>, window_params = [{transform_indices = @transform_0, window_bounds = array<i64: 256, 256>}, {pipeline_mode = #tpu.pipeline_mode<synchronous>, transform_indices = @transform_1, window_bounds = array<i64: 256, 256>}, {pipeline_mode = #tpu.pipeline_mode<synchronous>, transform_indices = @transform_2, window_bounds = array<i64: 1, 256>}, {transform_indices = @transform_3, window_bounds = array<i64: 256, 256>}]} {
    %get3A = arith.constant 0 : index
    %get3A_0 = arith.constant 0 : index
    %get3A_1 = vector.load %arg1[%get3A, %get3A_0] : memref<256x256xf32, #tpu.memory_space<vmem>>, vector<256x256xf32>
    %get3A_2 = arith.constant 0 : index
    %get3A_3 = arith.constant 0 : index
    %get3A_4 = vector.load %arg2[%get3A_2, %get3A_3] : memref<256x256xf32, #tpu.memory_space<vmem>>, vector<256x256xf32>
    %dot_general3A = arith.constant dense<0.000000e+00> : vector<256x256xf32>
    %dot_general3A_5 = tpu.matmul %get3A_1, %get3A_4, %dot_general3A {dimension_numbers = #tpu.dot_dimension_numbers<[1], [0], [0], [1], [0, 0, 1, 1], [], []>, transpose_lhs_hint = false} : vector<256x256xf32>, vector<256x256xf32>, vector<256x256xf32> -> vector<256x256xf32>
    %get3A_6 = arith.constant 0 : index
    %get3A_7 = arith.constant 0 : index
    %get3A_8 = vector.load %arg3[%get3A_6, %get3A_7] : memref<1x256xf32, #tpu.memory_space<vmem>>, vector<1x256xf32>
    %add3A = vector.broadcast %get3A_8 : vector<1x256xf32> to vector<256x256xf32>
    %add3A_9 = arith.addf %dot_general3A_5, %add3A : vector<256x256xf32>
    %max3A = arith.constant 0.000000e+00 : f32
    %max3A_10 = vector.broadcast %max3A : f32 to vector<256x256xf32>
    %max3A_11 = arith.maximumf %add3A_9, %max3A_10 : vector<256x256xf32>
    %swap3A = arith.constant 0 : index
    %swap3A_12 = arith.constant 0 : index
    %swap3A_13 = vector.load %arg4[%swap3A, %swap3A_12] : memref<256x256xf32, #tpu.memory_space<vmem>>, vector<256x256xf32>
    tpu.vector_store %arg4[%swap3A, %swap3A_12], %max3A_11 {strides = array<i32>} : memref<256x256xf32, #tpu.memory_space<vmem>>, vector<256x256xf32>,
    return
  }
  func.func @transform_0(%arg0: i32) -> (i32, i32) {
    %c0_i32 = arith.constant 0 : i32
    %c0_i32_0 = arith.constant 0 : i32
    return %arg0, %c0_i32 : i32, i32
  }
  func.func @transform_1(%arg0: i32) -> (i32, i32) {
    %c0_i32 = arith.constant 0 : i32
    %c0_i32_0 = arith.constant 0 : i32
    %c0_i32_1 = arith.constant 0 : i32
    return %c0_i32, %c0_i32_0 : i32, i32
  }
  func.func @transform_2(%arg0: i32) -> (i32, i32) {
    %c0_i32 = arith.constant 0 : i32
    %c0_i32_0 = arith.constant 0 : i32
    %c0_i32_1 = arith.constant 0 : i32
    return %c0_i32, %c0_i32_0 : i32, i32
  }
  func.func @transform_3(%arg0: i32) -> (i32, i32) {
    %c0_i32 = arith.constant 0 : i32
    %c0_i32_0 = arith.constant 0 : i32
    return %arg0, %c0_i32 : i32, i32
  }
}

</mosaic_0001>

<sc_bundles>
// kernel: kernel.10.cloned.1.call-start
scs
__scs_entry_jumppad:
0x0: {  	(pc) =	sbr.rel $0x88, $3  }
0x1: {  	(tag) =	ssettag $0x0;
	lr =	simm.s32 $0x1  }
0x2: {  	[smem:$0x3F95] =	sst lr;
	_ =	strace $0xD0000000  }
0x3: {  	_ = 	snop  }
0x4: {  	_ = 	snop  }
0x5: {  	_ = 	snop  }
0x6: {  	_ = 	snop  }
0x7: {  	_ = 	snop  }
__scs_overlays_trampoline_lowered:
0x8: {  	[smem:$0x3FA4] =	sst s0  }
0x9: {  	[smem:$0x3FA5] =	sst s1  }
0xa: {  	[smem:$0x3FA6] =	sst s2  }
0xb: {  	[smem:$0x3FA7] =	sst s3  }
0xc: {  	[smem:$0x3FA8] =	sst s4  }
0xd: {  	[smem:$0x3FA9] =	sst s5  }
0xe: {  	[smem:$0x3FAA] =	sst s6  }
0xf: {  	[smem:$0x3FAB] =	sst s7  }
0x10: {  	[smem:$0x3FAC] =	sst s8  }
0x11: {  	[smem:$0x3FAD] =	sst s9;
	s0 =	simm.s32 @!p0 $0x0  }
0x12: {  	s1 =	sld [smem:$0x3F93];
	s0 =	simm.s32 @p0 $0x1  }
0x13: {  	[smem:$0x3FAE] =	sst s0;
	s0 =	simm.s32 @!p1 $0x0  }
0x14: {  	s2 =	sld [smem:$0x3F92];
	s0 =	simm.s32 @p1 $0x1  }
0x15: {  	[smem:$0x3FAF] =	sst s0;
	s0 =	simm.s32 @!p2 $0x0  }
0x16: {  	s3 =	sld [smem:$0x3FDB];
	s0 =	simm.s32 @p2 $0x1  }
0x17: {  	s4 =	simm.s32 $0x1BF5;
	[smem:$0x3FB1] =	sst s0  }
0x18: {  	s0 =	sld [smem:$0x3F94];
	_ =	swait.ge [sflag:s4], $0x0  }
0x19: {  	s7 =	sld [smem:$0x3F95]  }
0x1a: {  	s8 =	sadd.s32 $0xFFFFE003, lr  }
0x1b: {  	s9 =	sadd.s32 $0xFFFFFEF7, lr;
	s5 =	simm.s32 $0xFFFFFFFF;
	p2 =	slt.u32 s8, $0xFFFFF086  }
0x1c: {  	p1 =	slt.u32 s9, $0xF7A;
	s5 =	simm.s32 @!p2 $0x0  }
0x1d: {  	s5 =	simm.s32 @p1 $0x1;
	p0 =	seq.s32 s7, s2  }
0x1e: {  	s7 =	smul.u32 @!p0 $0xF7A, s2;
	p2 =	seq.s32 @!p0 s5, $0x0  }
0x1f: {  	s9 =	smul.u32 $0xF7A, s1;
	s8 =	simm.s32 @!p0 $0x1BF5;
	p2 =	por !p2, p0  }
0x20: {  	[sflag:s8] =	ssyncset.s32 @!p0 $0xFFFFF086;
	s6 =	sadd.s32 @!p0 s3, s7;
	s7 =	simm.s32 @!p0 $0x108  }
0x21: {  	s3 =	sadd.s32 s3, s9;
	s6 =	sadd.s32 @!p0 $0x88, s6;
	s7 =	simm.s32 @p2 $0x1082  }
0x22: {  	[simem:s7], [sflag:s8] =	dma.local @!p0 [hbm:s6], $0xF7A  }
0x23: {  	s9 =	sor.u32 $0xD0000000, s2;
	s6 =	simm.s32 $0x108;
	_ =	swait.ge @!p0 [sflag:s8], $0x0  }
0x24: {  	s3 =	sadd.s32 $0x88, s3;
	s6 =	simm.s32 @!p1 $0x1082;
	[sflag:s4] =	ssyncset.s32 $0xFFFFF086  }
0x25: {  	[simem:s6], [sflag:s4] =	dma.local [hbm:s3], $0xF7A  }
0x26: {  	[smem:$0x3F95] =	sst s1;
	(tag) =	ssettag s2;
	_ =	strace s9  }
0x27: {  	s1 =	sld [smem:$0x3FA5]  }
0x28: {  	s2 =	sld [smem:$0x3FA6]  }
0x29: {  	s4 =	sld [smem:$0x3FA8]  }
0x2a: {  	p0 =	seq.s32 s5, $0x0;
	s5 =	sld [smem:$0x3FA9]  }
0x2b: {  	s6 =	sld [smem:$0x3FAA]  }
0x2c: {  	s7 =	sld [smem:$0x3FAB]  }
0x2d: {  	s3 =	simm.s32 $0x108;
	s8 =	sld [smem:$0x3FAC]  }
0x2e: {  	s3 =	simm.s32 @!p0 $0x1082;
	s9 =	sld [smem:$0x3FAD]  }
0x2f: {  	lr =	sadd.s32 s0, s3;
	s0 =	sld [smem:$0x3FA4]  }
0x30: {  	s3 =	sld [smem:$0x3FA7]  }
0x31: {  	[smem:$0x3FB0] =	sst s10  }
0x32: {  	s10 =	sld [smem:$0x3FAE];
	_ =	sdelay $0x3  }
0x33: {  	p0 =	seq.s32 s10, $0x1;
	s10 =	sld [smem:$0x3FB0];
	_ =	sdelay $0x3  }
0x34: {  	[smem:$0x3FB0] =	sst s10  }
0x35: {  	s10 =	sld [smem:$0x3FAF];
	_ =	sdelay $0x3  }
0x36: {  	p1 =	seq.s32 s10, $0x1;
	s10 =	sld [smem:$0x3FB0];
	_ =	sdelay $0x3  }
0x37: {  	[smem:$0x3FB0] =	sst s10  }
0x38: {  	s10 =	sld [smem:$0x3FB1]  }
0x39: {  	_ = 	snop;
	(pc) =	sbr.ind lr, $3  }
0x3a: {  	_ = 	snop  }
0x3b: {  	_ = 	snop  }
0x3c: {  	p2 =	seq.s32 s10, $0x1;
	s10 =	sld [smem:$0x3FB0]  }
0x3d: {  	_ =	shalt  }
0x3e: {  	_ =	shalt  }
0x3f: {  	_ =	shalt  }
0x40: {  	_ =	shalt  }
0x41: {  	_ =	shalt  }
0x42: {  	_ =	shalt  }
0x43: {  	_ =	shalt  }
0x44: {  	_ =	shalt  }
0x45: {  	_ =	shalt  }
0x46: {  	_ =	shalt  }
0x47: {  	_ =	shalt  }
0x48: {  	_ =	shalt  }
0x49: {  	_ =	shalt  }
0x4a: {  	_ =	shalt  }
0x4b: {  	_ =	shalt  }
0x4c: {  	_ =	shalt  }
0x4d: {  	_ =	shalt  }
0x4e: {  	_ =	shalt  }
0x4f: {  	_ =	shalt  }
0x50: {  	_ =	shalt  }
0x51: {  	_ =	shalt  }
0x52: {  	_ =	shalt  }
0x53: {  	_ =	shalt  }
0x54: {  	_ =	shalt  }
0x55: {  	_ =	shalt  }
0x56: {  	_ =	shalt  }
0x57: {  	_ =	shalt  }
0x58: {  	_ =	shalt  }
0x59: {  	_ =	shalt  }
0x5a: {  	_ =	shalt  }
0x5b: {  	_ =	shalt  }
0x5c: {  	_ =	shalt  }
0x5d: {  	_ =	shalt  }
0x5e: {  	_ =	shalt  }
0x5f: {  	_ =	shalt  }
0x60: {  	_ =	shalt  }
0x61: {  	_ =	shalt  }
0x62: {  	_ =	shalt  }
0x63: {  	_ =	shalt  }
0x64: {  	_ =	shalt  }
0x65: {  	_ =	shalt  }
0x66: {  	_ =	shalt  }
0x67: {  	_ =	shalt  }
0x68: {  	_ =	shalt  }
0x69: {  	_ =	shalt  }
0x6a: {  	_ =	shalt  }
0x6b: {  	_ =	shalt  }
0x6c: {  	_ =	shalt  }
0x6d: {  	_ =	shalt  }
0x6e: {  	_ =	shalt  }
0x6f: {  	_ =	shalt  }
0x70: {  	_ =	shalt  }
0x71: {  	_ =	shalt  }
0x72: {  	_ =	shalt  }
0x73: {  	_ =	shalt  }
0x74: {  	_ =	shalt  }
0x75: {  	_ =	shalt  }
0x76: {  	_ =	shalt  }
0x77: {  	_ =	shalt  }
0x78: {  	_ =	shalt  }
0x79: {  	_ =	shalt  }
0x7a: {  	_ =	shalt  }
0x7b: {  	_ =	shalt  }
0x7c: {  	_ =	shalt  }
0x7d: {  	_ =	shalt  }
0x7e: {  	_ =	shalt  }
0x7f: {  	_ =	shalt  }
0x80: {  	_ =	shalt  }
0x81: {  	_ =	shalt  }
0x82: {  	_ =	shalt  }
0x83: {  	_ =	shalt  }
0x84: {  	_ =	shalt  }
0x85: {  	_ =	shalt  }
0x86: {  	_ =	shalt  }
0x87: {  	_ =	shalt  }
.Lfunc_end0:
.L_simem_size_0:
called_computation_lowered:
.L_overlay_start_0:
0x88: {  	s2 =	sld [smem:$0x3FD9]  }
0x89: {  	s3 =	sld [smem:$0x3FFE];
	_ =	sdelay $0x1  }
0x8a: {  	s1 =	srdreg.scid  }
0x8b: {  	s0 =	sand.u32 $0x1, s1  }
0x8c: {  	s14 =	sshll.u32 s0, $0xA;
	s2 =	sadd.s32 s3, s2  }
0x8d: {  	s2 =	sadd.s32 s2, s14  }
0x8e: {  	[smem:$0x3FBC] =	sst s2  }
0x8f: {  	_ = 	snop  }
0x90: {  	s2 =	sld [smem:$0x3FD0];
	_ =	sdelay $0x2  }
0x91: {  	s15 =	simm.s32 $0xA;
	s4 =	simm.s32 $0x10  }
0x92: {  	[smem:s4], [sflag:s15] =	dma.local [hbm:s2], $0x1  }
0x93: {  	_ =	swait.eq [sflag:s15], $0x1  }
0x94: {  	[sflag:s15] =	ssyncset.done $0x0  }
0x95: {  	[sflag:s15] =	ssyncadd.s32 $0xFFFFFFFF  }
0x96: {  	s16 =	sld [smem:$0x11];
	(tm) =	ssettm $0x1  }
0x97: {  	s17 =	sld [smem:$0x3FFB];
	_ =	sdelay $0x3  }
0x98: {  	_ =	strace s17  }
0x99: {  	s3 =	sld [smem:$0x3FFC];
	_ =	sdelay $0x3  }
0x9a: {  	_ =	strace s3  }
0x9b: {  	s3 =	sld [smem:$0x3FFD];
	_ =	sdelay $0x3  }
0x9c: {  	_ =	strace s3  }
0x9d: {  	_ =	strace $0x8FFFFFFF  }
0x9e: {  	s18 =	sld [smem:$0x3FDB];
	_ =	sdelay $0x1  }
0x9f: {  	s19 =	simm.s32 $_scs_section_size  }
0xa0: {  	s5 =	simm.s32 $_size__tile_overlayer_lowered;
	s6 =	simm.s32 $_tile_overlayer_lowered  }
0xa1: {  	s22 =	simm.s32 $0x1BFF;
	s21 =	sshll.u32 s6, $0x1;
	s3 =	sadd.s32 s19, s18  }
0xa2: {  	s7 =	simm.s32 $0x0;
	s20 =	sshll.u32 s5, $0x1;
	s5 =	sadd.s32 s21, s3  }
0xa3: {  	[timem:s7], [sflag:s22] =	dma.local [hbm:s5], s20  }
0xa4: {  	_ =	swait.ge [sflag:s22], s20  }
0xa5: {  	s4 =	ssub.s32 $0x0, s20;
	[sflag:s22] =	ssyncset.done $0x0  }
0xa6: {  	[sflag:s22] =	ssyncadd.s32 s4;
	_ =	sdelay $0x1  }
0xa7: {  	s23 =	simm.s32 $0x1B8B  }
0xa8: {  	_ =	swait.ge [sflag:s23], $0x1  }
0xa9: {  	[sflag:s23] =	ssyncset.done $0x0  }
0xaa: {  	s25 =	simm.s32 $0x1B8E;
	s24 =	sld [smem:$0x3FFE];
	[sflag:s23] =	ssyncadd.s32 $0xFFFFFFFF  }
0xab: {  	s26 =	simm.s32 $execute0_lowered;
	[smem:$0x3FD2] =	sst s25  }
0xac: {  	s5 =	sshll.u32 s26, $0x1;
	_ =	strace $0x80000046;
	[dreg:$0x1] =	wrdreg $0xFFFFFFFF  }
0xad: {  	s28 =	simm.s32 $_size_execute0_lowered;
	s3 =	sadd.s32 s3, s5;
	[dreg:$0x0] =	wrdreg $0x0  }
0xae: {  	s5 =	sshll.u32 s28, $0x1;
	[dreg:$0x2] =	wrdreg s3  }
0xaf: {  	[dreg:$0x3] =	wrdreg s5  }
0xb0: {  	[dreg:$0x4] =	wrdreg $0xC0  }
0xb1: {  	_ =	task [dreg:s7], $0x5FFFF  }
0xb2: {  	[dreg:$0x1] =	wrdreg $0xFFFFFFFF  }
0xb3: {  	[dreg:$0x0] =	wrdreg $0x60  }
0xb4: {  	[dreg:$0x2] =	wrdreg s24  }
0xb5: {  	[dreg:$0x3] =	wrdreg s16  }
0xb6: {  	[dreg:$0x4] =	wrdreg $0x54000  }
0xb7: {  	[dreg:$0x5] =	wrdreg $0x9  }
0xb8: {  	_ =	task.clear_ibuf [dreg:s7], $0x6FFFF;
	_ =	strace $0x90000046  }
0xb9: {  	s29 =	simm.s32 $0x9;
	_ =	strace $0x80000048  }
0xba: {  	_ =	swait.ge [sflag:s29], $0x1  }
0xbb: {  	[sflag:s29] =	ssyncadd.s32 $0xFFFFFFFF  }
0xbc: {  	_ =	strace $0x90000048  }
0xbd: {  	_ =	sfence  }
0xbe: {  	s30 =	sld [smem:$0x0];
	_ =	sdelay $0x2  }
0xbf: {  	s31 =	sshll.u32 s1, $0xD;
	s1 =	sshrl.u32 s1, $0x2  }
0xc0: {  	s3 =	sand.u32 $0x4000, s31;
	s1 =	sadd.s32 s1, s30  }
0xc1: {  	s0 =	sor.u32 s3, s0;
	s1 =	sshll.u32 s1, $0x11  }
0xc2: {  	s0 =	sor.u32 s1, s0  }
0xc3: {  	s0 =	sadd.s32 $0x8F2B, s0  }
0xc4: {  	[sflag:s0] =	ssyncadd.remote.s32 $0x1  }
0xc5: {  	_ =	sfence.sel $0xFFFF  }
0xc6: {  	[dreg:$0x0] =	wrdreg $0xFFFFFFFF;
	(pc) =	sbr.abs _section_cstart, $3  }
0xc7: {  	[dreg:$0x1] =	wrdreg $0xFFFFFFFF  }
0xc8: {  	_ =	task.clear_ibuf [dreg:s7], $0x2FFFF;
	_ =	strace $0x9FFFFFFF  }
0xc9: {  	(tm) =	ssettm $0x7FFFFFFF  }
tec
execute0_lowered:
.L_overlay_start_1:
0x0: {  	(tag) =	ssettag $0x1  }
0x1: {  	s5 =	rddreg [dreg:$0x0]  }
0x2: {  	s0 =	srdreg.scid;
	s2 =	rddreg [dreg:$0x1]  }
0x3: {  	s3 =	rddreg [dreg:$0x2];
	s4 =	simm.s32 $0x0;
	s12 =	simm.s32 $0x1400  }
0x4: {  	s13 =	simm.s32 $0x80;
	s6 =	sand.u32 $0x1, s0;
	s0 =	stileid.u32  }
0x5: {  	s14 =	simm.s32 $0x0;
	[smem:$0x7FF] =	sst s4;
	s8 =	smul.u32 $0x2800, s0  }
0x6: {  	s1 =	sshll.u32 s6, $0x4;
	s9 =	smul.u32 $0x28000, s6;
	s6 =	ssub.s32 $0x2, s6  }
0x7: {  	s10 =	smul.u32 $0x50000, s0;
	s31 =	sshll.u32 s0, $0x6;
	s7 =	sor.u32 s0, s1  }
0x8: {  	s1 =	rddreg [dreg:$0x3];
	_ =	strace $0x80000047;
	s29 =	sshrl.u32 s6, $0x1  }
0x9: {  	s7 =	smul.u32 $0x280, s7;
	s11 =	sadd.s32 s8, s5;
	s8 =	sadd.s32 s8, s9  }
0xa: {  	s9 =	ssub.s32 s6, s29;
	s30 =	sshrl.u32 s10, $0x2;
	s6 =	sor.u32 $0x1C01, s31  }
0xb: {  	s8 =	sadd.s32 s8, s5;
	s10 =	sadd.s32 s30, s3;
	s9 =	smax.u32 s9, $0x1  }
0xc: {  	s7 =	sadd.s32 s7, s5;
	s5 =	sadd.s32 $0x8000, s11;
	s8 =	sadd.s32 $0x30000, s8  }
0xd: {  	s10 =	sshrl.u32 s10, $0x3;
	s11 =	simm.s32 $0x1;
	s7 =	sadd.s32 $0x3000, s7  }
.LBB2_1:
0xe: {  	[spmem:s10], [sflag:s6] =	dma.local [hbm:s5], $0x2800  }
0xf: {  	_ =	swait.ge [sflag:s11], $0x2800  }
0x10: {  	[sflag:s11] =	ssyncset.done $0x0  }
0x11: {  	[sflag:s11] =	ssyncadd.s32 $0xFFFFD800  }
0x12: {  	[tilespmem:s12], [sflag:$0x1] =	stream.linear.gather [hbm4b:s2+s4], $0x4000, $0x38;
	[tilespmem:$0x19400] =	vst v63  }
0x13: {  	_ =	swait.ge [sflag:s11], $0x4000  }
0x14: {  	[sflag:s11] =	ssyncset.done $0x0  }
0x15: {  	[sflag:s11] =	ssyncadd.s32 $0xFFFFC000  }
0x16: {  	[tilespmem:s4], [sflag:$0x1] =	stream.linear.gather [hbm4b:s7+s4], $0x1400, $0x38;
	[tilespmem:$0x19400] =	vst v63  }
0x17: {  	_ =	swait.ge [sflag:s11], $0x1400  }
0x18: {  	[sflag:s11] =	ssyncset.done $0x0  }
0x19: {  	[sflag:s11] =	ssyncadd.s32 $0xFFFFEC00  }
0x1a: {  	s15 =	simm.s32 $0x0;
	[bflag:$0x0] =	sbarrier.arrive $0xFFFF  }
0x1b: {  	[spmem:s3] =	stream.indirect.scatter.add.f32 [tilespmem:s12], [sflag:$0x1], $0x80, s15, s13, $0xb8;
	[tilespmem:$0x19400] =	vst v63  }
0x1c: {  	_ =	swait.ge [sflag:s11], $0x4000  }
0x1d: {  	s15 =	simm.s32 $0x200;
	[sflag:s11] =	ssyncset.done $0x0  }
.LBB2_2:
0x1e: {  	s16 =	sshra.s32 s15, $0x2;
	[sflag:s11] =	ssyncadd.s32 $0xFFFFC000;
	p0 =	sne.s32 s15, $0x4E00  }
0x1f: {  	[spmem:s3] =	stream.indirect.scatter.add.f32 [tilespmem:s12], [sflag:$0x1], $0x80, s16, s13, $0xb8;
	[tilespmem:$0x19400] =	vst v63  }
.Ltmp0:
0x20: {  	_ = 	snop;
	(pc) =	sbr.rel @p0 .LBB2_2-.Ltmp0, $4  }
0x21: {  	_ = 	snop  }
0x22: {  	s15 =	sadd.s32 $0x200, s15  }
0x23: {  	_ =	swait.ge [sflag:s11], $0x4000  }
0x24: {  	[sflag:s11] =	ssyncset.done $0x0  }
0x25: {  	s14 =	sadd.s32 $0x1, s14  }
0x26: {  	[sflag:s11] =	ssyncadd.s32 $0xFFFFC000;
	p0 =	sne.s32 s14, s9  }
.Ltmp1:
0x27: {  	[bflag:$0x0] =	sbarrier.arrive $0xFFFF;
	(pc) =	sbr.rel @p0 .LBB2_1-.Ltmp1, $4  }
0x28: {  	[hbm:s8], [sflag:s6] =	dma.local [spmem:s10], $0x2800  }
0x29: {  	_ =	swait.ge [sflag:s11], $0x2800  }
0x2a: {  	[sflag:s11] =	ssyncset.done $0x0  }
0x2b: {  	[sflag:s11] =	ssyncadd.s32 $0xFFFFD800  }
0x2c: {  	_ =	sfence.sel $0x180000  }
0x2d: {  	[bflag:$0x0] =	sbarrier.arrive $0xFFFF  }
0x2e: {  	p0 =	sne.s32 s0, $0x0;
	_ =	strace $0x90000047  }
0x2f: {  	s0 =	sadd.s32 @!p0 $0x100000, s1;
	[bflag:$0x2] =	sbarrier.arrive $0xFFFF  }
0x30: {  	[sflag:s0] =	ssyncadd.tile.s32 @!p0 $0x1;
	_ =	shalt  }
.Lfunc_end2:
_tile_overlayer_lowered:
.L_overlay_start_2:
0x31: {  	(tag) =	ssettag $0x2  }
0x32: {  	s0 =	rddreg [dreg:$0x0];
	s2 =	stileid.u32  }
0x33: {  	s1 =	rddreg [dreg:$0x1];
	p0 =	sne.s32 s2, $0x0  }
0x34: {  	s3 =	rddreg [dreg:$0x2];
	[bflag:$0x3] =	sbarrier.arrive $0xFFFF;
	s2 =	simm.s32 @!p0 $0x1C01  }
0x35: {  	[timem:s3], [sflag:s2] =	dma.local @!p0 [hbm:s0], s1  }
0x36: {  	s0 =	simm.s32 @!p0 $0x1  }
0x37: {  	_ =	swait.ge @!p0 [sflag:s0], s1  }
0x38: {  	s1 =	ssub.s32 @!p0 $0x0, s1;
	[sflag:s0] =	ssyncset.done @!p0 $0x0  }
0x39: {  	[sflag:s0] =	ssyncadd.s32 @!p0 s1  }
0x3a: {  	[bflag:$0x3] =	sbarrier.arrive $0xFFFF  }
0x3b: {  	_ =	shalt  }

// kernel: kernel.13.cloned.1.call-start
scs
__scs_entry_jumppad:
0x0: {  	(pc) =	sbr.rel $0x88, $3  }
0x1: {  	(tag) =	ssettag $0x0;
	lr =	simm.s32 $0x1  }
0x2: {  	[smem:$0x3F95] =	sst lr;
	_ =	strace $0xD0000000  }
0x3: {  	_ = 	snop  }
0x4: {  	_ = 	snop  }
0x5: {  	_ = 	snop  }
0x6: {  	_ = 	snop  }
0x7: {  	_ = 	snop  }
__scs_overlays_trampoline_lowered:
0x8: {  	[smem:$0x3FA4] =	sst s0  }
0x9: {  	[smem:$0x3FA5] =	sst s1  }
0xa: {  	[smem:$0x3FA6] =	sst s2  }
0xb: {  	[smem:$0x3FA7] =	sst s3  }
0xc: {  	[smem:$0x3FA8] =	sst s4  }
0xd: {  	[smem:$0x3FA9] =	sst s5  }
0xe: {  	[smem:$0x3FAA] =	sst s6  }
0xf: {  	[smem:$0x3FAB] =	sst s7  }
0x10: {  	[smem:$0x3FAC] =	sst s8  }
0x11: {  	[smem:$0x3FAD] =	sst s9;
	s0 =	simm.s32 @!p0 $0x0  }
0x12: {  	s1 =	sld [smem:$0x3F93];
	s0 =	simm.s32 @p0 $0x1  }
0x13: {  	[smem:$0x3FAE] =	sst s0;
	s0 =	simm.s32 @!p1 $0x0  }
0x14: {  	s2 =	sld [smem:$0x3F92];
	s0 =	simm.s32 @p1 $0x1  }
0x15: {  	[smem:$0x3FAF] =	sst s0;
	s0 =	simm.s32 @!p2 $0x0  }
0x16: {  	s3 =	sld [smem:$0x3FDB];
	s0 =	simm.s32 @p2 $0x1  }
0x17: {  	s4 =	simm.s32 $0x1BF5;
	[smem:$0x3FB1] =	sst s0  }
0x18: {  	s0 =	sld [smem:$0x3F94];
	_ =	swait.ge [sflag:s4], $0x0  }
0x19: {  	s7 =	sld [smem:$0x3F95]  }
0x1a: {  	s8 =	sadd.s32 $0xFFFFE003, lr  }
0x1b: {  	s9 =	sadd.s32 $0xFFFFFEF7, lr;
	s5 =	simm.s32 $0xFFFFFFFF;
	p2 =	slt.u32 s8, $0xFFFFF086  }
0x1c: {  	p1 =	slt.u32 s9, $0xF7A;
	s5 =	simm.s32 @!p2 $0x0  }
0x1d: {  	s5 =	simm.s32 @p1 $0x1;
	p0 =	seq.s32 s7, s2  }
0x1e: {  	s7 =	smul.u32 @!p0 $0xF7A, s2;
	p2 =	seq.s32 @!p0 s5, $0x0  }
0x1f: {  	s9 =	smul.u32 $0xF7A, s1;
	s8 =	simm.s32 @!p0 $0x1BF5;
	p2 =	por !p2, p0  }
0x20: {  	[sflag:s8] =	ssyncset.s32 @!p0 $0xFFFFF086;
	s6 =	sadd.s32 @!p0 s3, s7;
	s7 =	simm.s32 @!p0 $0x108  }
0x21: {  	s3 =	sadd.s32 s3, s9;
	s6 =	sadd.s32 @!p0 $0x88, s6;
	s7 =	simm.s32 @p2 $0x1082  }
0x22: {  	[simem:s7], [sflag:s8] =	dma.local @!p0 [hbm:s6], $0xF7A  }
0x23: {  	s9 =	sor.u32 $0xD0000000, s2;
	s6 =	simm.s32 $0x108;
	_ =	swait.ge @!p0 [sflag:s8], $0x0  }
0x24: {  	s3 =	sadd.s32 $0x88, s3;
	s6 =	simm.s32 @!p1 $0x1082;
	[sflag:s4] =	ssyncset.s32 $0xFFFFF086  }
0x25: {  	[simem:s6], [sflag:s4] =	dma.local [hbm:s3], $0xF7A  }
0x26: {  	[smem:$0x3F95] =	sst s1;
	(tag) =	ssettag s2;
	_ =	strace s9  }
0x27: {  	s1 =	sld [smem:$0x3FA5]  }
0x28: {  	s2 =	sld [smem:$0x3FA6]  }
0x29: {  	s4 =	sld [smem:$0x3FA8]  }
0x2a: {  	p0 =	seq.s32 s5, $0x0;
	s5 =	sld [smem:$0x3FA9]  }
0x2b: {  	s6 =	sld [smem:$0x3FAA]  }
0x2c: {  	s7 =	sld [smem:$0x3FAB]  }
0x2d: {  	s3 =	simm.s32 $0x108;
	s8 =	sld [smem:$0x3FAC]  }
0x2e: {  	s3 =	simm.s32 @!p0 $0x1082;
	s9 =	sld [smem:$0x3FAD]  }
0x2f: {  	lr =	sadd.s32 s0, s3;
	s0 =	sld [smem:$0x3FA4]  }
0x30: {  	s3 =	sld [smem:$0x3FA7]  }
0x31: {  	[smem:$0x3FB0] =	sst s10  }
0x32: {  	s10 =	sld [smem:$0x3FAE];
	_ =	sdelay $0x3  }
0x33: {  	p0 =	seq.s32 s10, $0x1;
	s10 =	sld [smem:$0x3FB0];
	_ =	sdelay $0x3  }
0x34: {  	[smem:$0x3FB0] =	sst s10  }
0x35: {  	s10 =	sld [smem:$0x3FAF];
	_ =	sdelay $0x3  }
0x36: {  	p1 =	seq.s32 s10, $0x1;
	s10 =	sld [smem:$0x3FB0];
	_ =	sdelay $0x3  }
0x37: {  	[smem:$0x3FB0] =	sst s10  }
0x38: {  	s10 =	sld [smem:$0x3FB1]  }
0x39: {  	_ = 	snop;
	(pc) =	sbr.ind lr, $3  }
0x3a: {  	_ = 	snop  }
0x3b: {  	_ = 	snop  }
0x3c: {  	p2 =	seq.s32 s10, $0x1;
	s10 =	sld [smem:$0x3FB0]  }
0x3d: {  	_ =	shalt  }
0x3e: {  	_ =	shalt  }
0x3f: {  	_ =	shalt  }
0x40: {  	_ =	shalt  }
0x41: {  	_ =	shalt  }
0x42: {  	_ =	shalt  }
0x43: {  	_ =	shalt  }
0x44: {  	_ =	shalt  }
0x45: {  	_ =	shalt  }
0x46: {  	_ =	shalt  }
0x47: {  	_ =	shalt  }
0x48: {  	_ =	shalt  }
0x49: {  	_ =	shalt  }
0x4a: {  	_ =	shalt  }
0x4b: {  	_ =	shalt  }
0x4c: {  	_ =	shalt  }
0x4d: {  	_ =	shalt  }
0x4e: {  	_ =	shalt  }
0x4f: {  	_ =	shalt  }
0x50: {  	_ =	shalt  }
0x51: {  	_ =	shalt  }
0x52: {  	_ =	shalt  }
0x53: {  	_ =	shalt  }
0x54: {  	_ =	shalt  }
0x55: {  	_ =	shalt  }
0x56: {  	_ =	shalt  }
0x57: {  	_ =	shalt  }
0x58: {  	_ =	shalt  }
0x59: {  	_ =	shalt  }
0x5a: {  	_ =	shalt  }
0x5b: {  	_ =	shalt  }
0x5c: {  	_ =	shalt  }
0x5d: {  	_ =	shalt  }
0x5e: {  	_ =	shalt  }
0x5f: {  	_ =	shalt  }
0x60: {  	_ =	shalt  }
0x61: {  	_ =	shalt  }
0x62: {  	_ =	shalt  }
0x63: {  	_ =	shalt  }
0x64: {  	_ =	shalt  }
0x65: {  	_ =	shalt  }
0x66: {  	_ =	shalt  }
0x67: {  	_ =	shalt  }
0x68: {  	_ =	shalt  }
0x69: {  	_ =	shalt  }
0x6a: {  	_ =	shalt  }
0x6b: {  	_ =	shalt  }
0x6c: {  	_ =	shalt  }
0x6d: {  	_ =	shalt  }
0x6e: {  	_ =	shalt  }
0x6f: {  	_ =	shalt  }
0x70: {  	_ =	shalt  }
0x71: {  	_ =	shalt  }
0x72: {  	_ =	shalt  }
0x73: {  	_ =	shalt  }
0x74: {  	_ =	shalt  }
0x75: {  	_ =	shalt  }
0x76: {  	_ =	shalt  }
0x77: {  	_ =	shalt  }
0x78: {  	_ =	shalt  }
0x79: {  	_ =	shalt  }
0x7a: {  	_ =	shalt  }
0x7b: {  	_ =	shalt  }
0x7c: {  	_ =	shalt  }
0x7d: {  	_ =	shalt  }
0x7e: {  	_ =	shalt  }
0x7f: {  	_ =	shalt  }
0x80: {  	_ =	shalt  }
0x81: {  	_ =	shalt  }
0x82: {  	_ =	shalt  }
0x83: {  	_ =	shalt  }
0x84: {  	_ =	shalt  }
0x85: {  	_ =	shalt  }
0x86: {  	_ =	shalt  }
0x87: {  	_ =	shalt  }
.Lfunc_end0:
.L_simem_size_0:
called_computation.1_lowered:
.L_overlay_start_0:
0x88: {  	s2 =	sld [smem:$0x3FD9]  }
0x89: {  	s3 =	sld [smem:$0x3FFE];
	_ =	sdelay $0x1  }
0x8a: {  	s1 =	srdreg.scid  }
0x8b: {  	s0 =	sand.u32 $0x1, s1  }
0x8c: {  	s16 =	sshll.u32 s0, $0xA;
	s2 =	sadd.s32 s3, s2  }
0x8d: {  	s2 =	sadd.s32 s2, s16  }
0x8e: {  	[smem:$0x3FBC] =	sst s2  }
0x8f: {  	_ = 	snop  }
0x90: {  	(tm) =	ssettm $0x1  }
0x91: {  	s17 =	sld [smem:$0x3FFB];
	_ =	sdelay $0x3  }
0x92: {  	_ =	strace s17  }
0x93: {  	s2 =	sld [smem:$0x3FFC];
	_ =	sdelay $0x3  }
0x94: {  	_ =	strace s2  }
0x95: {  	s2 =	sld [smem:$0x3FFD];
	_ =	sdelay $0x3  }
0x96: {  	_ =	strace s2  }
0x97: {  	_ =	strace $0x8FFFFFFF  }
0x98: {  	s18 =	sld [smem:$0x3FDB];
	_ =	sdelay $0x1  }
0x99: {  	s19 =	simm.s32 $_scs_section_size  }
0x9a: {  	s4 =	simm.s32 $_size__tile_overlayer_lowered;
	s5 =	simm.s32 $_tile_overlayer_lowered  }
0x9b: {  	s22 =	simm.s32 $0x1BFF;
	s21 =	sshll.u32 s5, $0x1;
	s2 =	sadd.s32 s19, s18  }
0x9c: {  	s6 =	simm.s32 $0x0;
	s20 =	sshll.u32 s4, $0x1;
	s4 =	sadd.s32 s21, s2  }
0x9d: {  	[timem:s6], [sflag:s22] =	dma.local [hbm:s4], s20  }
0x9e: {  	_ =	swait.ge [sflag:s22], s20  }
0x9f: {  	s3 =	ssub.s32 $0x0, s20;
	[sflag:s22] =	ssyncset.done $0x0  }
0xa0: {  	[sflag:s22] =	ssyncadd.s32 s3;
	_ =	sdelay $0x1  }
0xa1: {  	s23 =	simm.s32 $0x1B8B  }
0xa2: {  	_ =	swait.ge [sflag:s23], $0x1  }
0xa3: {  	[sflag:s23] =	ssyncset.done $0x0  }
0xa4: {  	s25 =	simm.s32 $0x1B8E;
	s24 =	sld [smem:$0x3FFE];
	[sflag:s23] =	ssyncadd.s32 $0xFFFFFFFF  }
0xa5: {  	s26 =	simm.s32 $execute0_lowered;
	[smem:$0x3FD2] =	sst s25  }
0xa6: {  	s4 =	sshll.u32 s26, $0x1;
	_ =	strace $0x80000049;
	[dreg:$0x1] =	wrdreg $0xFFFFFFFF  }
0xa7: {  	s28 =	simm.s32 $_size_execute0_lowered;
	s2 =	sadd.s32 s2, s4;
	[dreg:$0x0] =	wrdreg $0x0  }
0xa8: {  	s4 =	sshll.u32 s28, $0x1;
	[dreg:$0x2] =	wrdreg s2  }
0xa9: {  	[dreg:$0x3] =	wrdreg s4  }
0xaa: {  	[dreg:$0x4] =	wrdreg $0xC0  }
0xab: {  	_ =	task [dreg:s6], $0x5FFFF  }
0xac: {  	[dreg:$0x1] =	wrdreg $0xFFFFFFFF  }
0xad: {  	[dreg:$0x0] =	wrdreg $0x60  }
0xae: {  	[dreg:$0x2] =	wrdreg s24  }
0xaf: {  	[dreg:$0x3] =	wrdreg $0x90000  }
0xb0: {  	[dreg:$0x4] =	wrdreg $0x9  }
0xb1: {  	_ =	task.clear_ibuf [dreg:s6], $0x5FFFF;
	_ =	strace $0x90000049  }
0xb2: {  	s29 =	simm.s32 $0x9;
	_ =	strace $0x8000004B  }
0xb3: {  	_ =	swait.ge [sflag:s29], $0x1  }
0xb4: {  	[sflag:s29] =	ssyncadd.s32 $0xFFFFFFFF  }
0xb5: {  	_ =	strace $0x9000004B  }
0xb6: {  	_ =	sfence  }
0xb7: {  	s30 =	sld [smem:$0x0];
	_ =	sdelay $0x2  }
0xb8: {  	s31 =	sshll.u32 s1, $0xD;
	s1 =	sshrl.u32 s1, $0x2  }
0xb9: {  	s3 =	sand.u32 $0x4000, s31;
	s1 =	sadd.s32 s1, s30  }
0xba: {  	s0 =	sor.u32 s3, s0;
	s1 =	sshll.u32 s1, $0x11  }
0xbb: {  	s0 =	sor.u32 s1, s0  }
0xbc: {  	s0 =	sadd.s32 $0x8F2B, s0  }
0xbd: {  	[sflag:s0] =	ssyncadd.remote.s32 $0x1  }
0xbe: {  	_ =	sfence.sel $0xFFFF  }
0xbf: {  	[dreg:$0x0] =	wrdreg $0xFFFFFFFF;
	(pc) =	sbr.abs _section_cstart, $3  }
0xc0: {  	[dreg:$0x1] =	wrdreg $0xFFFFFFFF  }
0xc1: {  	_ =	task.clear_ibuf [dreg:s6], $0x2FFFF;
	_ =	strace $0x9FFFFFFF  }
0xc2: {  	(tm) =	ssettm $0x7FFFFFFF  }
0xc3: {  	_ =	shalt  }
tec
execute0_lowered:
.L_overlay_start_1:
0x0: {  	(tag) =	ssettag $0x1  }
0x1: {  	s0 =	rddreg [dreg:$0x0]  }
0x2: {  	s1 =	rddreg [dreg:$0x1]  }
0x3: {  	s2 =	srdreg.scid;
	s3 =	simm.s32 $0x0;
	s10 =	stileid.u32  }
0x4: {  	s11 =	simm.s32 $0x100;
	s13 =	simm.s32 $0x880;
	s14 =	simm.s32 $0x180  }
0x5: {  	s15 =	simm.s32 $0x900;
	s17 =	simm.s32 $0x200;
	s18 =	simm.s32 $0x980  }
0x6: {  	s19 =	simm.s32 $0x280;
	s20 =	simm.s32 $0xA00;
	[smem:$0x7FF] =	sst s3  }
0x7: {  	s21 =	simm.s32 $0x300;
	_ =	strace $0x8000004A;
	[dreg:$0x5] =	wrdreg s11  }
0x8: {  	s22 =	simm.s32 $0xA80;
	s23 =	simm.s32 $0x380;
	[dreg:$0x6] =	wrdreg s13  }
0x9: {  	s28 =	simm.s32 $0x680;
	s29 =	simm.s32 $0xE00;
	[dreg:$0x7] =	wrdreg s14  }
0xa: {  	s30 =	simm.s32 $0x700;
	s31 =	simm.s32 $0xE80;
	[dreg:$0x8] =	wrdreg s15  }
0xb: {  	s2 =	sand.u32 $0x1, s2;
	s6 =	smul.u32 $0x280, s10;
	[dreg:$0x9] =	wrdreg s17  }
0xc: {  	s4 =	sadd.s32 $0x8A000, s0;
	s7 =	smul.u32 $0x500, s10;
	[dreg:$0xa] =	wrdreg s18  }
0xd: {  	s8 =	smul.u32 $0x50000, s10;
	s12 =	sshll.u32 s10, $0x6;
	[dreg:$0xb] =	wrdreg s19  }
0xe: {  	s10 =	simm.s32 $0x5;
	s5 =	smul.u32 $0x2800, s2;
	[dreg:$0xc] =	wrdreg s20  }
0xf: {  	s24 =	ssub.s32 $0x2, s2;
	s2 =	smul.u32 $0x5000, s2;
	[dreg:$0xd] =	wrdreg s21  }
0x10: {  	s11 =	simm.s32 $0x800;
	s13 =	simm.s32 $0x1000;
	[dreg:$0xe] =	wrdreg s22  }
0x11: {  	s14 =	simm.s32 $0x5000;
	s15 =	simm.s32 $0x1;
	[dreg:$0xf] =	wrdreg s23  }
0x12: {  	s17 =	simm.s32 $0x2;
	s18 =	simm.s32 $0x4;
	s19 =	simm.s32 $0x480  }
0x13: {  	s20 =	simm.s32 $0xC00;
	s21 =	simm.s32 $0x500;
	s22 =	simm.s32 $0xC80  }
0x14: {  	s23 =	simm.s32 $0x580;
	s9 =	sshrl.u32 s24, $0x1;
	s7 =	sadd.s32 s7, s0  }
0x15: {  	s8 =	sshrl.u32 s8, $0x2;
	s5 =	sadd.s32 s6, s5;
	s6 =	ssub.s32 s24, s9  }
0x16: {  	s25 =	sadd.s32 $0x3000, s7;
	s2 =	sadd.s32 s2, s7;
	s26 =	sadd.s32 s8, s1  }
0x17: {  	s8 =	sor.u32 $0x1C05, s12;
	s24 =	simm.s32 $0xB00;
	[dreg:$0x3] =	wrdreg s25  }
0x18: {  	s12 =	simm.s32 $0x80;
	s9 =	simm.s32 $0x0;
	[dreg:$0x10] =	wrdreg s24  }
0x19: {  	s5 =	sshll.u32 s5, $0x4;
	s2 =	sadd.s32 $0x80000, s2;
	[dreg:$0x14] =	wrdreg s8  }
0x1a: {  	s16 =	smax.u32 s6, $0x1;
	s7 =	sshrl.u32 s26, $0x3;
	[dreg:$0x4] =	wrdreg s2  }
0x1b: {  	s25 =	simm.s32 $0x400;
	s26 =	simm.s32 $0xB80;
	[dreg:$0x16] =	wrdreg s16  }
0x1c: {  	s24 =	simm.s32 $0xD00;
	s0 =	sadd.s32 s5, s0;
	[dreg:$0x11] =	wrdreg s25  }
0x1d: {  	s5 =	sadd.s32 s4, s5;
	s16 =	simm.s32 $0x3;
	[dreg:$0x12] =	wrdreg s26  }
0x1e: {  	s25 =	simm.s32 $0x600;
	s26 =	simm.s32 $0xD80;
	[dreg:$0x17] =	wrdreg s7  }
0x1f: {  	s2 =	simm.s32 $0xF00;
	[dreg:$0x13] =	wrdreg s5;
	s0 =	sadd.s32 $0xDA000, s0  }
0x20: {  	s5 =	simm.s32 $0xF80;
	[dreg:$0x15] =	wrdreg s0;
	s0 =	simm.s32 $0x780  }
.LBB2_1:
0x21: {  	[dreg:$0x18] =	wrdreg s9  }
0x22: {  	s6 =	rddreg [dreg:$0x13]  }
0x23: {  	[spmem:s7], [sflag:s8] =	dma.local [hbm:s6], $0x2800  }
0x24: {  	_ =	swait.ge [sflag:s10], $0x2800  }
0x25: {  	[sflag:s10] =	ssyncset.done $0x0  }
0x26: {  	[sflag:s10] =	ssyncadd.s32 $0xFFFFD800  }
0x27: {  	[bflag:$0x0] =	sbarrier.arrive $0xFFFF  }
0x28: {  	s9 =	rddreg [dreg:$0x4]  }
0x29: {  	s6 =	sadd.s32 $0x0, s9  }
0x2a: {  	[tilespmem:s3], [sflag:$0x5] =	stream.linear.gather [hbm4b:s6+s3], $0x800, $0x38;
	[tilespmem:$0x1D000] =	vst v63  }
0x2b: {  	_ =	swait.ge [sflag:s10], $0x800  }
0x2c: {  	s7 =	rddreg [dreg:$0x3];
	[sflag:s10] =	ssyncset.done $0x0  }
0x2d: {  	[sflag:s10] =	ssyncadd.s32 $0xFFFFF800;
	s6 =	sadd.s32 $0x0, s7  }
0x2e: {  	[tilespmem:s11], [sflag:$0x5] =	stream.linear.gather [hbm4b:s6+s3], $0x800, $0x38;
	[tilespmem:$0x1D000] =	vst v63  }
0x2f: {  	_ =	swait.ge [sflag:s10], $0x800  }
0x30: {  	[sflag:s10] =	ssyncset.done $0x0  }
0x31: {  	[sflag:s10] =	ssyncadd.s32 $0xFFFFF800  }
0x32: {  	[tilespmem:s13], [sflag:$0x1] =	stream.indirect.gather [hbm4b:s4+s12], $0x80, s3, s12, $0xb8;
	[tilespmem:$0x1D000] =	vst v63  }
0x33: {  	_ = 	snop  }
0x34: {  	[tilespmem:s14], [sflag:$0x2] =	stream.indirect.gather [hbm4b:s4+s12], $0x80, s12, s12, $0xb8;
	[tilespmem:$0x1D000] =	vst v63  }
0x35: {  	_ =	swait.ge [sflag:s15], $0x4000  }
0x36: {  	[sflag:s15] =	ssyncset.done $0x0  }
0x37: {  	[sflag:s15] =	ssyncadd.s32 $0xFFFFC000  }
0x38: {  	[spmem:s1] =	stream.indirect.scatter.add.f32 [tilespmem:s13], [sflag:$0x3], $0x80, s11, s12, $0xb8;
	[tilespmem:$0x1D000] =	vst v63  }
0x39: {  	_ =	swait.ge [sflag:s16], $0x4000  }
0x3a: {  	[sflag:s16] =	ssyncset.done $0x0  }
0x3b: {  	s8 =	rddreg [dreg:$0x5];
	[sflag:s16] =	ssyncadd.s32 $0xFFFFC000  }
0x3c: {  	[tilespmem:s13], [sflag:$0x1] =	stream.indirect.gather [hbm4b:s4+s12], $0x80, s8, s12, $0xb8;
	[tilespmem:$0x1D000] =	vst v63  }
0x3d: {  	_ =	swait.ge [sflag:s17], $0x4000  }
0x3e: {  	[sflag:s17] =	ssyncset.done $0x0  }
0x3f: {  	s9 =	rddreg [dreg:$0x6];
	[sflag:s17] =	ssyncadd.s32 $0xFFFFC000  }
0x40: {  	[spmem:s1] =	stream.indirect.scatter.add.f32 [tilespmem:s14], [sflag:$0x4], $0x80, s9, s12, $0xb8;
	[tilespmem:$0x1D000] =	vst v63  }
0x41: {  	_ =	swait.ge [sflag:s18], $0x4000  }
0x42: {  	[sflag:s18] =	ssyncset.done $0x0  }
0x43: {  	s7 =	rddreg [dreg:$0x7];
	[sflag:s18] =	ssyncadd.s32 $0xFFFFC000  }
0x44: {  	[tilespmem:s14], [sflag:$0x2] =	stream.indirect.gather [hbm4b:s4+s12], $0x80, s7, s12, $0xb8;
	[tilespmem:$0x1D000] =	vst v63  }
0x45: {  	_ =	swait.ge [sflag:s15], $0x4000  }
0x46: {  	[sflag:s15] =	ssyncset.done $0x0  }
0x47: {  	s8 =	rddreg [dreg:$0x8];
	[sflag:s15] =	ssyncadd.s32 $0xFFFFC000  }
0x48: {  	[spmem:s1] =	stream.indirect.scatter.add.f32 [tilespmem:s13], [sflag:$0x3], $0x80, s8, s12, $0xb8;
	[tilespmem:$0x1D000] =	vst v63  }
0x49: {  	_ =	swait.ge [sflag:s16], $0x4000  }
0x4a: {  	[sflag:s16] =	ssyncset.done $0x0  }
0x4b: {  	s9 =	rddreg [dreg:$0x9];
	[sflag:s16] =	ssyncadd.s32 $0xFFFFC000  }
0x4c: {  	[tilespmem:s13], [sflag:$0x1] =	stream.indirect.gather [hbm4b:s4+s12], $0x80, s9, s12, $0xb8;
	[tilespmem:$0x1D000] =	vst v63  }
0x4d: {  	_ =	swait.ge [sflag:s17], $0x4000  }
0x4e: {  	[sflag:s17] =	ssyncset.done $0x0  }
0x4f: {  	s7 =	rddreg [dreg:$0xa];
	[sflag:s17] =	ssyncadd.s32 $0xFFFFC000  }
0x50: {  	[spmem:s1] =	stream.indirect.scatter.add.f32 [tilespmem:s14], [sflag:$0x4], $0x80, s7, s12, $0xb8;
	[tilespmem:$0x1D000] =	vst v63  }
0x51: {  	_ =	swait.ge [sflag:s18], $0x4000  }
0x52: {  	[sflag:s18] =	ssyncset.done $0x0  }
0x53: {  	s8 =	rddreg [dreg:$0xb];
	[sflag:s18] =	ssyncadd.s32 $0xFFFFC000  }
0x54: {  	[tilespmem:s14], [sflag:$0x2] =	stream.indirect.gather [hbm4b:s4+s12], $0x80, s8, s12, $0xb8;
	[tilespmem:$0x1D000] =	vst v63  }
0x55: {  	_ =	swait.ge [sflag:s15], $0x4000  }
0x56: {  	[sflag:s15] =	ssyncset.done $0x0  }
0x57: {  	s9 =	rddreg [dreg:$0xc];
	[sflag:s15] =	ssyncadd.s32 $0xFFFFC000  }
0x58: {  	[spmem:s1] =	stream.indirect.scatter.add.f32 [tilespmem:s13], [sflag:$0x3], $0x80, s9, s12, $0xb8;
	[tilespmem:$0x1D000] =	vst v63  }
0x59: {  	_ =	swait.ge [sflag:s16], $0x4000  }
0x5a: {  	[sflag:s16] =	ssyncset.done $0x0  }
0x5b: {  	s7 =	rddreg [dreg:$0xd];
	[sflag:s16] =	ssyncadd.s32 $0xFFFFC000  }
0x5c: {  	[tilespmem:s13], [sflag:$0x1] =	stream.indirect.gather [hbm4b:s4+s12], $0x80, s7, s12, $0xb8;
	[tilespmem:$0x1D000] =	vst v63  }
0x5d: {  	_ =	swait.ge [sflag:s17], $0x4000  }
0x5e: {  	[sflag:s17] =	ssyncset.done $0x0  }
0x5f: {  	s8 =	rddreg [dreg:$0xe];
	[sflag:s17] =	ssyncadd.s32 $0xFFFFC000  }
0x60: {  	[spmem:s1] =	stream.indirect.scatter.add.f32 [tilespmem:s14], [sflag:$0x4], $0x80, s8, s12, $0xb8;
	[tilespmem:$0x1D000] =	vst v63  }
0x61: {  	_ =	swait.ge [sflag:s18], $0x4000  }
0x62: {  	[sflag:s18] =	ssyncset.done $0x0  }
0x63: {  	s9 =	rddreg [dreg:$0xf];
	[sflag:s18] =	ssyncadd.s32 $0xFFFFC000  }
0x64: {  	[tilespmem:s14], [sflag:$0x2] =	stream.indirect.gather [hbm4b:s4+s12], $0x80, s9, s12, $0xb8;
	[tilespmem:$0x1D000] =	vst v63  }
0x65: {  	_ =	swait.ge [sflag:s15], $0x4000  }
0x66: {  	[sflag:s15] =	ssyncset.done $0x0  }
0x67: {  	s7 =	rddreg [dreg:$0x10];
	[sflag:s15] =	ssyncadd.s32 $0xFFFFC000  }
0x68: {  	[spmem:s1] =	stream.indirect.scatter.add.f32 [tilespmem:s13], [sflag:$0x3], $0x80, s7, s12, $0xb8;
	[tilespmem:$0x1D000] =	vst v63  }
0x69: {  	_ =	swait.ge [sflag:s16], $0x4000  }
0x6a: {  	[sflag:s16] =	ssyncset.done $0x0  }
0x6b: {  	s8 =	rddreg [dreg:$0x11];
	[sflag:s16] =	ssyncadd.s32 $0xFFFFC000  }
0x6c: {  	[tilespmem:s13], [sflag:$0x1] =	stream.indirect.gather [hbm4b:s4+s12], $0x80, s8, s12, $0xb8;
	[tilespmem:$0x1D000] =	vst v63  }
0x6d: {  	_ =	swait.ge [sflag:s17], $0x4000  }
0x6e: {  	[sflag:s17] =	ssyncset.done $0x0  }
0x6f: {  	s9 =	rddreg [dreg:$0x12];
	[sflag:s17] =	ssyncadd.s32 $0xFFFFC000  }
0x70: {  	[spmem:s1] =	stream.indirect.scatter.add.f32 [tilespmem:s14], [sflag:$0x4], $0x80, s9, s12, $0xb8;
	[tilespmem:$0x1D000] =	vst v63  }
0x71: {  	_ =	swait.ge [sflag:s18], $0x4000  }
0x72: {  	[sflag:s18] =	ssyncset.done $0x0  }
0x73: {  	[sflag:s18] =	ssyncadd.s32 $0xFFFFC000  }
0x74: {  	[tilespmem:s14], [sflag:$0x2] =	stream.indirect.gather [hbm4b:s4+s12], $0x80, s19, s12, $0xb8;
	[tilespmem:$0x1D000] =	vst v63  }
0x75: {  	_ =	swait.ge [sflag:s15], $0x4000  }
0x76: {  	[sflag:s15] =	ssyncset.done $0x0  }
0x77: {  	[sflag:s15] =	ssyncadd.s32 $0xFFFFC000  }
0x78: {  	[spmem:s1] =	stream.indirect.scatter.add.f32 [tilespmem:s13], [sflag:$0x3], $0x80, s20, s12, $0xb8;
	[tilespmem:$0x1D000] =	vst v63  }
0x79: {  	_ =	swait.ge [sflag:s16], $0x4000  }
0x7a: {  	[sflag:s16] =	ssyncset.done $0x0  }
0x7b: {  	[sflag:s16] =	ssyncadd.s32 $0xFFFFC000  }
0x7c: {  	[tilespmem:s13], [sflag:$0x1] =	stream.indirect.gather [hbm4b:s4+s12], $0x80, s21, s12, $0xb8;
	[tilespmem:$0x1D000] =	vst v63  }
0x7d: {  	_ =	swait.ge [sflag:s17], $0x4000  }
0x7e: {  	[sflag:s17] =	ssyncset.done $0x0  }
0x7f: {  	[sflag:s17] =	ssyncadd.s32 $0xFFFFC000  }
0x80: {  	[spmem:s1] =	stream.indirect.scatter.add.f32 [tilespmem:s14], [sflag:$0x4], $0x80, s22, s12, $0xb8;
	[tilespmem:$0x1D000] =	vst v63  }
0x81: {  	_ =	swait.ge [sflag:s18], $0x4000  }
0x82: {  	[sflag:s18] =	ssyncset.done $0x0  }
0x83: {  	[sflag:s18] =	ssyncadd.s32 $0xFFFFC000  }
0x84: {  	[tilespmem:s14], [sflag:$0x2] =	stream.indirect.gather [hbm4b:s4+s12], $0x80, s23, s12, $0xb8;
	[tilespmem:$0x1D000] =	vst v63  }
0x85: {  	_ =	swait.ge [sflag:s15], $0x4000  }
0x86: {  	[sflag:s15] =	ssyncset.done $0x0  }
0x87: {  	[sflag:s15] =	ssyncadd.s32 $0xFFFFC000  }
0x88: {  	[spmem:s1] =	stream.indirect.scatter.add.f32 [tilespmem:s13], [sflag:$0x3], $0x80, s24, s12, $0xb8;
	[tilespmem:$0x1D000] =	vst v63  }
0x89: {  	_ =	swait.ge [sflag:s16], $0x4000  }
0x8a: {  	[sflag:s16] =	ssyncset.done $0x0  }
0x8b: {  	[sflag:s16] =	ssyncadd.s32 $0xFFFFC000  }
0x8c: {  	[tilespmem:s13], [sflag:$0x1] =	stream.indirect.gather [hbm4b:s4+s12], $0x80, s25, s12, $0xb8;
	[tilespmem:$0x1D000] =	vst v63  }
0x8d: {  	_ =	swait.ge [sflag:s17], $0x4000  }
0x8e: {  	[sflag:s17] =	ssyncset.done $0x0  }
0x8f: {  	[sflag:s17] =	ssyncadd.s32 $0xFFFFC000  }
0x90: {  	[spmem:s1] =	stream.indirect.scatter.add.f32 [tilespmem:s14], [sflag:$0x4], $0x80, s26, s12, $0xb8;
	[tilespmem:$0x1D000] =	vst v63  }
0x91: {  	_ =	swait.ge [sflag:s18], $0x4000  }
0x92: {  	[sflag:s18] =	ssyncset.done $0x0  }
0x93: {  	[sflag:s18] =	ssyncadd.s32 $0xFFFFC000  }
0x94: {  	[tilespmem:s14], [sflag:$0x2] =	stream.indirect.gather [hbm4b:s4+s12], $0x80, s28, s12, $0xb8;
	[tilespmem:$0x1D000] =	vst v63  }
0x95: {  	_ =	swait.ge [sflag:s15], $0x4000  }
0x96: {  	[sflag:s15] =	ssyncset.done $0x0  }
0x97: {  	[sflag:s15] =	ssyncadd.s32 $0xFFFFC000  }
0x98: {  	[spmem:s1] =	stream.indirect.scatter.add.f32 [tilespmem:s13], [sflag:$0x3], $0x80, s29, s12, $0xb8;
	[tilespmem:$0x1D000] =	vst v63  }
0x99: {  	_ =	swait.ge [sflag:s16], $0x4000  }
0x9a: {  	[sflag:s16] =	ssyncset.done $0x0  }
0x9b: {  	[sflag:s16] =	ssyncadd.s32 $0xFFFFC000  }
0x9c: {  	[tilespmem:s13], [sflag:$0x1] =	stream.indirect.gather [hbm4b:s4+s12], $0x80, s30, s12, $0xb8;
	[tilespmem:$0x1D000] =	vst v63  }
0x9d: {  	_ =	swait.ge [sflag:s17], $0x4000  }
0x9e: {  	[sflag:s17] =	ssyncset.done $0x0  }
0x9f: {  	[sflag:s17] =	ssyncadd.s32 $0xFFFFC000  }
0xa0: {  	[spmem:s1] =	stream.indirect.scatter.add.f32 [tilespmem:s14], [sflag:$0x4], $0x80, s31, s12, $0xb8;
	[tilespmem:$0x1D000] =	vst v63  }
0xa1: {  	_ =	swait.ge [sflag:s18], $0x4000  }
0xa2: {  	[sflag:s18] =	ssyncset.done $0x0  }
0xa3: {  	[sflag:s18] =	ssyncadd.s32 $0xFFFFC000  }
0xa4: {  	[tilespmem:s14], [sflag:$0x2] =	stream.indirect.gather [hbm4b:s4+s12], $0x80, s0, s12, $0xb8;
	[tilespmem:$0x1D000] =	vst v63  }
0xa5: {  	_ =	swait.ge [sflag:s15], $0x4000  }
0xa6: {  	[sflag:s15] =	ssyncset.done $0x0  }
0xa7: {  	[sflag:s15] =	ssyncadd.s32 $0xFFFFC000  }
0xa8: {  	[spmem:s1] =	stream.indirect.scatter.add.f32 [tilespmem:s13], [sflag:$0x3], $0x80, s2, s12, $0xb8;
	[tilespmem:$0x1D000] =	vst v63  }
0xa9: {  	_ =	swait.ge [sflag:s17], $0x4000  }
0xaa: {  	[sflag:s17] =	ssyncset.done $0x0  }
0xab: {  	[sflag:s17] =	ssyncadd.s32 $0xFFFFC000  }
0xac: {  	[spmem:s1] =	stream.indirect.scatter.add.f32 [tilespmem:s14], [sflag:$0x4], $0x80, s5, s12, $0xb8;
	[tilespmem:$0x1D000] =	vst v63  }
0xad: {  	_ =	swait.ge [sflag:s16], $0x4000  }
0xae: {  	[sflag:s16] =	ssyncset.done $0x0  }
0xaf: {  	[sflag:s16] =	ssyncadd.s32 $0xFFFFC000  }
0xb0: {  	s6 =	simm.s32 $0x200;
	_ =	swait.ge [sflag:s18], $0x4000  }
0xb1: {  	s8 =	simm.s32 $0x100;
	s9 =	rddreg [dreg:$0x4];
	[sflag:s18] =	ssyncset.done $0x0  }
.LBB2_2:
0xb2: {  	[sflag:s18] =	ssyncadd.s32 $0xFFFFC000;
	s9 =	sadd.s32 s8, s9  }
0xb3: {  	[tilespmem:s3], [sflag:$0x5] =	stream.linear.gather [hbm4b:s9+s3], $0x800, $0x38;
	[tilespmem:$0x1D000] =	vst v63  }
0xb4: {  	_ =	swait.ge [sflag:s10], $0x800  }
0xb5: {  	s9 =	rddreg [dreg:$0x3];
	[sflag:s10] =	ssyncset.done $0x0  }
0xb6: {  	[sflag:s10] =	ssyncadd.s32 $0xFFFFF800;
	s9 =	sadd.s32 s8, s9  }
0xb7: {  	[tilespmem:s11], [sflag:$0x5] =	stream.linear.gather [hbm4b:s9+s3], $0x800, $0x38;
	[tilespmem:$0x1D000] =	vst v63  }
0xb8: {  	_ =	swait.ge [sflag:s10], $0x800  }
0xb9: {  	[sflag:s10] =	ssyncset.done $0x0  }
0xba: {  	[sflag:s10] =	ssyncadd.s32 $0xFFFFF800  }
0xbb: {  	[tilespmem:s13], [sflag:$0x1] =	stream.indirect.gather [hbm4b:s4+s12], $0x80, s3, s12, $0xb8;
	[tilespmem:$0x1D000] =	vst v63  }
0xbc: {  	_ = 	snop  }
0xbd: {  	[tilespmem:s14], [sflag:$0x2] =	stream.indirect.gather [hbm4b:s4+s12], $0x80, s12, s12, $0xb8;
	[tilespmem:$0x1D000] =	vst v63  }
0xbe: {  	_ =	swait.ge [sflag:s15], $0x4000  }
0xbf: {  	[sflag:s15] =	ssyncset.done $0x0  }
0xc0: {  	[sflag:s15] =	ssyncadd.s32 $0xFFFFC000  }
0xc1: {  	[spmem:s1] =	stream.indirect.scatter.add.f32 [tilespmem:s13], [sflag:$0x3], $0x80, s11, s12, $0xb8;
	[tilespmem:$0x1D000] =	vst v63  }
0xc2: {  	_ =	swait.ge [sflag:s16], $0x4000  }
0xc3: {  	[sflag:s16] =	ssyncset.done $0x0  }
0xc4: {  	s9 =	rddreg [dreg:$0x5];
	[sflag:s16] =	ssyncadd.s32 $0xFFFFC000  }
0xc5: {  	[tilespmem:s13], [sflag:$0x1] =	stream.indirect.gather [hbm4b:s4+s12], $0x80, s9, s12, $0xb8;
	[tilespmem:$0x1D000] =	vst v63  }
0xc6: {  	_ =	swait.ge [sflag:s17], $0x4000  }
0xc7: {  	[sflag:s17] =	ssyncset.done $0x0  }
0xc8: {  	s9 =	rddreg [dreg:$0x6];
	[sflag:s17] =	ssyncadd.s32 $0xFFFFC000  }
0xc9: {  	[spmem:s1] =	stream.indirect.scatter.add.f32 [tilespmem:s14], [sflag:$0x4], $0x80, s9, s12, $0xb8;
	[tilespmem:$0x1D000] =	vst v63  }
0xca: {  	_ =	swait.ge [sflag:s18], $0x4000  }
0xcb: {  	[sflag:s18] =	ssyncset.done $0x0  }
0xcc: {  	s9 =	rddreg [dreg:$0x7];
	[sflag:s18] =	ssyncadd.s32 $0xFFFFC000  }
0xcd: {  	[tilespmem:s14], [sflag:$0x2] =	stream.indirect.gather [hbm4b:s4+s12], $0x80, s9, s12, $0xb8;
	[tilespmem:$0x1D000] =	vst v63  }
0xce: {  	_ =	swait.ge [sflag:s15], $0x4000  }
0xcf: {  	[sflag:s15] =	ssyncset.done $0x0  }
0xd0: {  	s9 =	rddreg [dreg:$0x8];
	[sflag:s15] =	ssyncadd.s32 $0xFFFFC000  }
0xd1: {  	[spmem:s1] =	stream.indirect.scatter.add.f32 [tilespmem:s13], [sflag:$0x3], $0x80, s9, s12, $0xb8;
	[tilespmem:$0x1D000] =	vst v63  }
0xd2: {  	_ =	swait.ge [sflag:s16], $0x4000  }
0xd3: {  	[sflag:s16] =	ssyncset.done $0x0  }
0xd4: {  	s9 =	rddreg [dreg:$0x9];
	[sflag:s16] =	ssyncadd.s32 $0xFFFFC000  }
0xd5: {  	[tilespmem:s13], [sflag:$0x1] =	stream.indirect.gather [hbm4b:s4+s12], $0x80, s9, s12, $0xb8;
	[tilespmem:$0x1D000] =	vst v63  }
0xd6: {  	_ =	swait.ge [sflag:s17], $0x4000  }
0xd7: {  	[sflag:s17] =	ssyncset.done $0x0  }
0xd8: {  	s9 =	rddreg [dreg:$0xa];
	[sflag:s17] =	ssyncadd.s32 $0xFFFFC000  }
0xd9: {  	[spmem:s1] =	stream.indirect.scatter.add.f32 [tilespmem:s14], [sflag:$0x4], $0x80, s9, s12, $0xb8;
	[tilespmem:$0x1D000] =	vst v63  }
0xda: {  	_ =	swait.ge [sflag:s18], $0x4000  }
0xdb: {  	[sflag:s18] =	ssyncset.done $0x0  }
0xdc: {  	s9 =	rddreg [dreg:$0xb];
	[sflag:s18] =	ssyncadd.s32 $0xFFFFC000  }
0xdd: {  	[tilespmem:s14], [sflag:$0x2] =	stream.indirect.gather [hbm4b:s4+s12], $0x80, s9, s12, $0xb8;
	[tilespmem:$0x1D000] =	vst v63  }
0xde: {  	_ =	swait.ge [sflag:s15], $0x4000  }
0xdf: {  	[sflag:s15] =	ssyncset.done $0x0  }
0xe0: {  	s9 =	rddreg [dreg:$0xc];
	[sflag:s15] =	ssyncadd.s32 $0xFFFFC000  }
0xe1: {  	[spmem:s1] =	stream.indirect.scatter.add.f32 [tilespmem:s13], [sflag:$0x3], $0x80, s9, s12, $0xb8;
	[tilespmem:$0x1D000] =	vst v63  }
0xe2: {  	_ =	swait.ge [sflag:s16], $0x4000  }
0xe3: {  	[sflag:s16] =	ssyncset.done $0x0  }
0xe4: {  	s9 =	rddreg [dreg:$0xd];
	[sflag:s16] =	ssyncadd.s32 $0xFFFFC000  }
0xe5: {  	[tilespmem:s13], [sflag:$0x1] =	stream.indirect.gather [hbm4b:s4+s12], $0x80, s9, s12, $0xb8;
	[tilespmem:$0x1D000] =	vst v63  }
0xe6: {  	_ =	swait.ge [sflag:s17], $0x4000  }
0xe7: {  	[sflag:s17] =	ssyncset.done $0x0  }
0xe8: {  	s9 =	rddreg [dreg:$0xe];
	[sflag:s17] =	ssyncadd.s32 $0xFFFFC000  }
0xe9: {  	[spmem:s1] =	stream.indirect.scatter.add.f32 [tilespmem:s14], [sflag:$0x4], $0x80, s9, s12, $0xb8;
	[tilespmem:$0x1D000] =	vst v63  }
0xea: {  	_ =	swait.ge [sflag:s18], $0x4000  }
0xeb: {  	[sflag:s18] =	ssyncset.done $0x0  }
0xec: {  	s9 =	rddreg [dreg:$0xf];
	[sflag:s18] =	ssyncadd.s32 $0xFFFFC000  }
0xed: {  	[tilespmem:s14], [sflag:$0x2] =	stream.indirect.gather [hbm4b:s4+s12], $0x80, s9, s12, $0xb8;
	[tilespmem:$0x1D000] =	vst v63  }
0xee: {  	_ =	swait.ge [sflag:s15], $0x4000  }
0xef: {  	[sflag:s15] =	ssyncset.done $0x0  }
0xf0: {  	s9 =	rddreg [dreg:$0x10];
	[sflag:s15] =	ssyncadd.s32 $0xFFFFC000  }
0xf1: {  	[spmem:s1] =	stream.indirect.scatter.add.f32 [tilespmem:s13], [sflag:$0x3], $0x80, s9, s12, $0xb8;
	[tilespmem:$0x1D000] =	vst v63  }
0xf2: {  	_ =	swait.ge [sflag:s16], $0x4000  }
0xf3: {  	[sflag:s16] =	ssyncset.done $0x0  }
0xf4: {  	s9 =	rddreg [dreg:$0x11];
	[sflag:s16] =	ssyncadd.s32 $0xFFFFC000  }
0xf5: {  	[tilespmem:s13], [sflag:$0x1] =	stream.indirect.gather [hbm4b:s4+s12], $0x80, s9, s12, $0xb8;
	[tilespmem:$0x1D000] =	vst v63  }
0xf6: {  	_ =	swait.ge [sflag:s17], $0x4000  }
0xf7: {  	[sflag:s17] =	ssyncset.done $0x0  }
0xf8: {  	s9 =	rddreg [dreg:$0x12];
	[sflag:s17] =	ssyncadd.s32 $0xFFFFC000  }
0xf9: {  	[spmem:s1] =	stream.indirect.scatter.add.f32 [tilespmem:s14], [sflag:$0x4], $0x80, s9, s12, $0xb8;
	[tilespmem:$0x1D000] =	vst v63  }
0xfa: {  	_ =	swait.ge [sflag:s18], $0x4000  }
0xfb: {  	[sflag:s18] =	ssyncset.done $0x0  }
0xfc: {  	[sflag:s18] =	ssyncadd.s32 $0xFFFFC000  }
0xfd: {  	[tilespmem:s14], [sflag:$0x2] =	stream.indirect.gather [hbm4b:s4+s12], $0x80, s19, s12, $0xb8;
	[tilespmem:$0x1D000] =	vst v63  }
0xfe: {  	_ =	swait.ge [sflag:s15], $0x4000  }
0xff: {  	[sflag:s15] =	ssyncset.done $0x0  }
0x100: {  	[sflag:s15] =	ssyncadd.s32 $0xFFFFC000  }
0x101: {  	[spmem:s1] =	stream.indirect.scatter.add.f32 [tilespmem:s13], [sflag:$0x3], $0x80, s20, s12, $0xb8;
	[tilespmem:$0x1D000] =	vst v63  }
0x102: {  	_ =	swait.ge [sflag:s16], $0x4000  }
0x103: {  	[sflag:s16] =	ssyncset.done $0x0  }
0x104: {  	[sflag:s16] =	ssyncadd.s32 $0xFFFFC000  }
0x105: {  	[tilespmem:s13], [sflag:$0x1] =	stream.indirect.gather [hbm4b:s4+s12], $0x80, s21, s12, $0xb8;
	[tilespmem:$0x1D000] =	vst v63  }
0x106: {  	_ =	swait.ge [sflag:s17], $0x4000  }
0x107: {  	[sflag:s17] =	ssyncset.done $0x0  }
0x108: {  	[sflag:s17] =	ssyncadd.s32 $0xFFFFC000  }
0x109: {  	[spmem:s1] =	stream.indirect.scatter.add.f32 [tilespmem:s14], [sflag:$0x4], $0x80, s22, s12, $0xb8;
	[tilespmem:$0x1D000] =	vst v63  }
0x10a: {  	_ =	swait.ge [sflag:s18], $0x4000  }
0x10b: {  	[sflag:s18] =	ssyncset.done $0x0  }
0x10c: {  	[sflag:s18] =	ssyncadd.s32 $0xFFFFC000  }
0x10d: {  	[tilespmem:s14], [sflag:$0x2] =	stream.indirect.gather [hbm4b:s4+s12], $0x80, s23, s12, $0xb8;
	[tilespmem:$0x1D000] =	vst v63  }
0x10e: {  	_ =	swait.ge [sflag:s15], $0x4000  }
0x10f: {  	[sflag:s15] =	ssyncset.done $0x0  }
0x110: {  	[sflag:s15] =	ssyncadd.s32 $0xFFFFC000  }
0x111: {  	[spmem:s1] =	stream.indirect.scatter.add.f32 [tilespmem:s13], [sflag:$0x3], $0x80, s24, s12, $0xb8;
	[tilespmem:$0x1D000] =	vst v63  }
0x112: {  	_ =	swait.ge [sflag:s16], $0x4000  }
0x113: {  	[sflag:s16] =	ssyncset.done $0x0  }
0x114: {  	[sflag:s16] =	ssyncadd.s32 $0xFFFFC000  }
0x115: {  	[tilespmem:s13], [sflag:$0x1] =	stream.indirect.gather [hbm4b:s4+s12], $0x80, s25, s12, $0xb8;
	[tilespmem:$0x1D000] =	vst v63  }
0x116: {  	_ =	swait.ge [sflag:s17], $0x4000  }
0x117: {  	[sflag:s17] =	ssyncset.done $0x0  }
0x118: {  	[sflag:s17] =	ssyncadd.s32 $0xFFFFC000  }
0x119: {  	[spmem:s1] =	stream.indirect.scatter.add.f32 [tilespmem:s14], [sflag:$0x4], $0x80, s26, s12, $0xb8;
	[tilespmem:$0x1D000] =	vst v63  }
0x11a: {  	_ =	swait.ge [sflag:s18], $0x4000  }
0x11b: {  	[sflag:s18] =	ssyncset.done $0x0  }
0x11c: {  	[sflag:s18] =	ssyncadd.s32 $0xFFFFC000  }
0x11d: {  	[tilespmem:s14], [sflag:$0x2] =	stream.indirect.gather [hbm4b:s4+s12], $0x80, s28, s12, $0xb8;
	[tilespmem:$0x1D000] =	vst v63  }
0x11e: {  	_ =	swait.ge [sflag:s15], $0x4000  }
0x11f: {  	[sflag:s15] =	ssyncset.done $0x0  }
0x120: {  	[sflag:s15] =	ssyncadd.s32 $0xFFFFC000  }
0x121: {  	[spmem:s1] =	stream.indirect.scatter.add.f32 [tilespmem:s13], [sflag:$0x3], $0x80, s29, s12, $0xb8;
	[tilespmem:$0x1D000] =	vst v63  }
0x122: {  	_ =	swait.ge [sflag:s16], $0x4000  }
0x123: {  	[sflag:s16] =	ssyncset.done $0x0  }
0x124: {  	[sflag:s16] =	ssyncadd.s32 $0xFFFFC000  }
0x125: {  	[tilespmem:s13], [sflag:$0x1] =	stream.indirect.gather [hbm4b:s4+s12], $0x80, s30, s12, $0xb8;
	[tilespmem:$0x1D000] =	vst v63  }
0x126: {  	_ =	swait.ge [sflag:s17], $0x4000  }
0x127: {  	[sflag:s17] =	ssyncset.done $0x0  }
0x128: {  	[sflag:s17] =	ssyncadd.s32 $0xFFFFC000  }
0x129: {  	[spmem:s1] =	stream.indirect.scatter.add.f32 [tilespmem:s14], [sflag:$0x4], $0x80, s31, s12, $0xb8;
	[tilespmem:$0x1D000] =	vst v63  }
0x12a: {  	_ =	swait.ge [sflag:s18], $0x4000  }
0x12b: {  	[sflag:s18] =	ssyncset.done $0x0  }
0x12c: {  	[sflag:s18] =	ssyncadd.s32 $0xFFFFC000  }
0x12d: {  	[tilespmem:s14], [sflag:$0x2] =	stream.indirect.gather [hbm4b:s4+s12], $0x80, s0, s12, $0xb8;
	[tilespmem:$0x1D000] =	vst v63  }
0x12e: {  	_ =	swait.ge [sflag:s15], $0x4000  }
0x12f: {  	[sflag:s15] =	ssyncset.done $0x0  }
0x130: {  	[sflag:s15] =	ssyncadd.s32 $0xFFFFC000  }
0x131: {  	[spmem:s1] =	stream.indirect.scatter.add.f32 [tilespmem:s13], [sflag:$0x3], $0x80, s2, s12, $0xb8;
	[tilespmem:$0x1D000] =	vst v63  }
0x132: {  	_ =	swait.ge [sflag:s17], $0x4000  }
0x133: {  	[sflag:s17] =	ssyncset.done $0x0  }
0x134: {  	p0 =	sne.s32 s6, $0x400;
	[sflag:s17] =	ssyncadd.s32 $0xFFFFC000  }
0x135: {  	[spmem:s1] =	stream.indirect.scatter.add.f32 [tilespmem:s14], [sflag:$0x4], $0x80, s5, s12, $0xb8;
	[tilespmem:$0x1D000] =	vst v63  }
.Ltmp0:
0x136: {  	_ =	swait.ge [sflag:s16], $0x4000;
	(pc) =	sbr.rel @p0 .LBB2_2-.Ltmp0, $4  }
0x137: {  	[sflag:s16] =	ssyncset.done $0x0  }
0x138: {  	[sflag:s16] =	ssyncadd.s32 $0xFFFFC000  }
0x139: {  	s7 =	smov.u32 s6;
	s6 =	sadd.s32 $0x100, s6;
	_ =	swait.ge [sflag:s18], $0x4000  }
0x13a: {  	s8 =	smov.u32 s7;
	s9 =	rddreg [dreg:$0x4];
	[sflag:s18] =	ssyncset.done $0x0  }
0x13b: {  	[sflag:s18] =	ssyncadd.s32 $0xFFFFC000;
	s6 =	sadd.s32 s8, s9  }
0x13c: {  	[tilespmem:s3], [sflag:$0x5] =	stream.linear.gather [hbm4b:s6+s3], $0x800, $0x38;
	[tilespmem:$0x1D000] =	vst v63  }
0x13d: {  	_ =	swait.ge [sflag:s10], $0x800  }
0x13e: {  	s9 =	rddreg [dreg:$0x3];
	[sflag:s10] =	ssyncset.done $0x0  }
0x13f: {  	s6 =	sadd.s32 s8, s9;
	[sflag:s10] =	ssyncadd.s32 $0xFFFFF800  }
0x140: {  	[tilespmem:s11], [sflag:$0x5] =	stream.linear.gather [hbm4b:s6+s3], $0x800, $0x38;
	[tilespmem:$0x1D000] =	vst v63  }
0x141: {  	_ =	swait.ge [sflag:s10], $0x800  }
0x142: {  	[sflag:s10] =	ssyncset.done $0x0  }
0x143: {  	[sflag:s10] =	ssyncadd.s32 $0xFFFFF800  }
0x144: {  	[tilespmem:s13], [sflag:$0x1] =	stream.indirect.gather [hbm4b:s4+s12], $0x80, s3, s12, $0xb8;
	[tilespmem:$0x1D000] =	vst v63  }
0x145: {  	_ = 	snop  }
0x146: {  	[tilespmem:s14], [sflag:$0x2] =	stream.indirect.gather [hbm4b:s4+s12], $0x80, s12, s12, $0xb8;
	[tilespmem:$0x1D000] =	vst v63  }
0x147: {  	_ =	swait.ge [sflag:s15], $0x4000  }
0x148: {  	[sflag:s15] =	ssyncset.done $0x0  }
0x149: {  	[sflag:s15] =	ssyncadd.s32 $0xFFFFC000  }
0x14a: {  	[spmem:s1] =	stream.indirect.scatter.add.f32 [tilespmem:s13], [sflag:$0x3], $0x80, s11, s12, $0xb8;
	[tilespmem:$0x1D000] =	vst v63  }
0x14b: {  	_ =	swait.ge [sflag:s16], $0x4000  }
0x14c: {  	[sflag:s16] =	ssyncset.done $0x0  }
0x14d: {  	s7 =	rddreg [dreg:$0x5];
	[sflag:s16] =	ssyncadd.s32 $0xFFFFC000  }
0x14e: {  	[tilespmem:s13], [sflag:$0x1] =	stream.indirect.gather [hbm4b:s4+s12], $0x80, s7, s12, $0xb8;
	[tilespmem:$0x1D000] =	vst v63  }
0x14f: {  	_ =	swait.ge [sflag:s17], $0x4000  }
0x150: {  	[sflag:s17] =	ssyncset.done $0x0  }
0x151: {  	s8 =	rddreg [dreg:$0x6];
	[sflag:s17] =	ssyncadd.s32 $0xFFFFC000  }
0x152: {  	[spmem:s1] =	stream.indirect.scatter.add.f32 [tilespmem:s14], [sflag:$0x4], $0x80, s8, s12, $0xb8;
	[tilespmem:$0x1D000] =	vst v63  }
0x153: {  	_ =	swait.ge [sflag:s18], $0x4000  }
0x154: {  	[sflag:s18] =	ssyncset.done $0x0  }
0x155: {  	s9 =	rddreg [dreg:$0x7];
	[sflag:s18] =	ssyncadd.s32 $0xFFFFC000  }
0x156: {  	[tilespmem:s14], [sflag:$0x2] =	stream.indirect.gather [hbm4b:s4+s12], $0x80, s9, s12, $0xb8;
	[tilespmem:$0x1D000] =	vst v63  }
0x157: {  	_ =	swait.ge [sflag:s15], $0x4000  }
0x158: {  	[sflag:s15] =	ssyncset.done $0x0  }
0x159: {  	s7 =	rddreg [dreg:$0x8];
	[sflag:s15] =	ssyncadd.s32 $0xFFFFC000  }
0x15a: {  	[spmem:s1] =	stream.indirect.scatter.add.f32 [tilespmem:s13], [sflag:$0x3], $0x80, s7, s12, $0xb8;
	[tilespmem:$0x1D000] =	vst v63  }
0x15b: {  	_ =	swait.ge [sflag:s16], $0x4000  }
0x15c: {  	[sflag:s16] =	ssyncset.done $0x0  }
0x15d: {  	s8 =	rddreg [dreg:$0x9];
	[sflag:s16] =	ssyncadd.s32 $0xFFFFC000  }
0x15e: {  	[tilespmem:s13], [sflag:$0x1] =	stream.indirect.gather [hbm4b:s4+s12], $0x80, s8, s12, $0xb8;
	[tilespmem:$0x1D000] =	vst v63  }
0x15f: {  	_ =	swait.ge [sflag:s17], $0x4000  }
0x160: {  	[sflag:s17] =	ssyncset.done $0x0  }
0x161: {  	s9 =	rddreg [dreg:$0xa];
	[sflag:s17] =	ssyncadd.s32 $0xFFFFC000  }
0x162: {  	[spmem:s1] =	stream.indirect.scatter.add.f32 [tilespmem:s14], [sflag:$0x4], $0x80, s9, s12, $0xb8;
	[tilespmem:$0x1D000] =	vst v63  }
0x163: {  	_ =	swait.ge [sflag:s18], $0x4000  }
0x164: {  	[sflag:s18] =	ssyncset.done $0x0  }
0x165: {  	s7 =	rddreg [dreg:$0xb];
	[sflag:s18] =	ssyncadd.s32 $0xFFFFC000  }
0x166: {  	[tilespmem:s14], [sflag:$0x2] =	stream.indirect.gather [hbm4b:s4+s12], $0x80, s7, s12, $0xb8;
	[tilespmem:$0x1D000] =	vst v63  }
0x167: {  	_ =	swait.ge [sflag:s15], $0x4000  }
0x168: {  	[sflag:s15] =	ssyncset.done $0x0  }
0x169: {  	s8 =	rddreg [dreg:$0xc];
	[sflag:s15] =	ssyncadd.s32 $0xFFFFC000  }
0x16a: {  	[spmem:s1] =	stream.indirect.scatter.add.f32 [tilespmem:s13], [sflag:$0x3], $0x80, s8, s12, $0xb8;
	[tilespmem:$0x1D000] =	vst v63  }
0x16b: {  	_ =	swait.ge [sflag:s16], $0x4000  }
0x16c: {  	[sflag:s16] =	ssyncset.done $0x0  }
0x16d: {  	s9 =	rddreg [dreg:$0xd];
	[sflag:s16] =	ssyncadd.s32 $0xFFFFC000  }
0x16e: {  	[tilespmem:s13], [sflag:$0x1] =	stream.indirect.gather [hbm4b:s4+s12], $0x80, s9, s12, $0xb8;
	[tilespmem:$0x1D000] =	vst v63  }
0x16f: {  	_ =	swait.ge [sflag:s17], $0x4000  }
0x170: {  	[sflag:s17] =	ssyncset.done $0x0  }
0x171: {  	s7 =	rddreg [dreg:$0xe];
	[sflag:s17] =	ssyncadd.s32 $0xFFFFC000  }
0x172: {  	[spmem:s1] =	stream.indirect.scatter.add.f32 [tilespmem:s14], [sflag:$0x4], $0x80, s7, s12, $0xb8;
	[tilespmem:$0x1D000] =	vst v63  }
0x173: {  	_ =	swait.ge [sflag:s18], $0x4000  }
0x174: {  	[sflag:s18] =	ssyncset.done $0x0  }
0x175: {  	s8 =	rddreg [dreg:$0xf];
	[sflag:s18] =	ssyncadd.s32 $0xFFFFC000  }
0x176: {  	[tilespmem:s14], [sflag:$0x2] =	stream.indirect.gather [hbm4b:s4+s12], $0x80, s8, s12, $0xb8;
	[tilespmem:$0x1D000] =	vst v63  }
0x177: {  	_ =	swait.ge [sflag:s15], $0x4000  }
0x178: {  	[sflag:s15] =	ssyncset.done $0x0  }
0x179: {  	s9 =	rddreg [dreg:$0x10];
	[sflag:s15] =	ssyncadd.s32 $0xFFFFC000  }
0x17a: {  	[spmem:s1] =	stream.indirect.scatter.add.f32 [tilespmem:s13], [sflag:$0x3], $0x80, s9, s12, $0xb8;
	[tilespmem:$0x1D000] =	vst v63  }
0x17b: {  	_ =	swait.ge [sflag:s16], $0x4000  }
0x17c: {  	[sflag:s16] =	ssyncset.done $0x0  }
0x17d: {  	s7 =	rddreg [dreg:$0x11];
	[sflag:s16] =	ssyncadd.s32 $0xFFFFC000  }
0x17e: {  	[tilespmem:s13], [sflag:$0x1] =	stream.indirect.gather [hbm4b:s4+s12], $0x80, s7, s12, $0xb8;
	[tilespmem:$0x1D000] =	vst v63  }
0x17f: {  	_ =	swait.ge [sflag:s17], $0x4000  }
0x180: {  	[sflag:s17] =	ssyncset.done $0x0  }
0x181: {  	s8 =	rddreg [dreg:$0x12];
	[sflag:s17] =	ssyncadd.s32 $0xFFFFC000  }
0x182: {  	[spmem:s1] =	stream.indirect.scatter.add.f32 [tilespmem:s14], [sflag:$0x4], $0x80, s8, s12, $0xb8;
	[tilespmem:$0x1D000] =	vst v63  }
0x183: {  	_ =	swait.ge [sflag:s18], $0x4000  }
0x184: {  	[sflag:s18] =	ssyncset.done $0x0  }
0x185: {  	[sflag:s18] =	ssyncadd.s32 $0xFFFFC000  }
0x186: {  	[tilespmem:s14], [sflag:$0x2] =	stream.indirect.gather [hbm4b:s4+s12], $0x80, s19, s12, $0xb8;
	[tilespmem:$0x1D000] =	vst v63  }
0x187: {  	_ =	swait.ge [sflag:s15], $0x4000  }
0x188: {  	[sflag:s15] =	ssyncset.done $0x0  }
0x189: {  	[sflag:s15] =	ssyncadd.s32 $0xFFFFC000  }
0x18a: {  	[spmem:s1] =	stream.indirect.scatter.add.f32 [tilespmem:s13], [sflag:$0x3], $0x80, s20, s12, $0xb8;
	[tilespmem:$0x1D000] =	vst v63  }
0x18b: {  	_ =	swait.ge [sflag:s16], $0x4000  }
0x18c: {  	[sflag:s16] =	ssyncset.done $0x0  }
0x18d: {  	[sflag:s16] =	ssyncadd.s32 $0xFFFFC000  }
0x18e: {  	[tilespmem:s13], [sflag:$0x1] =	stream.indirect.gather [hbm4b:s4+s12], $0x80, s21, s12, $0xb8;
	[tilespmem:$0x1D000] =	vst v63  }
0x18f: {  	_ =	swait.ge [sflag:s17], $0x4000  }
0x190: {  	[sflag:s17] =	ssyncset.done $0x0  }
0x191: {  	[sflag:s17] =	ssyncadd.s32 $0xFFFFC000  }
0x192: {  	[spmem:s1] =	stream.indirect.scatter.add.f32 [tilespmem:s14], [sflag:$0x4], $0x80, s22, s12, $0xb8;
	[tilespmem:$0x1D000] =	vst v63  }
0x193: {  	_ =	swait.ge [sflag:s18], $0x4000  }
0x194: {  	[sflag:s18] =	ssyncset.done $0x0  }
0x195: {  	[sflag:s18] =	ssyncadd.s32 $0xFFFFC000  }
0x196: {  	[tilespmem:s14], [sflag:$0x2] =	stream.indirect.gather [hbm4b:s4+s12], $0x80, s23, s12, $0xb8;
	[tilespmem:$0x1D000] =	vst v63  }
0x197: {  	_ =	swait.ge [sflag:s15], $0x4000  }
0x198: {  	[sflag:s15] =	ssyncset.done $0x0  }
0x199: {  	[sflag:s15] =	ssyncadd.s32 $0xFFFFC000  }
0x19a: {  	[spmem:s1] =	stream.indirect.scatter.add.f32 [tilespmem:s13], [sflag:$0x3], $0x80, s24, s12, $0xb8;
	[tilespmem:$0x1D000] =	vst v63  }
0x19b: {  	_ =	swait.ge [sflag:s16], $0x4000  }
0x19c: {  	[sflag:s16] =	ssyncset.done $0x0  }
0x19d: {  	[sflag:s16] =	ssyncadd.s32 $0xFFFFC000  }
0x19e: {  	[tilespmem:s13], [sflag:$0x1] =	stream.indirect.gather [hbm4b:s4+s12], $0x80, s25, s12, $0xb8;
	[tilespmem:$0x1D000] =	vst v63  }
0x19f: {  	_ =	swait.ge [sflag:s17], $0x4000  }
0x1a0: {  	[sflag:s17] =	ssyncset.done $0x0  }
0x1a1: {  	[sflag:s17] =	ssyncadd.s32 $0xFFFFC000  }
0x1a2: {  	[spmem:s1] =	stream.indirect.scatter.add.f32 [tilespmem:s14], [sflag:$0x4], $0x80, s26, s12, $0xb8;
	[tilespmem:$0x1D000] =	vst v63  }
0x1a3: {  	_ =	swait.ge [sflag:s18], $0x4000  }
0x1a4: {  	[sflag:s18] =	ssyncset.done $0x0  }
0x1a5: {  	[sflag:s18] =	ssyncadd.s32 $0xFFFFC000  }
0x1a6: {  	[tilespmem:s14], [sflag:$0x2] =	stream.indirect.gather [hbm4b:s4+s12], $0x80, s28, s12, $0xb8;
	[tilespmem:$0x1D000] =	vst v63  }
0x1a7: {  	_ =	swait.ge [sflag:s15], $0x4000  }
0x1a8: {  	[sflag:s15] =	ssyncset.done $0x0  }
0x1a9: {  	[sflag:s15] =	ssyncadd.s32 $0xFFFFC000  }
0x1aa: {  	[spmem:s1] =	stream.indirect.scatter.add.f32 [tilespmem:s13], [sflag:$0x3], $0x80, s29, s12, $0xb8;
	[tilespmem:$0x1D000] =	vst v63  }
0x1ab: {  	_ =	swait.ge [sflag:s16], $0x4000  }
0x1ac: {  	[sflag:s16] =	ssyncset.done $0x0  }
0x1ad: {  	[sflag:s16] =	ssyncadd.s32 $0xFFFFC000  }
0x1ae: {  	[tilespmem:s13], [sflag:$0x1] =	stream.indirect.gather [hbm4b:s4+s12], $0x80, s30, s12, $0xb8;
	[tilespmem:$0x1D000] =	vst v63  }
0x1af: {  	_ =	swait.ge [sflag:s17], $0x4000  }
0x1b0: {  	[sflag:s17] =	ssyncset.done $0x0  }
0x1b1: {  	[sflag:s17] =	ssyncadd.s32 $0xFFFFC000  }
0x1b2: {  	[spmem:s1] =	stream.indirect.scatter.add.f32 [tilespmem:s14], [sflag:$0x4], $0x80, s31, s12, $0xb8;
	[tilespmem:$0x1D000] =	vst v63  }
0x1b3: {  	_ =	swait.ge [sflag:s18], $0x4000  }
0x1b4: {  	[sflag:s18] =	ssyncset.done $0x0  }
0x1b5: {  	[sflag:s18] =	ssyncadd.s32 $0xFFFFC000  }
0x1b6: {  	[tilespmem:s14], [sflag:$0x2] =	stream.indirect.gather [hbm4b:s4+s12], $0x80, s0, s12, $0xb8;
	[tilespmem:$0x1D000] =	vst v63  }
0x1b7: {  	_ =	swait.ge [sflag:s15], $0x4000  }
0x1b8: {  	[sflag:s15] =	ssyncset.done $0x0  }
0x1b9: {  	[sflag:s15] =	ssyncadd.s32 $0xFFFFC000  }
0x1ba: {  	[spmem:s1] =	stream.indirect.scatter.add.f32 [tilespmem:s13], [sflag:$0x3], $0x80, s2, s12, $0xb8;
	[tilespmem:$0x1D000] =	vst v63  }
0x1bb: {  	_ =	swait.ge [sflag:s17], $0x4000  }
0x1bc: {  	[sflag:s17] =	ssyncset.done $0x0  }
0x1bd: {  	[sflag:s17] =	ssyncadd.s32 $0xFFFFC000  }
0x1be: {  	[spmem:s1] =	stream.indirect.scatter.add.f32 [tilespmem:s14], [sflag:$0x4], $0x80, s5, s12, $0xb8;
	[tilespmem:$0x1D000] =	vst v63  }
0x1bf: {  	_ =	swait.ge [sflag:s16], $0x4000  }
0x1c0: {  	[sflag:s16] =	ssyncset.done $0x0  }
0x1c1: {  	[sflag:s16] =	ssyncadd.s32 $0xFFFFC000  }
0x1c2: {  	_ =	swait.ge [sflag:s18], $0x4000  }
0x1c3: {  	[sflag:s18] =	ssyncset.done $0x0  }
0x1c4: {  	[sflag:s18] =	ssyncadd.s32 $0xFFFFC000  }
0x1c5: {  	[bflag:$0x0] =	sbarrier.arrive $0xFFFF  }
0x1c6: {  	s8 =	rddreg [dreg:$0x14]  }
0x1c7: {  	s9 =	rddreg [dreg:$0x15]  }
0x1c8: {  	s7 =	rddreg [dreg:$0x17]  }
0x1c9: {  	[hbm:s9], [sflag:s8] =	dma.local [spmem:s7], $0x2800  }
0x1ca: {  	_ =	swait.ge [sflag:s10], $0x2800  }
0x1cb: {  	s6 =	rddreg [dreg:$0x18]  }
0x1cc: {  	s9 =	sadd.s32 $0x1, s6;
	s6 =	rddreg [dreg:$0x16]  }
0x1cd: {  	p0 =	sne.s32 s9, s6  }
.Ltmp1:
0x1ce: {  	_ = 	snop;
	(pc) =	sbr.rel @p0 .LBB2_1-.Ltmp1, $3  }
0x1cf: {  	_ =	sdelay $0x1  }
0x1d0: {  	[sflag:s10] =	ssyncset.done $0x0  }
0x1d1: {  	[sflag:s10] =	ssyncadd.s32 $0xFFFFD800  }
0x1d2: {  	_ =	sfence.sel $0x180000  }
0x1d3: {  	[bflag:$0x0] =	sbarrier.arrive $0xFFFF  }
0x1d4: {  	_ =	strace $0x9000004A  }
0x1d5: {  	s0 =	stileid.u32;
	[bflag:$0x2] =	sbarrier.arrive $0xFFFF  }
0x1d6: {  	p0 =	sne.s32 s0, $0x0;
	s0 =	rddreg [dreg:$0x2]  }
0x1d7: {  	s0 =	sadd.s32 @!p0 $0x100000, s0  }
0x1d8: {  	[sflag:s0] =	ssyncadd.tile.s32 @!p0 $0x1;
	_ =	shalt  }
.Lfunc_end2:
_tile_overlayer_lowered:
.L_overlay_start_2:
0x1d9: {  	(tag) =	ssettag $0x2  }
0x1da: {  	s0 =	rddreg [dreg:$0x0];
	s2 =	stileid.u32  }
0x1db: {  	s1 =	rddreg [dreg:$0x1];
	p0 =	sne.s32 s2, $0x0  }
0x1dc: {  	s3 =	rddreg [dreg:$0x2];
	[bflag:$0x3] =	sbarrier.arrive $0xFFFF;
	s2 =	simm.s32 @!p0 $0x1C05  }
0x1dd: {  	[timem:s3], [sflag:s2] =	dma.local @!p0 [hbm:s0], s1  }
0x1de: {  	s0 =	simm.s32 @!p0 $0x5  }
0x1df: {  	_ =	swait.ge @!p0 [sflag:s0], s1  }
0x1e0: {  	s1 =	ssub.s32 @!p0 $0x0, s1;
	[sflag:s0] =	ssyncset.done @!p0 $0x0  }
0x1e1: {  	[sflag:s0] =	ssyncadd.s32 @!p0 s1  }
0x1e2: {  	[bflag:$0x3] =	sbarrier.arrive $0xFFFF  }
0x1e3: {  	_ =	shalt  }

// kernel: kernel.16.cloned.1.call-start
scs
__scs_entry_jumppad:
0x0: {  	(pc) =	sbr.rel $0x88, $3  }
0x1: {  	(tag) =	ssettag $0x0;
	lr =	simm.s32 $0x1  }
0x2: {  	[smem:$0x3F95] =	sst lr;
	_ =	strace $0xD0000000  }
0x3: {  	_ = 	snop  }
0x4: {  	_ = 	snop  }
0x5: {  	_ = 	snop  }
0x6: {  	_ = 	snop  }
0x7: {  	_ = 	snop  }
__scs_overlays_trampoline_lowered:
0x8: {  	[smem:$0x3FA4] =	sst s0  }
0x9: {  	[smem:$0x3FA5] =	sst s1  }
0xa: {  	[smem:$0x3FA6] =	sst s2  }
0xb: {  	[smem:$0x3FA7] =	sst s3  }
0xc: {  	[smem:$0x3FA8] =	sst s4  }
0xd: {  	[smem:$0x3FA9] =	sst s5  }
0xe: {  	[smem:$0x3FAA] =	sst s6  }
0xf: {  	[smem:$0x3FAB] =	sst s7  }
0x10: {  	[smem:$0x3FAC] =	sst s8  }
0x11: {  	[smem:$0x3FAD] =	sst s9;
	s0 =	simm.s32 @!p0 $0x0  }
0x12: {  	s1 =	sld [smem:$0x3F93];
	s0 =	simm.s32 @p0 $0x1  }
0x13: {  	[smem:$0x3FAE] =	sst s0;
	s0 =	simm.s32 @!p1 $0x0  }
0x14: {  	s2 =	sld [smem:$0x3F92];
	s0 =	simm.s32 @p1 $0x1  }
0x15: {  	[smem:$0x3FAF] =	sst s0;
	s0 =	simm.s32 @!p2 $0x0  }
0x16: {  	s3 =	sld [smem:$0x3FDB];
	s0 =	simm.s32 @p2 $0x1  }
0x17: {  	s4 =	simm.s32 $0x1BF5;
	[smem:$0x3FB1] =	sst s0  }
0x18: {  	s0 =	sld [smem:$0x3F94];
	_ =	swait.ge [sflag:s4], $0x0  }
0x19: {  	s7 =	sld [smem:$0x3F95]  }
0x1a: {  	s8 =	sadd.s32 $0xFFFFE003, lr  }
0x1b: {  	s9 =	sadd.s32 $0xFFFFFEF7, lr;
	s5 =	simm.s32 $0xFFFFFFFF;
	p2 =	slt.u32 s8, $0xFFFFF086  }
0x1c: {  	p1 =	slt.u32 s9, $0xF7A;
	s5 =	simm.s32 @!p2 $0x0  }
0x1d: {  	s5 =	simm.s32 @p1 $0x1;
	p0 =	seq.s32 s7, s2  }
0x1e: {  	s7 =	smul.u32 @!p0 $0xF7A, s2;
	p2 =	seq.s32 @!p0 s5, $0x0  }
0x1f: {  	s9 =	smul.u32 $0xF7A, s1;
	s8 =	simm.s32 @!p0 $0x1BF5;
	p2 =	por !p2, p0  }
0x20: {  	[sflag:s8] =	ssyncset.s32 @!p0 $0xFFFFF086;
	s6 =	sadd.s32 @!p0 s3, s7;
	s7 =	simm.s32 @!p0 $0x108  }
0x21: {  	s3 =	sadd.s32 s3, s9;
	s6 =	sadd.s32 @!p0 $0x88, s6;
	s7 =	simm.s32 @p2 $0x1082  }
0x22: {  	[simem:s7], [sflag:s8] =	dma.local @!p0 [hbm:s6], $0xF7A  }
0x23: {  	s9 =	sor.u32 $0xD0000000, s2;
	s6 =	simm.s32 $0x108;
	_ =	swait.ge @!p0 [sflag:s8], $0x0  }
0x24: {  	s3 =	sadd.s32 $0x88, s3;
	s6 =	simm.s32 @!p1 $0x1082;
	[sflag:s4] =	ssyncset.s32 $0xFFFFF086  }
0x25: {  	[simem:s6], [sflag:s4] =	dma.local [hbm:s3], $0xF7A  }
0x26: {  	[smem:$0x3F95] =	sst s1;
	(tag) =	ssettag s2;
	_ =	strace s9  }
0x27: {  	s1 =	sld [smem:$0x3FA5]  }
0x28: {  	s2 =	sld [smem:$0x3FA6]  }
0x29: {  	s4 =	sld [smem:$0x3FA8]  }
0x2a: {  	p0 =	seq.s32 s5, $0x0;
	s5 =	sld [smem:$0x3FA9]  }
0x2b: {  	s6 =	sld [smem:$0x3FAA]  }
0x2c: {  	s7 =	sld [smem:$0x3FAB]  }
0x2d: {  	s3 =	simm.s32 $0x108;
	s8 =	sld [smem:$0x3FAC]  }
0x2e: {  	s3 =	simm.s32 @!p0 $0x1082;
	s9 =	sld [smem:$0x3FAD]  }
0x2f: {  	lr =	sadd.s32 s0, s3;
	s0 =	sld [smem:$0x3FA4]  }
0x30: {  	s3 =	sld [smem:$0x3FA7]  }
0x31: {  	[smem:$0x3FB0] =	sst s10  }
0x32: {  	s10 =	sld [smem:$0x3FAE];
	_ =	sdelay $0x3  }
0x33: {  	p0 =	seq.s32 s10, $0x1;
	s10 =	sld [smem:$0x3FB0];
	_ =	sdelay $0x3  }
0x34: {  	[smem:$0x3FB0] =	sst s10  }
0x35: {  	s10 =	sld [smem:$0x3FAF];
	_ =	sdelay $0x3  }
0x36: {  	p1 =	seq.s32 s10, $0x1;
	s10 =	sld [smem:$0x3FB0];
	_ =	sdelay $0x3  }
0x37: {  	[smem:$0x3FB0] =	sst s10  }
0x38: {  	s10 =	sld [smem:$0x3FB1]  }
0x39: {  	_ = 	snop;
	(pc) =	sbr.ind lr, $3  }
0x3a: {  	_ = 	snop  }
0x3b: {  	_ = 	snop  }
0x3c: {  	p2 =	seq.s32 s10, $0x1;
	s10 =	sld [smem:$0x3FB0]  }
0x3d: {  	_ =	shalt  }
0x3e: {  	_ =	shalt  }
0x3f: {  	_ =	shalt  }
0x40: {  	_ =	shalt  }
0x41: {  	_ =	shalt  }
0x42: {  	_ =	shalt  }
0x43: {  	_ =	shalt  }
0x44: {  	_ =	shalt  }
0x45: {  	_ =	shalt  }
0x46: {  	_ =	shalt  }
0x47: {  	_ =	shalt  }
0x48: {  	_ =	shalt  }
0x49: {  	_ =	shalt  }
0x4a: {  	_ =	shalt  }
0x4b: {  	_ =	shalt  }
0x4c: {  	_ =	shalt  }
0x4d: {  	_ =	shalt  }
0x4e: {  	_ =	shalt  }
0x4f: {  	_ =	shalt  }
0x50: {  	_ =	shalt  }
0x51: {  	_ =	shalt  }
0x52: {  	_ =	shalt  }
0x53: {  	_ =	shalt  }
0x54: {  	_ =	shalt  }
0x55: {  	_ =	shalt  }
0x56: {  	_ =	shalt  }
0x57: {  	_ =	shalt  }
0x58: {  	_ =	shalt  }
0x59: {  	_ =	shalt  }
0x5a: {  	_ =	shalt  }
0x5b: {  	_ =	shalt  }
0x5c: {  	_ =	shalt  }
0x5d: {  	_ =	shalt  }
0x5e: {  	_ =	shalt  }
0x5f: {  	_ =	shalt  }
0x60: {  	_ =	shalt  }
0x61: {  	_ =	shalt  }
0x62: {  	_ =	shalt  }
0x63: {  	_ =	shalt  }
0x64: {  	_ =	shalt  }
0x65: {  	_ =	shalt  }
0x66: {  	_ =	shalt  }
0x67: {  	_ =	shalt  }
0x68: {  	_ =	shalt  }
0x69: {  	_ =	shalt  }
0x6a: {  	_ =	shalt  }
0x6b: {  	_ =	shalt  }
0x6c: {  	_ =	shalt  }
0x6d: {  	_ =	shalt  }
0x6e: {  	_ =	shalt  }
0x6f: {  	_ =	shalt  }
0x70: {  	_ =	shalt  }
0x71: {  	_ =	shalt  }
0x72: {  	_ =	shalt  }
0x73: {  	_ =	shalt  }
0x74: {  	_ =	shalt  }
0x75: {  	_ =	shalt  }
0x76: {  	_ =	shalt  }
0x77: {  	_ =	shalt  }
0x78: {  	_ =	shalt  }
0x79: {  	_ =	shalt  }
0x7a: {  	_ =	shalt  }
0x7b: {  	_ =	shalt  }
0x7c: {  	_ =	shalt  }
0x7d: {  	_ =	shalt  }
0x7e: {  	_ =	shalt  }
0x7f: {  	_ =	shalt  }
0x80: {  	_ =	shalt  }
0x81: {  	_ =	shalt  }
0x82: {  	_ =	shalt  }
0x83: {  	_ =	shalt  }
0x84: {  	_ =	shalt  }
0x85: {  	_ =	shalt  }
0x86: {  	_ =	shalt  }
0x87: {  	_ =	shalt  }
.Lfunc_end0:
.L_simem_size_0:
called_computation.2_lowered:
.L_overlay_start_0:
0x88: {  	s2 =	sld [smem:$0x3FD9]  }
0x89: {  	s3 =	sld [smem:$0x3FFE];
	_ =	sdelay $0x1  }
0x8a: {  	s1 =	srdreg.scid  }
0x8b: {  	s0 =	sand.u32 $0x1, s1  }
0x8c: {  	s16 =	sshll.u32 s0, $0xA;
	s2 =	sadd.s32 s3, s2  }
0x8d: {  	s2 =	sadd.s32 s2, s16  }
0x8e: {  	[smem:$0x3FBC] =	sst s2  }
0x8f: {  	_ = 	snop  }
0x90: {  	(tm) =	ssettm $0x1  }
0x91: {  	s17 =	sld [smem:$0x3FFB];
	_ =	sdelay $0x3  }
0x92: {  	_ =	strace s17  }
0x93: {  	s2 =	sld [smem:$0x3FFC];
	_ =	sdelay $0x3  }
0x94: {  	_ =	strace s2  }
0x95: {  	s2 =	sld [smem:$0x3FFD];
	_ =	sdelay $0x3  }
0x96: {  	_ =	strace s2  }
0x97: {  	_ =	strace $0x8FFFFFFF  }
0x98: {  	s18 =	sld [smem:$0x3FDB];
	_ =	sdelay $0x1  }
0x99: {  	s19 =	simm.s32 $_scs_section_size  }
0x9a: {  	s4 =	simm.s32 $_size__tile_overlayer_lowered;
	s5 =	simm.s32 $_tile_overlayer_lowered  }
0x9b: {  	s22 =	simm.s32 $0x1BFF;
	s21 =	sshll.u32 s5, $0x1;
	s2 =	sadd.s32 s19, s18  }
0x9c: {  	s6 =	simm.s32 $0x0;
	s20 =	sshll.u32 s4, $0x1;
	s4 =	sadd.s32 s21, s2  }
0x9d: {  	[timem:s6], [sflag:s22] =	dma.local [hbm:s4], s20  }
0x9e: {  	_ =	swait.ge [sflag:s22], s20  }
0x9f: {  	s3 =	ssub.s32 $0x0, s20;
	[sflag:s22] =	ssyncset.done $0x0  }
0xa0: {  	[sflag:s22] =	ssyncadd.s32 s3;
	_ =	sdelay $0x1  }
0xa1: {  	s23 =	simm.s32 $0x1B8B  }
0xa2: {  	_ =	swait.ge [sflag:s23], $0x1  }
0xa3: {  	[sflag:s23] =	ssyncset.done $0x0  }
0xa4: {  	s25 =	simm.s32 $0x1B8E;
	s24 =	sld [smem:$0x3FFE];
	[sflag:s23] =	ssyncadd.s32 $0xFFFFFFFF  }
0xa5: {  	s26 =	simm.s32 $execute0_lowered;
	[smem:$0x3FD2] =	sst s25  }
0xa6: {  	s4 =	sshll.u32 s26, $0x1;
	_ =	strace $0x8000004C;
	[dreg:$0x1] =	wrdreg $0xFFFFFFFF  }
0xa7: {  	s28 =	simm.s32 $_size_execute0_lowered;
	s2 =	sadd.s32 s2, s4;
	[dreg:$0x0] =	wrdreg $0x0  }
0xa8: {  	s4 =	sshll.u32 s28, $0x1;
	[dreg:$0x2] =	wrdreg s2  }
0xa9: {  	[dreg:$0x3] =	wrdreg s4  }
0xaa: {  	[dreg:$0x4] =	wrdreg $0xC0  }
0xab: {  	_ =	task [dreg:s6], $0x5FFFF  }
0xac: {  	[dreg:$0x1] =	wrdreg $0xFFFFFFFF  }
0xad: {  	[dreg:$0x0] =	wrdreg $0x60  }
0xae: {  	[dreg:$0x2] =	wrdreg s24  }
0xaf: {  	[dreg:$0x3] =	wrdreg $0x90000  }
0xb0: {  	[dreg:$0x4] =	wrdreg $0x9  }
0xb1: {  	_ =	task.clear_ibuf [dreg:s6], $0x5FFFF;
	_ =	strace $0x9000004C  }
0xb2: {  	s29 =	simm.s32 $0x9;
	_ =	strace $0x8000004E  }
0xb3: {  	_ =	swait.ge [sflag:s29], $0x1  }
0xb4: {  	[sflag:s29] =	ssyncadd.s32 $0xFFFFFFFF  }
0xb5: {  	_ =	strace $0x9000004E  }
0xb6: {  	_ =	sfence  }
0xb7: {  	s30 =	sld [smem:$0x0];
	_ =	sdelay $0x2  }
0xb8: {  	s31 =	sshll.u32 s1, $0xD;
	s1 =	sshrl.u32 s1, $0x2  }
0xb9: {  	s3 =	sand.u32 $0x4000, s31;
	s1 =	sadd.s32 s1, s30  }
0xba: {  	s0 =	sor.u32 s3, s0;
	s1 =	sshll.u32 s1, $0x11  }
0xbb: {  	s0 =	sor.u32 s1, s0  }
0xbc: {  	s0 =	sadd.s32 $0x8F2B, s0  }
0xbd: {  	[sflag:s0] =	ssyncadd.remote.s32 $0x1  }
0xbe: {  	_ =	sfence.sel $0xFFFF  }
0xbf: {  	[dreg:$0x0] =	wrdreg $0xFFFFFFFF;
	(pc) =	sbr.abs _section_cstart, $3  }
0xc0: {  	[dreg:$0x1] =	wrdreg $0xFFFFFFFF  }
0xc1: {  	_ =	task.clear_ibuf [dreg:s6], $0x2FFFF;
	_ =	strace $0x9FFFFFFF  }
0xc2: {  	(tm) =	ssettm $0x7FFFFFFF  }
0xc3: {  	_ =	shalt  }
tec
execute0_lowered:
.L_overlay_start_1:
0x0: {  	(tag) =	ssettag $0x1  }
0x1: {  	s0 =	rddreg [dreg:$0x0]  }
0x2: {  	s1 =	rddreg [dreg:$0x1]  }
0x3: {  	s2 =	srdreg.scid;
	s3 =	simm.s32 $0x0;
	s10 =	stileid.u32  }
0x4: {  	s11 =	simm.s32 $0x100;
	s13 =	simm.s32 $0x880;
	s14 =	simm.s32 $0x180  }
0x5: {  	s15 =	simm.s32 $0x900;
	s17 =	simm.s32 $0x200;
	s18 =	simm.s32 $0x980  }
0x6: {  	s19 =	simm.s32 $0x280;
	s20 =	simm.s32 $0xA00;
	[smem:$0x7FF] =	sst s3  }
0x7: {  	s21 =	simm.s32 $0x300;
	_ =	strace $0x8000004D;
	[dreg:$0x5] =	wrdreg s11  }
0x8: {  	s22 =	simm.s32 $0xA80;
	s23 =	simm.s32 $0x380;
	[dreg:$0x6] =	wrdreg s13  }
0x9: {  	s28 =	simm.s32 $0x680;
	s29 =	simm.s32 $0xE00;
	[dreg:$0x7] =	wrdreg s14  }
0xa: {  	s30 =	simm.s32 $0x700;
	s31 =	simm.s32 $0xE80;
	[dreg:$0x8] =	wrdreg s15  }
0xb: {  	s2 =	sand.u32 $0x1, s2;
	s6 =	smul.u32 $0x280, s10;
	[dreg:$0x9] =	wrdreg s17  }
0xc: {  	s4 =	sadd.s32 $0x8A000, s0;
	s7 =	smul.u32 $0x500, s10;
	[dreg:$0xa] =	wrdreg s18  }
0xd: {  	s8 =	smul.u32 $0x50000, s10;
	s12 =	sshll.u32 s10, $0x6;
	[dreg:$0xb] =	wrdreg s19  }
0xe: {  	s10 =	simm.s32 $0x5;
	s5 =	smul.u32 $0x2800, s2;
	[dreg:$0xc] =	wrdreg s20  }
0xf: {  	s24 =	ssub.s32 $0x2, s2;
	s2 =	smul.u32 $0x5000, s2;
	[dreg:$0xd] =	wrdreg s21  }
0x10: {  	s11 =	simm.s32 $0x800;
	s13 =	simm.s32 $0x1000;
	[dreg:$0xe] =	wrdreg s22  }
0x11: {  	s14 =	simm.s32 $0x5000;
	s15 =	simm.s32 $0x1;
	[dreg:$0xf] =	wrdreg s23  }
0x12: {  	s17 =	simm.s32 $0x2;
	s18 =	simm.s32 $0x4;
	s19 =	simm.s32 $0x480  }
0x13: {  	s20 =	simm.s32 $0xC00;
	s21 =	simm.s32 $0x500;
	s22 =	simm.s32 $0xC80  }
0x14: {  	s23 =	simm.s32 $0x580;
	s9 =	sshrl.u32 s24, $0x1;
	s7 =	sadd.s32 s7, s0  }
0x15: {  	s8 =	sshrl.u32 s8, $0x2;
	s5 =	sadd.s32 s6, s5;
	s6 =	ssub.s32 s24, s9  }
0x16: {  	s25 =	sadd.s32 $0x3000, s7;
	s2 =	sadd.s32 s2, s7;
	s26 =	sadd.s32 s8, s1  }
0x17: {  	s8 =	sor.u32 $0x1C05, s12;
	s24 =	simm.s32 $0xB00;
	[dreg:$0x3] =	wrdreg s25  }
0x18: {  	s12 =	simm.s32 $0x80;
	s9 =	simm.s32 $0x0;
	[dreg:$0x10] =	wrdreg s24  }
0x19: {  	s5 =	sshll.u32 s5, $0x4;
	s2 =	sadd.s32 $0x80000, s2;
	[dreg:$0x14] =	wrdreg s8  }
0x1a: {  	s16 =	smax.u32 s6, $0x1;
	s7 =	sshrl.u32 s26, $0x3;
	[dreg:$0x4] =	wrdreg s2  }
0x1b: {  	s25 =	simm.s32 $0x400;
	s26 =	simm.s32 $0xB80;
	[dreg:$0x16] =	wrdreg s16  }
0x1c: {  	s24 =	simm.s32 $0xD00;
	s0 =	sadd.s32 s5, s0;
	[dreg:$0x11] =	wrdreg s25  }
0x1d: {  	s5 =	sadd.s32 s4, s5;
	s16 =	simm.s32 $0x3;
	[dreg:$0x12] =	wrdreg s26  }
0x1e: {  	s25 =	simm.s32 $0x600;
	s26 =	simm.s32 $0xD80;
	[dreg:$0x17] =	wrdreg s7  }
0x1f: {  	s2 =	simm.s32 $0xF00;
	[dreg:$0x13] =	wrdreg s5;
	s0 =	sadd.s32 $0xDA000, s0  }
0x20: {  	s5 =	simm.s32 $0xF80;
	[dreg:$0x15] =	wrdreg s0;
	s0 =	simm.s32 $0x780  }
.LBB2_1:
0x21: {  	[dreg:$0x18] =	wrdreg s9  }
0x22: {  	s6 =	rddreg [dreg:$0x13]  }
0x23: {  	[spmem:s7], [sflag:s8] =	dma.local [hbm:s6], $0x2800  }
0x24: {  	_ =	swait.ge [sflag:s10], $0x2800  }
0x25: {  	[sflag:s10] =	ssyncset.done $0x0  }
0x26: {  	[sflag:s10] =	ssyncadd.s32 $0xFFFFD800  }
0x27: {  	[bflag:$0x0] =	sbarrier.arrive $0xFFFF  }
0x28: {  	s9 =	rddreg [dreg:$0x4]  }
0x29: {  	s6 =	sadd.s32 $0x0, s9  }
0x2a: {  	[tilespmem:s3], [sflag:$0x5] =	stream.linear.gather [hbm4b:s6+s3], $0x800, $0x38;
	[tilespmem:$0x1D000] =	vst v63  }
0x2b: {  	_ =	swait.ge [sflag:s10], $0x800  }
0x2c: {  	s7 =	rddreg [dreg:$0x3];
	[sflag:s10] =	ssyncset.done $0x0  }
0x2d: {  	[sflag:s10] =	ssyncadd.s32 $0xFFFFF800;
	s6 =	sadd.s32 $0x0, s7  }
0x2e: {  	[tilespmem:s11], [sflag:$0x5] =	stream.linear.gather [hbm4b:s6+s3], $0x800, $0x38;
	[tilespmem:$0x1D000] =	vst v63  }
0x2f: {  	_ =	swait.ge [sflag:s10], $0x800  }
0x30: {  	[sflag:s10] =	ssyncset.done $0x0  }
0x31: {  	[sflag:s10] =	ssyncadd.s32 $0xFFFFF800  }
0x32: {  	[tilespmem:s13], [sflag:$0x1] =	stream.indirect.gather [hbm4b:s4+s12], $0x80, s3, s12, $0xb8;
	[tilespmem:$0x1D000] =	vst v63  }
0x33: {  	_ = 	snop  }
0x34: {  	[tilespmem:s14], [sflag:$0x2] =	stream.indirect.gather [hbm4b:s4+s12], $0x80, s12, s12, $0xb8;
	[tilespmem:$0x1D000] =	vst v63  }
0x35: {  	_ =	swait.ge [sflag:s15], $0x4000  }
0x36: {  	[sflag:s15] =	ssyncset.done $0x0  }
0x37: {  	[sflag:s15] =	ssyncadd.s32 $0xFFFFC000  }
0x38: {  	[spmem:s1] =	stream.indirect.scatter.add.f32 [tilespmem:s13], [sflag:$0x3], $0x80, s11, s12, $0xb8;
	[tilespmem:$0x1D000] =	vst v63  }
0x39: {  	_ =	swait.ge [sflag:s16], $0x4000  }
0x3a: {  	[sflag:s16] =	ssyncset.done $0x0  }
0x3b: {  	s8 =	rddreg [dreg:$0x5];
	[sflag:s16] =	ssyncadd.s32 $0xFFFFC000  }
0x3c: {  	[tilespmem:s13], [sflag:$0x1] =	stream.indirect.gather [hbm4b:s4+s12], $0x80, s8, s12, $0xb8;
	[tilespmem:$0x1D000] =	vst v63  }
0x3d: {  	_ =	swait.ge [sflag:s17], $0x4000  }
0x3e: {  	[sflag:s17] =	ssyncset.done $0x0  }
0x3f: {  	s9 =	rddreg [dreg:$0x6];
	[sflag:s17] =	ssyncadd.s32 $0xFFFFC000  }
0x40: {  	[spmem:s1] =	stream.indirect.scatter.add.f32 [tilespmem:s14], [sflag:$0x4], $0x80, s9, s12, $0xb8;
	[tilespmem:$0x1D000] =	vst v63  }
0x41: {  	_ =	swait.ge [sflag:s18], $0x4000  }
0x42: {  	[sflag:s18] =	ssyncset.done $0x0  }
0x43: {  	s7 =	rddreg [dreg:$0x7];
	[sflag:s18] =	ssyncadd.s32 $0xFFFFC000  }
0x44: {  	[tilespmem:s14], [sflag:$0x2] =	stream.indirect.gather [hbm4b:s4+s12], $0x80, s7, s12, $0xb8;
	[tilespmem:$0x1D000] =	vst v63  }
0x45: {  	_ =	swait.ge [sflag:s15], $0x4000  }
0x46: {  	[sflag:s15] =	ssyncset.done $0x0  }
0x47: {  	s8 =	rddreg [dreg:$0x8];
	[sflag:s15] =	ssyncadd.s32 $0xFFFFC000  }
0x48: {  	[spmem:s1] =	stream.indirect.scatter.add.f32 [tilespmem:s13], [sflag:$0x3], $0x80, s8, s12, $0xb8;
	[tilespmem:$0x1D000] =	vst v63  }
0x49: {  	_ =	swait.ge [sflag:s16], $0x4000  }
0x4a: {  	[sflag:s16] =	ssyncset.done $0x0  }
0x4b: {  	s9 =	rddreg [dreg:$0x9];
	[sflag:s16] =	ssyncadd.s32 $0xFFFFC000  }
0x4c: {  	[tilespmem:s13], [sflag:$0x1] =	stream.indirect.gather [hbm4b:s4+s12], $0x80, s9, s12, $0xb8;
	[tilespmem:$0x1D000] =	vst v63  }
0x4d: {  	_ =	swait.ge [sflag:s17], $0x4000  }
0x4e: {  	[sflag:s17] =	ssyncset.done $0x0  }
0x4f: {  	s7 =	rddreg [dreg:$0xa];
	[sflag:s17] =	ssyncadd.s32 $0xFFFFC000  }
0x50: {  	[spmem:s1] =	stream.indirect.scatter.add.f32 [tilespmem:s14], [sflag:$0x4], $0x80, s7, s12, $0xb8;
	[tilespmem:$0x1D000] =	vst v63  }
0x51: {  	_ =	swait.ge [sflag:s18], $0x4000  }
0x52: {  	[sflag:s18] =	ssyncset.done $0x0  }
0x53: {  	s8 =	rddreg [dreg:$0xb];
	[sflag:s18] =	ssyncadd.s32 $0xFFFFC000  }
0x54: {  	[tilespmem:s14], [sflag:$0x2] =	stream.indirect.gather [hbm4b:s4+s12], $0x80, s8, s12, $0xb8;
	[tilespmem:$0x1D000] =	vst v63  }
0x55: {  	_ =	swait.ge [sflag:s15], $0x4000  }
0x56: {  	[sflag:s15] =	ssyncset.done $0x0  }
0x57: {  	s9 =	rddreg [dreg:$0xc];
	[sflag:s15] =	ssyncadd.s32 $0xFFFFC000  }
0x58: {  	[spmem:s1] =	stream.indirect.scatter.add.f32 [tilespmem:s13], [sflag:$0x3], $0x80, s9, s12, $0xb8;
	[tilespmem:$0x1D000] =	vst v63  }
0x59: {  	_ =	swait.ge [sflag:s16], $0x4000  }
0x5a: {  	[sflag:s16] =	ssyncset.done $0x0  }
0x5b: {  	s7 =	rddreg [dreg:$0xd];
	[sflag:s16] =	ssyncadd.s32 $0xFFFFC000  }
0x5c: {  	[tilespmem:s13], [sflag:$0x1] =	stream.indirect.gather [hbm4b:s4+s12], $0x80, s7, s12, $0xb8;
	[tilespmem:$0x1D000] =	vst v63  }
0x5d: {  	_ =	swait.ge [sflag:s17], $0x4000  }
0x5e: {  	[sflag:s17] =	ssyncset.done $0x0  }
0x5f: {  	s8 =	rddreg [dreg:$0xe];
	[sflag:s17] =	ssyncadd.s32 $0xFFFFC000  }
0x60: {  	[spmem:s1] =	stream.indirect.scatter.add.f32 [tilespmem:s14], [sflag:$0x4], $0x80, s8, s12, $0xb8;
	[tilespmem:$0x1D000] =	vst v63  }
0x61: {  	_ =	swait.ge [sflag:s18], $0x4000  }
0x62: {  	[sflag:s18] =	ssyncset.done $0x0  }
0x63: {  	s9 =	rddreg [dreg:$0xf];
	[sflag:s18] =	ssyncadd.s32 $0xFFFFC000  }
0x64: {  	[tilespmem:s14], [sflag:$0x2] =	stream.indirect.gather [hbm4b:s4+s12], $0x80, s9, s12, $0xb8;
	[tilespmem:$0x1D000] =	vst v63  }
0x65: {  	_ =	swait.ge [sflag:s15], $0x4000  }
0x66: {  	[sflag:s15] =	ssyncset.done $0x0  }
0x67: {  	s7 =	rddreg [dreg:$0x10];
	[sflag:s15] =	ssyncadd.s32 $0xFFFFC000  }
0x68: {  	[spmem:s1] =	stream.indirect.scatter.add.f32 [tilespmem:s13], [sflag:$0x3], $0x80, s7, s12, $0xb8;
	[tilespmem:$0x1D000] =	vst v63  }
0x69: {  	_ =	swait.ge [sflag:s16], $0x4000  }
0x6a: {  	[sflag:s16] =	ssyncset.done $0x0  }
0x6b: {  	s8 =	rddreg [dreg:$0x11];
	[sflag:s16] =	ssyncadd.s32 $0xFFFFC000  }
0x6c: {  	[tilespmem:s13], [sflag:$0x1] =	stream.indirect.gather [hbm4b:s4+s12], $0x80, s8, s12, $0xb8;
	[tilespmem:$0x1D000] =	vst v63  }
0x6d: {  	_ =	swait.ge [sflag:s17], $0x4000  }
0x6e: {  	[sflag:s17] =	ssyncset.done $0x0  }
0x6f: {  	s9 =	rddreg [dreg:$0x12];
	[sflag:s17] =	ssyncadd.s32 $0xFFFFC000  }
0x70: {  	[spmem:s1] =	stream.indirect.scatter.add.f32 [tilespmem:s14], [sflag:$0x4], $0x80, s9, s12, $0xb8;
	[tilespmem:$0x1D000] =	vst v63  }
0x71: {  	_ =	swait.ge [sflag:s18], $0x4000  }
0x72: {  	[sflag:s18] =	ssyncset.done $0x0  }
0x73: {  	[sflag:s18] =	ssyncadd.s32 $0xFFFFC000  }
0x74: {  	[tilespmem:s14], [sflag:$0x2] =	stream.indirect.gather [hbm4b:s4+s12], $0x80, s19, s12, $0xb8;
	[tilespmem:$0x1D000] =	vst v63  }
0x75: {  	_ =	swait.ge [sflag:s15], $0x4000  }
0x76: {  	[sflag:s15] =	ssyncset.done $0x0  }
0x77: {  	[sflag:s15] =	ssyncadd.s32 $0xFFFFC000  }
0x78: {  	[spmem:s1] =	stream.indirect.scatter.add.f32 [tilespmem:s13], [sflag:$0x3], $0x80, s20, s12, $0xb8;
	[tilespmem:$0x1D000] =	vst v63  }
0x79: {  	_ =	swait.ge [sflag:s16], $0x4000  }
0x7a: {  	[sflag:s16] =	ssyncset.done $0x0  }
0x7b: {  	[sflag:s16] =	ssyncadd.s32 $0xFFFFC000  }
0x7c: {  	[tilespmem:s13], [sflag:$0x1] =	stream.indirect.gather [hbm4b:s4+s12], $0x80, s21, s12, $0xb8;
	[tilespmem:$0x1D000] =	vst v63  }
0x7d: {  	_ =	swait.ge [sflag:s17], $0x4000  }
0x7e: {  	[sflag:s17] =	ssyncset.done $0x0  }
0x7f: {  	[sflag:s17] =	ssyncadd.s32 $0xFFFFC000  }
0x80: {  	[spmem:s1] =	stream.indirect.scatter.add.f32 [tilespmem:s14], [sflag:$0x4], $0x80, s22, s12, $0xb8;
	[tilespmem:$0x1D000] =	vst v63  }
0x81: {  	_ =	swait.ge [sflag:s18], $0x4000  }
0x82: {  	[sflag:s18] =	ssyncset.done $0x0  }
0x83: {  	[sflag:s18] =	ssyncadd.s32 $0xFFFFC000  }
0x84: {  	[tilespmem:s14], [sflag:$0x2] =	stream.indirect.gather [hbm4b:s4+s12], $0x80, s23, s12, $0xb8;
	[tilespmem:$0x1D000] =	vst v63  }
0x85: {  	_ =	swait.ge [sflag:s15], $0x4000  }
0x86: {  	[sflag:s15] =	ssyncset.done $0x0  }
0x87: {  	[sflag:s15] =	ssyncadd.s32 $0xFFFFC000  }
0x88: {  	[spmem:s1] =	stream.indirect.scatter.add.f32 [tilespmem:s13], [sflag:$0x3], $0x80, s24, s12, $0xb8;
	[tilespmem:$0x1D000] =	vst v63  }
0x89: {  	_ =	swait.ge [sflag:s16], $0x4000  }
0x8a: {  	[sflag:s16] =	ssyncset.done $0x0  }
0x8b: {  	[sflag:s16] =	ssyncadd.s32 $0xFFFFC000  }
0x8c: {  	[tilespmem:s13], [sflag:$0x1] =	stream.indirect.gather [hbm4b:s4+s12], $0x80, s25, s12, $0xb8;
	[tilespmem:$0x1D000] =	vst v63  }
0x8d: {  	_ =	swait.ge [sflag:s17], $0x4000  }
0x8e: {  	[sflag:s17] =	ssyncset.done $0x0  }
0x8f: {  	[sflag:s17] =	ssyncadd.s32 $0xFFFFC000  }
0x90: {  	[spmem:s1] =	stream.indirect.scatter.add.f32 [tilespmem:s14], [sflag:$0x4], $0x80, s26, s12, $0xb8;
	[tilespmem:$0x1D000] =	vst v63  }
0x91: {  	_ =	swait.ge [sflag:s18], $0x4000  }
0x92: {  	[sflag:s18] =	ssyncset.done $0x0  }
0x93: {  	[sflag:s18] =	ssyncadd.s32 $0xFFFFC000  }
0x94: {  	[tilespmem:s14], [sflag:$0x2] =	stream.indirect.gather [hbm4b:s4+s12], $0x80, s28, s12, $0xb8;
	[tilespmem:$0x1D000] =	vst v63  }
0x95: {  	_ =	swait.ge [sflag:s15], $0x4000  }
0x96: {  	[sflag:s15] =	ssyncset.done $0x0  }
0x97: {  	[sflag:s15] =	ssyncadd.s32 $0xFFFFC000  }
0x98: {  	[spmem:s1] =	stream.indirect.scatter.add.f32 [tilespmem:s13], [sflag:$0x3], $0x80, s29, s12, $0xb8;
	[tilespmem:$0x1D000] =	vst v63  }
0x99: {  	_ =	swait.ge [sflag:s16], $0x4000  }
0x9a: {  	[sflag:s16] =	ssyncset.done $0x0  }
0x9b: {  	[sflag:s16] =	ssyncadd.s32 $0xFFFFC000  }
0x9c: {  	[tilespmem:s13], [sflag:$0x1] =	stream.indirect.gather [hbm4b:s4+s12], $0x80, s30, s12, $0xb8;
	[tilespmem:$0x1D000] =	vst v63  }
0x9d: {  	_ =	swait.ge [sflag:s17], $0x4000  }
0x9e: {  	[sflag:s17] =	ssyncset.done $0x0  }
0x9f: {  	[sflag:s17] =	ssyncadd.s32 $0xFFFFC000  }
0xa0: {  	[spmem:s1] =	stream.indirect.scatter.add.f32 [tilespmem:s14], [sflag:$0x4], $0x80, s31, s12, $0xb8;
	[tilespmem:$0x1D000] =	vst v63  }
0xa1: {  	_ =	swait.ge [sflag:s18], $0x4000  }
0xa2: {  	[sflag:s18] =	ssyncset.done $0x0  }
0xa3: {  	[sflag:s18] =	ssyncadd.s32 $0xFFFFC000  }
0xa4: {  	[tilespmem:s14], [sflag:$0x2] =	stream.indirect.gather [hbm4b:s4+s12], $0x80, s0, s12, $0xb8;
	[tilespmem:$0x1D000] =	vst v63  }
0xa5: {  	_ =	swait.ge [sflag:s15], $0x4000  }
0xa6: {  	[sflag:s15] =	ssyncset.done $0x0  }
0xa7: {  	[sflag:s15] =	ssyncadd.s32 $0xFFFFC000  }
0xa8: {  	[spmem:s1] =	stream.indirect.scatter.add.f32 [tilespmem:s13], [sflag:$0x3], $0x80, s2, s12, $0xb8;
	[tilespmem:$0x1D000] =	vst v63  }
0xa9: {  	_ =	swait.ge [sflag:s17], $0x4000  }
0xaa: {  	[sflag:s17] =	ssyncset.done $0x0  }
0xab: {  	[sflag:s17] =	ssyncadd.s32 $0xFFFFC000  }
0xac: {  	[spmem:s1] =	stream.indirect.scatter.add.f32 [tilespmem:s14], [sflag:$0x4], $0x80, s5, s12, $0xb8;
	[tilespmem:$0x1D000] =	vst v63  }
0xad: {  	_ =	swait.ge [sflag:s16], $0x4000  }
0xae: {  	[sflag:s16] =	ssyncset.done $0x0  }
0xaf: {  	[sflag:s16] =	ssyncadd.s32 $0xFFFFC000  }
0xb0: {  	s6 =	simm.s32 $0x200;
	_ =	swait.ge [sflag:s18], $0x4000  }
0xb1: {  	s8 =	simm.s32 $0x100;
	s9 =	rddreg [dreg:$0x4];
	[sflag:s18] =	ssyncset.done $0x0  }
.LBB2_2:
0xb2: {  	[sflag:s18] =	ssyncadd.s32 $0xFFFFC000;
	s9 =	sadd.s32 s8, s9  }
0xb3: {  	[tilespmem:s3], [sflag:$0x5] =	stream.linear.gather [hbm4b:s9+s3], $0x800, $0x38;
	[tilespmem:$0x1D000] =	vst v63  }
0xb4: {  	_ =	swait.ge [sflag:s10], $0x800  }
0xb5: {  	s9 =	rddreg [dreg:$0x3];
	[sflag:s10] =	ssyncset.done $0x0  }
0xb6: {  	[sflag:s10] =	ssyncadd.s32 $0xFFFFF800;
	s9 =	sadd.s32 s8, s9  }
0xb7: {  	[tilespmem:s11], [sflag:$0x5] =	stream.linear.gather [hbm4b:s9+s3], $0x800, $0x38;
	[tilespmem:$0x1D000] =	vst v63  }
0xb8: {  	_ =	swait.ge [sflag:s10], $0x800  }
0xb9: {  	[sflag:s10] =	ssyncset.done $0x0  }
0xba: {  	[sflag:s10] =	ssyncadd.s32 $0xFFFFF800  }
0xbb: {  	[tilespmem:s13], [sflag:$0x1] =	stream.indirect.gather [hbm4b:s4+s12], $0x80, s3, s12, $0xb8;
	[tilespmem:$0x1D000] =	vst v63  }
0xbc: {  	_ = 	snop  }
0xbd: {  	[tilespmem:s14], [sflag:$0x2] =	stream.indirect.gather [hbm4b:s4+s12], $0x80, s12, s12, $0xb8;
	[tilespmem:$0x1D000] =	vst v63  }
0xbe: {  	_ =	swait.ge [sflag:s15], $0x4000  }
0xbf: {  	[sflag:s15] =	ssyncset.done $0x0  }
0xc0: {  	[sflag:s15] =	ssyncadd.s32 $0xFFFFC000  }
0xc1: {  	[spmem:s1] =	stream.indirect.scatter.add.f32 [tilespmem:s13], [sflag:$0x3], $0x80, s11, s12, $0xb8;
	[tilespmem:$0x1D000] =	vst v63  }
0xc2: {  	_ =	swait.ge [sflag:s16], $0x4000  }
0xc3: {  	[sflag:s16] =	ssyncset.done $0x0  }
0xc4: {  	s9 =	rddreg [dreg:$0x5];
	[sflag:s16] =	ssyncadd.s32 $0xFFFFC000  }
0xc5: {  	[tilespmem:s13], [sflag:$0x1] =	stream.indirect.gather [hbm4b:s4+s12], $0x80, s9, s12, $0xb8;
	[tilespmem:$0x1D000] =	vst v63  }
0xc6: {  	_ =	swait.ge [sflag:s17], $0x4000  }
0xc7: {  	[sflag:s17] =	ssyncset.done $0x0  }
0xc8: {  	s9 =	rddreg [dreg:$0x6];
	[sflag:s17] =	ssyncadd.s32 $0xFFFFC000  }
0xc9: {  	[spmem:s1] =	stream.indirect.scatter.add.f32 [tilespmem:s14], [sflag:$0x4], $0x80, s9, s12, $0xb8;
	[tilespmem:$0x1D000] =	vst v63  }
0xca: {  	_ =	swait.ge [sflag:s18], $0x4000  }
0xcb: {  	[sflag:s18] =	ssyncset.done $0x0  }
0xcc: {  	s9 =	rddreg [dreg:$0x7];
	[sflag:s18] =	ssyncadd.s32 $0xFFFFC000  }
0xcd: {  	[tilespmem:s14], [sflag:$0x2] =	stream.indirect.gather [hbm4b:s4+s12], $0x80, s9, s12, $0xb8;
	[tilespmem:$0x1D000] =	vst v63  }
0xce: {  	_ =	swait.ge [sflag:s15], $0x4000  }
0xcf: {  	[sflag:s15] =	ssyncset.done $0x0  }
0xd0: {  	s9 =	rddreg [dreg:$0x8];
	[sflag:s15] =	ssyncadd.s32 $0xFFFFC000  }
0xd1: {  	[spmem:s1] =	stream.indirect.scatter.add.f32 [tilespmem:s13], [sflag:$0x3], $0x80, s9, s12, $0xb8;
	[tilespmem:$0x1D000] =	vst v63  }
0xd2: {  	_ =	swait.ge [sflag:s16], $0x4000  }
0xd3: {  	[sflag:s16] =	ssyncset.done $0x0  }
0xd4: {  	s9 =	rddreg [dreg:$0x9];
	[sflag:s16] =	ssyncadd.s32 $0xFFFFC000  }
0xd5: {  	[tilespmem:s13], [sflag:$0x1] =	stream.indirect.gather [hbm4b:s4+s12], $0x80, s9, s12, $0xb8;
	[tilespmem:$0x1D000] =	vst v63  }
0xd6: {  	_ =	swait.ge [sflag:s17], $0x4000  }
0xd7: {  	[sflag:s17] =	ssyncset.done $0x0  }
0xd8: {  	s9 =	rddreg [dreg:$0xa];
	[sflag:s17] =	ssyncadd.s32 $0xFFFFC000  }
0xd9: {  	[spmem:s1] =	stream.indirect.scatter.add.f32 [tilespmem:s14], [sflag:$0x4], $0x80, s9, s12, $0xb8;
	[tilespmem:$0x1D000] =	vst v63  }
0xda: {  	_ =	swait.ge [sflag:s18], $0x4000  }
0xdb: {  	[sflag:s18] =	ssyncset.done $0x0  }
0xdc: {  	s9 =	rddreg [dreg:$0xb];
	[sflag:s18] =	ssyncadd.s32 $0xFFFFC000  }
0xdd: {  	[tilespmem:s14], [sflag:$0x2] =	stream.indirect.gather [hbm4b:s4+s12], $0x80, s9, s12, $0xb8;
	[tilespmem:$0x1D000] =	vst v63  }
0xde: {  	_ =	swait.ge [sflag:s15], $0x4000  }
0xdf: {  	[sflag:s15] =	ssyncset.done $0x0  }
0xe0: {  	s9 =	rddreg [dreg:$0xc];
	[sflag:s15] =	ssyncadd.s32 $0xFFFFC000  }
0xe1: {  	[spmem:s1] =	stream.indirect.scatter.add.f32 [tilespmem:s13], [sflag:$0x3], $0x80, s9, s12, $0xb8;
	[tilespmem:$0x1D000] =	vst v63  }
0xe2: {  	_ =	swait.ge [sflag:s16], $0x4000  }
0xe3: {  	[sflag:s16] =	ssyncset.done $0x0  }
0xe4: {  	s9 =	rddreg [dreg:$0xd];
	[sflag:s16] =	ssyncadd.s32 $0xFFFFC000  }
0xe5: {  	[tilespmem:s13], [sflag:$0x1] =	stream.indirect.gather [hbm4b:s4+s12], $0x80, s9, s12, $0xb8;
	[tilespmem:$0x1D000] =	vst v63  }
0xe6: {  	_ =	swait.ge [sflag:s17], $0x4000  }
0xe7: {  	[sflag:s17] =	ssyncset.done $0x0  }
0xe8: {  	s9 =	rddreg [dreg:$0xe];
	[sflag:s17] =	ssyncadd.s32 $0xFFFFC000  }
0xe9: {  	[spmem:s1] =	stream.indirect.scatter.add.f32 [tilespmem:s14], [sflag:$0x4], $0x80, s9, s12, $0xb8;
	[tilespmem:$0x1D000] =	vst v63  }
0xea: {  	_ =	swait.ge [sflag:s18], $0x4000  }
0xeb: {  	[sflag:s18] =	ssyncset.done $0x0  }
0xec: {  	s9 =	rddreg [dreg:$0xf];
	[sflag:s18] =	ssyncadd.s32 $0xFFFFC000  }
0xed: {  	[tilespmem:s14], [sflag:$0x2] =	stream.indirect.gather [hbm4b:s4+s12], $0x80, s9, s12, $0xb8;
	[tilespmem:$0x1D000] =	vst v63  }
0xee: {  	_ =	swait.ge [sflag:s15], $0x4000  }
0xef: {  	[sflag:s15] =	ssyncset.done $0x0  }
0xf0: {  	s9 =	rddreg [dreg:$0x10];
	[sflag:s15] =	ssyncadd.s32 $0xFFFFC000  }
0xf1: {  	[spmem:s1] =	stream.indirect.scatter.add.f32 [tilespmem:s13], [sflag:$0x3], $0x80, s9, s12, $0xb8;
	[tilespmem:$0x1D000] =	vst v63  }
0xf2: {  	_ =	swait.ge [sflag:s16], $0x4000  }
0xf3: {  	[sflag:s16] =	ssyncset.done $0x0  }
0xf4: {  	s9 =	rddreg [dreg:$0x11];
	[sflag:s16] =	ssyncadd.s32 $0xFFFFC000  }
0xf5: {  	[tilespmem:s13], [sflag:$0x1] =	stream.indirect.gather [hbm4b:s4+s12], $0x80, s9, s12, $0xb8;
	[tilespmem:$0x1D000] =	vst v63  }
0xf6: {  	_ =	swait.ge [sflag:s17], $0x4000  }
0xf7: {  	[sflag:s17] =	ssyncset.done $0x0  }
0xf8: {  	s9 =	rddreg [dreg:$0x12];
	[sflag:s17] =	ssyncadd.s32 $0xFFFFC000  }
0xf9: {  	[spmem:s1] =	stream.indirect.scatter.add.f32 [tilespmem:s14], [sflag:$0x4], $0x80, s9, s12, $0xb8;
	[tilespmem:$0x1D000] =	vst v63  }
0xfa: {  	_ =	swait.ge [sflag:s18], $0x4000  }
0xfb: {  	[sflag:s18] =	ssyncset.done $0x0  }
0xfc: {  	[sflag:s18] =	ssyncadd.s32 $0xFFFFC000  }
0xfd: {  	[tilespmem:s14], [sflag:$0x2] =	stream.indirect.gather [hbm4b:s4+s12], $0x80, s19, s12, $0xb8;
	[tilespmem:$0x1D000] =	vst v63  }
0xfe: {  	_ =	swait.ge [sflag:s15], $0x4000  }
0xff: {  	[sflag:s15] =	ssyncset.done $0x0  }
0x100: {  	[sflag:s15] =	ssyncadd.s32 $0xFFFFC000  }
0x101: {  	[spmem:s1] =	stream.indirect.scatter.add.f32 [tilespmem:s13], [sflag:$0x3], $0x80, s20, s12, $0xb8;
	[tilespmem:$0x1D000] =	vst v63  }
0x102: {  	_ =	swait.ge [sflag:s16], $0x4000  }
0x103: {  	[sflag:s16] =	ssyncset.done $0x0  }
0x104: {  	[sflag:s16] =	ssyncadd.s32 $0xFFFFC000  }
0x105: {  	[tilespmem:s13], [sflag:$0x1] =	stream.indirect.gather [hbm4b:s4+s12], $0x80, s21, s12, $0xb8;
	[tilespmem:$0x1D000] =	vst v63  }
0x106: {  	_ =	swait.ge [sflag:s17], $0x4000  }
0x107: {  	[sflag:s17] =	ssyncset.done $0x0  }
0x108: {  	[sflag:s17] =	ssyncadd.s32 $0xFFFFC000  }
0x109: {  	[spmem:s1] =	stream.indirect.scatter.add.f32 [tilespmem:s14], [sflag:$0x4], $0x80, s22, s12, $0xb8;
	[tilespmem:$0x1D000] =	vst v63  }
0x10a: {  	_ =	swait.ge [sflag:s18], $0x4000  }
0x10b: {  	[sflag:s18] =	ssyncset.done $0x0  }
0x10c: {  	[sflag:s18] =	ssyncadd.s32 $0xFFFFC000  }
0x10d: {  	[tilespmem:s14], [sflag:$0x2] =	stream.indirect.gather [hbm4b:s4+s12], $0x80, s23, s12, $0xb8;
	[tilespmem:$0x1D000] =	vst v63  }
0x10e: {  	_ =	swait.ge [sflag:s15], $0x4000  }
0x10f: {  	[sflag:s15] =	ssyncset.done $0x0  }
0x110: {  	[sflag:s15] =	ssyncadd.s32 $0xFFFFC000  }
0x111: {  	[spmem:s1] =	stream.indirect.scatter.add.f32 [tilespmem:s13], [sflag:$0x3], $0x80, s24, s12, $0xb8;
	[tilespmem:$0x1D000] =	vst v63  }
0x112: {  	_ =	swait.ge [sflag:s16], $0x4000  }
0x113: {  	[sflag:s16] =	ssyncset.done $0x0  }
0x114: {  	[sflag:s16] =	ssyncadd.s32 $0xFFFFC000  }
0x115: {  	[tilespmem:s13], [sflag:$0x1] =	stream.indirect.gather [hbm4b:s4+s12], $0x80, s25, s12, $0xb8;
	[tilespmem:$0x1D000] =	vst v63  }
0x116: {  	_ =	swait.ge [sflag:s17], $0x4000  }
0x117: {  	[sflag:s17] =	ssyncset.done $0x0  }
0x118: {  	[sflag:s17] =	ssyncadd.s32 $0xFFFFC000  }
0x119: {  	[spmem:s1] =	stream.indirect.scatter.add.f32 [tilespmem:s14], [sflag:$0x4], $0x80, s26, s12, $0xb8;
	[tilespmem:$0x1D000] =	vst v63  }
0x11a: {  	_ =	swait.ge [sflag:s18], $0x4000  }
0x11b: {  	[sflag:s18] =	ssyncset.done $0x0  }
0x11c: {  	[sflag:s18] =	ssyncadd.s32 $0xFFFFC000  }
0x11d: {  	[tilespmem:s14], [sflag:$0x2] =	stream.indirect.gather [hbm4b:s4+s12], $0x80, s28, s12, $0xb8;
	[tilespmem:$0x1D000] =	vst v63  }
0x11e: {  	_ =	swait.ge [sflag:s15], $0x4000  }
0x11f: {  	[sflag:s15] =	ssyncset.done $0x0  }
0x120: {  	[sflag:s15] =	ssyncadd.s32 $0xFFFFC000  }
0x121: {  	[spmem:s1] =	stream.indirect.scatter.add.f32 [tilespmem:s13], [sflag:$0x3], $0x80, s29, s12, $0xb8;
	[tilespmem:$0x1D000] =	vst v63  }
0x122: {  	_ =	swait.ge [sflag:s16], $0x4000  }
0x123: {  	[sflag:s16] =	ssyncset.done $0x0  }
0x124: {  	[sflag:s16] =	ssyncadd.s32 $0xFFFFC000  }
0x125: {  	[tilespmem:s13], [sflag:$0x1] =	stream.indirect.gather [hbm4b:s4+s12], $0x80, s30, s12, $0xb8;
	[tilespmem:$0x1D000] =	vst v63  }
0x126: {  	_ =	swait.ge [sflag:s17], $0x4000  }
0x127: {  	[sflag:s17] =	ssyncset.done $0x0  }
0x128: {  	[sflag:s17] =	ssyncadd.s32 $0xFFFFC000  }
0x129: {  	[spmem:s1] =	stream.indirect.scatter.add.f32 [tilespmem:s14], [sflag:$0x4], $0x80, s31, s12, $0xb8;
	[tilespmem:$0x1D000] =	vst v63  }
0x12a: {  	_ =	swait.ge [sflag:s18], $0x4000  }
0x12b: {  	[sflag:s18] =	ssyncset.done $0x0  }
0x12c: {  	[sflag:s18] =	ssyncadd.s32 $0xFFFFC000  }
0x12d: {  	[tilespmem:s14], [sflag:$0x2] =	stream.indirect.gather [hbm4b:s4+s12], $0x80, s0, s12, $0xb8;
	[tilespmem:$0x1D000] =	vst v63  }
0x12e: {  	_ =	swait.ge [sflag:s15], $0x4000  }
0x12f: {  	[sflag:s15] =	ssyncset.done $0x0  }
0x130: {  	[sflag:s15] =	ssyncadd.s32 $0xFFFFC000  }
0x131: {  	[spmem:s1] =	stream.indirect.scatter.add.f32 [tilespmem:s13], [sflag:$0x3], $0x80, s2, s12, $0xb8;
	[tilespmem:$0x1D000] =	vst v63  }
0x132: {  	_ =	swait.ge [sflag:s17], $0x4000  }
0x133: {  	[sflag:s17] =	ssyncset.done $0x0  }
0x134: {  	p0 =	sne.s32 s6, $0x400;
	[sflag:s17] =	ssyncadd.s32 $0xFFFFC000  }
0x135: {  	[spmem:s1] =	stream.indirect.scatter.add.f32 [tilespmem:s14], [sflag:$0x4], $0x80, s5, s12, $0xb8;
	[tilespmem:$0x1D000] =	vst v63  }
.Ltmp0:
0x136: {  	_ =	swait.ge [sflag:s16], $0x4000;
	(pc) =	sbr.rel @p0 .LBB2_2-.Ltmp0, $4  }
0x137: {  	[sflag:s16] =	ssyncset.done $0x0  }
0x138: {  	[sflag:s16] =	ssyncadd.s32 $0xFFFFC000  }
0x139: {  	s7 =	smov.u32 s6;
	s6 =	sadd.s32 $0x100, s6;
	_ =	swait.ge [sflag:s18], $0x4000  }
0x13a: {  	s8 =	smov.u32 s7;
	s9 =	rddreg [dreg:$0x4];
	[sflag:s18] =	ssyncset.done $0x0  }
0x13b: {  	[sflag:s18] =	ssyncadd.s32 $0xFFFFC000;
	s6 =	sadd.s32 s8, s9  }
0x13c: {  	[tilespmem:s3], [sflag:$0x5] =	stream.linear.gather [hbm4b:s6+s3], $0x800, $0x38;
	[tilespmem:$0x1D000] =	vst v63  }
0x13d: {  	_ =	swait.ge [sflag:s10], $0x800  }
0x13e: {  	s9 =	rddreg [dreg:$0x3];
	[sflag:s10] =	ssyncset.done $0x0  }
0x13f: {  	s6 =	sadd.s32 s8, s9;
	[sflag:s10] =	ssyncadd.s32 $0xFFFFF800  }
0x140: {  	[tilespmem:s11], [sflag:$0x5] =	stream.linear.gather [hbm4b:s6+s3], $0x800, $0x38;
	[tilespmem:$0x1D000] =	vst v63  }
0x141: {  	_ =	swait.ge [sflag:s10], $0x800  }
0x142: {  	[sflag:s10] =	ssyncset.done $0x0  }
0x143: {  	[sflag:s10] =	ssyncadd.s32 $0xFFFFF800  }
0x144: {  	[tilespmem:s13], [sflag:$0x1] =	stream.indirect.gather [hbm4b:s4+s12], $0x80, s3, s12, $0xb8;
	[tilespmem:$0x1D000] =	vst v63  }
0x145: {  	_ = 	snop  }
0x146: {  	[tilespmem:s14], [sflag:$0x2] =	stream.indirect.gather [hbm4b:s4+s12], $0x80, s12, s12, $0xb8;
	[tilespmem:$0x1D000] =	vst v63  }
0x147: {  	_ =	swait.ge [sflag:s15], $0x4000  }
0x148: {  	[sflag:s15] =	ssyncset.done $0x0  }
0x149: {  	[sflag:s15] =	ssyncadd.s32 $0xFFFFC000  }
0x14a: {  	[spmem:s1] =	stream.indirect.scatter.add.f32 [tilespmem:s13], [sflag:$0x3], $0x80, s11, s12, $0xb8;
	[tilespmem:$0x1D000] =	vst v63  }
0x14b: {  	_ =	swait.ge [sflag:s16], $0x4000  }
0x14c: {  	[sflag:s16] =	ssyncset.done $0x0  }
0x14d: {  	s7 =	rddreg [dreg:$0x5];
	[sflag:s16] =	ssyncadd.s32 $0xFFFFC000  }
0x14e: {  	[tilespmem:s13], [sflag:$0x1] =	stream.indirect.gather [hbm4b:s4+s12], $0x80, s7, s12, $0xb8;
	[tilespmem:$0x1D000] =	vst v63  }
0x14f: {  	_ =	swait.ge [sflag:s17], $0x4000  }
0x150: {  	[sflag:s17] =	ssyncset.done $0x0  }
0x151: {  	s8 =	rddreg [dreg:$0x6];
	[sflag:s17] =	ssyncadd.s32 $0xFFFFC000  }
0x152: {  	[spmem:s1] =	stream.indirect.scatter.add.f32 [tilespmem:s14], [sflag:$0x4], $0x80, s8, s12, $0xb8;
	[tilespmem:$0x1D000] =	vst v63  }
0x153: {  	_ =	swait.ge [sflag:s18], $0x4000  }
0x154: {  	[sflag:s18] =	ssyncset.done $0x0  }
0x155: {  	s9 =	rddreg [dreg:$0x7];
	[sflag:s18] =	ssyncadd.s32 $0xFFFFC000  }
0x156: {  	[tilespmem:s14], [sflag:$0x2] =	stream.indirect.gather [hbm4b:s4+s12], $0x80, s9, s12, $0xb8;
	[tilespmem:$0x1D000] =	vst v63  }
0x157: {  	_ =	swait.ge [sflag:s15], $0x4000  }
0x158: {  	[sflag:s15] =	ssyncset.done $0x0  }
0x159: {  	s7 =	rddreg [dreg:$0x8];
	[sflag:s15] =	ssyncadd.s32 $0xFFFFC000  }
0x15a: {  	[spmem:s1] =	stream.indirect.scatter.add.f32 [tilespmem:s13], [sflag:$0x3], $0x80, s7, s12, $0xb8;
	[tilespmem:$0x1D000] =	vst v63  }
0x15b: {  	_ =	swait.ge [sflag:s16], $0x4000  }
0x15c: {  	[sflag:s16] =	ssyncset.done $0x0  }
0x15d: {  	s8 =	rddreg [dreg:$0x9];
	[sflag:s16] =	ssyncadd.s32 $0xFFFFC000  }
0x15e: {  	[tilespmem:s13], [sflag:$0x1] =	stream.indirect.gather [hbm4b:s4+s12], $0x80, s8, s12, $0xb8;
	[tilespmem:$0x1D000] =	vst v63  }
0x15f: {  	_ =	swait.ge [sflag:s17], $0x4000  }
0x160: {  	[sflag:s17] =	ssyncset.done $0x0  }
0x161: {  	s9 =	rddreg [dreg:$0xa];
	[sflag:s17] =	ssyncadd.s32 $0xFFFFC000  }
0x162: {  	[spmem:s1] =	stream.indirect.scatter.add.f32 [tilespmem:s14], [sflag:$0x4], $0x80, s9, s12, $0xb8;
	[tilespmem:$0x1D000] =	vst v63  }
0x163: {  	_ =	swait.ge [sflag:s18], $0x4000  }
0x164: {  	[sflag:s18] =	ssyncset.done $0x0  }
0x165: {  	s7 =	rddreg [dreg:$0xb];
	[sflag:s18] =	ssyncadd.s32 $0xFFFFC000  }
0x166: {  	[tilespmem:s14], [sflag:$0x2] =	stream.indirect.gather [hbm4b:s4+s12], $0x80, s7, s12, $0xb8;
	[tilespmem:$0x1D000] =	vst v63  }
0x167: {  	_ =	swait.ge [sflag:s15], $0x4000  }
0x168: {  	[sflag:s15] =	ssyncset.done $0x0  }
0x169: {  	s8 =	rddreg [dreg:$0xc];
	[sflag:s15] =	ssyncadd.s32 $0xFFFFC000  }
0x16a: {  	[spmem:s1] =	stream.indirect.scatter.add.f32 [tilespmem:s13], [sflag:$0x3], $0x80, s8, s12, $0xb8;
	[tilespmem:$0x1D000] =	vst v63  }
0x16b: {  	_ =	swait.ge [sflag:s16], $0x4000  }
0x16c: {  	[sflag:s16] =	ssyncset.done $0x0  }
0x16d: {  	s9 =	rddreg [dreg:$0xd];
	[sflag:s16] =	ssyncadd.s32 $0xFFFFC000  }
0x16e: {  	[tilespmem:s13], [sflag:$0x1] =	stream.indirect.gather [hbm4b:s4+s12], $0x80, s9, s12, $0xb8;
	[tilespmem:$0x1D000] =	vst v63  }
0x16f: {  	_ =	swait.ge [sflag:s17], $0x4000  }
0x170: {  	[sflag:s17] =	ssyncset.done $0x0  }
0x171: {  	s7 =	rddreg [dreg:$0xe];
	[sflag:s17] =	ssyncadd.s32 $0xFFFFC000  }
0x172: {  	[spmem:s1] =	stream.indirect.scatter.add.f32 [tilespmem:s14], [sflag:$0x4], $0x80, s7, s12, $0xb8;
	[tilespmem:$0x1D000] =	vst v63  }
0x173: {  	_ =	swait.ge [sflag:s18], $0x4000  }
0x174: {  	[sflag:s18] =	ssyncset.done $0x0  }
0x175: {  	s8 =	rddreg [dreg:$0xf];
	[sflag:s18] =	ssyncadd.s32 $0xFFFFC000  }
0x176: {  	[tilespmem:s14], [sflag:$0x2] =	stream.indirect.gather [hbm4b:s4+s12], $0x80, s8, s12, $0xb8;
	[tilespmem:$0x1D000] =	vst v63  }
0x177: {  	_ =	swait.ge [sflag:s15], $0x4000  }
0x178: {  	[sflag:s15] =	ssyncset.done $0x0  }
0x179: {  	s9 =	rddreg [dreg:$0x10];
	[sflag:s15] =	ssyncadd.s32 $0xFFFFC000  }
0x17a: {  	[spmem:s1] =	stream.indirect.scatter.add.f32 [tilespmem:s13], [sflag:$0x3], $0x80, s9, s12, $0xb8;
	[tilespmem:$0x1D000] =	vst v63  }
0x17b: {  	_ =	swait.ge [sflag:s16], $0x4000  }
0x17c: {  	[sflag:s16] =	ssyncset.done $0x0  }
0x17d: {  	s7 =	rddreg [dreg:$0x11];
	[sflag:s16] =	ssyncadd.s32 $0xFFFFC000  }
0x17e: {  	[tilespmem:s13], [sflag:$0x1] =	stream.indirect.gather [hbm4b:s4+s12], $0x80, s7, s12, $0xb8;
	[tilespmem:$0x1D000] =	vst v63  }
0x17f: {  	_ =	swait.ge [sflag:s17], $0x4000  }
0x180: {  	[sflag:s17] =	ssyncset.done $0x0  }
0x181: {  	s8 =	rddreg [dreg:$0x12];
	[sflag:s17] =	ssyncadd.s32 $0xFFFFC000  }
0x182: {  	[spmem:s1] =	stream.indirect.scatter.add.f32 [tilespmem:s14], [sflag:$0x4], $0x80, s8, s12, $0xb8;
	[tilespmem:$0x1D000] =	vst v63  }
0x183: {  	_ =	swait.ge [sflag:s18], $0x4000  }
0x184: {  	[sflag:s18] =	ssyncset.done $0x0  }
0x185: {  	[sflag:s18] =	ssyncadd.s32 $0xFFFFC000  }
0x186: {  	[tilespmem:s14], [sflag:$0x2] =	stream.indirect.gather [hbm4b:s4+s12], $0x80, s19, s12, $0xb8;
	[tilespmem:$0x1D000] =	vst v63  }
0x187: {  	_ =	swait.ge [sflag:s15], $0x4000  }
0x188: {  	[sflag:s15] =	ssyncset.done $0x0  }
0x189: {  	[sflag:s15] =	ssyncadd.s32 $0xFFFFC000  }
0x18a: {  	[spmem:s1] =	stream.indirect.scatter.add.f32 [tilespmem:s13], [sflag:$0x3], $0x80, s20, s12, $0xb8;
	[tilespmem:$0x1D000] =	vst v63  }
0x18b: {  	_ =	swait.ge [sflag:s16], $0x4000  }
0x18c: {  	[sflag:s16] =	ssyncset.done $0x0  }
0x18d: {  	[sflag:s16] =	ssyncadd.s32 $0xFFFFC000  }
0x18e: {  	[tilespmem:s13], [sflag:$0x1] =	stream.indirect.gather [hbm4b:s4+s12], $0x80, s21, s12, $0xb8;
	[tilespmem:$0x1D000] =	vst v63  }
0x18f: {  	_ =	swait.ge [sflag:s17], $0x4000  }
0x190: {  	[sflag:s17] =	ssyncset.done $0x0  }
0x191: {  	[sflag:s17] =	ssyncadd.s32 $0xFFFFC000  }
0x192: {  	[spmem:s1] =	stream.indirect.scatter.add.f32 [tilespmem:s14], [sflag:$0x4], $0x80, s22, s12, $0xb8;
	[tilespmem:$0x1D000] =	vst v63  }
0x193: {  	_ =	swait.ge [sflag:s18], $0x4000  }
0x194: {  	[sflag:s18] =	ssyncset.done $0x0  }
0x195: {  	[sflag:s18] =	ssyncadd.s32 $0xFFFFC000  }
0x196: {  	[tilespmem:s14], [sflag:$0x2] =	stream.indirect.gather [hbm4b:s4+s12], $0x80, s23, s12, $0xb8;
	[tilespmem:$0x1D000] =	vst v63  }
0x197: {  	_ =	swait.ge [sflag:s15], $0x4000  }
0x198: {  	[sflag:s15] =	ssyncset.done $0x0  }
0x199: {  	[sflag:s15] =	ssyncadd.s32 $0xFFFFC000  }
0x19a: {  	[spmem:s1] =	stream.indirect.scatter.add.f32 [tilespmem:s13], [sflag:$0x3], $0x80, s24, s12, $0xb8;
	[tilespmem:$0x1D000] =	vst v63  }
0x19b: {  	_ =	swait.ge [sflag:s16], $0x4000  }
0x19c: {  	[sflag:s16] =	ssyncset.done $0x0  }
0x19d: {  	[sflag:s16] =	ssyncadd.s32 $0xFFFFC000  }
0x19e: {  	[tilespmem:s13], [sflag:$0x1] =	stream.indirect.gather [hbm4b:s4+s12], $0x80, s25, s12, $0xb8;
	[tilespmem:$0x1D000] =	vst v63  }
0x19f: {  	_ =	swait.ge [sflag:s17], $0x4000  }
0x1a0: {  	[sflag:s17] =	ssyncset.done $0x0  }
0x1a1: {  	[sflag:s17] =	ssyncadd.s32 $0xFFFFC000  }
0x1a2: {  	[spmem:s1] =	stream.indirect.scatter.add.f32 [tilespmem:s14], [sflag:$0x4], $0x80, s26, s12, $0xb8;
	[tilespmem:$0x1D000] =	vst v63  }
0x1a3: {  	_ =	swait.ge [sflag:s18], $0x4000  }
0x1a4: {  	[sflag:s18] =	ssyncset.done $0x0  }
0x1a5: {  	[sflag:s18] =	ssyncadd.s32 $0xFFFFC000  }
0x1a6: {  	[tilespmem:s14], [sflag:$0x2] =	stream.indirect.gather [hbm4b:s4+s12], $0x80, s28, s12, $0xb8;
	[tilespmem:$0x1D000] =	vst v63  }
0x1a7: {  	_ =	swait.ge [sflag:s15], $0x4000  }
0x1a8: {  	[sflag:s15] =	ssyncset.done $0x0  }
0x1a9: {  	[sflag:s15] =	ssyncadd.s32 $0xFFFFC000  }
0x1aa: {  	[spmem:s1] =	stream.indirect.scatter.add.f32 [tilespmem:s13], [sflag:$0x3], $0x80, s29, s12, $0xb8;
	[tilespmem:$0x1D000] =	vst v63  }
0x1ab: {  	_ =	swait.ge [sflag:s16], $0x4000  }
0x1ac: {  	[sflag:s16] =	ssyncset.done $0x0  }
0x1ad: {  	[sflag:s16] =	ssyncadd.s32 $0xFFFFC000  }
0x1ae: {  	[tilespmem:s13], [sflag:$0x1] =	stream.indirect.gather [hbm4b:s4+s12], $0x80, s30, s12, $0xb8;
	[tilespmem:$0x1D000] =	vst v63  }
0x1af: {  	_ =	swait.ge [sflag:s17], $0x4000  }
0x1b0: {  	[sflag:s17] =	ssyncset.done $0x0  }
0x1b1: {  	[sflag:s17] =	ssyncadd.s32 $0xFFFFC000  }
0x1b2: {  	[spmem:s1] =	stream.indirect.scatter.add.f32 [tilespmem:s14], [sflag:$0x4], $0x80, s31, s12, $0xb8;
	[tilespmem:$0x1D000] =	vst v63  }
0x1b3: {  	_ =	swait.ge [sflag:s18], $0x4000  }
0x1b4: {  	[sflag:s18] =	ssyncset.done $0x0  }
0x1b5: {  	[sflag:s18] =	ssyncadd.s32 $0xFFFFC000  }
0x1b6: {  	[tilespmem:s14], [sflag:$0x2] =	stream.indirect.gather [hbm4b:s4+s12], $0x80, s0, s12, $0xb8;
	[tilespmem:$0x1D000] =	vst v63  }
0x1b7: {  	_ =	swait.ge [sflag:s15], $0x4000  }
0x1b8: {  	[sflag:s15] =	ssyncset.done $0x0  }
0x1b9: {  	[sflag:s15] =	ssyncadd.s32 $0xFFFFC000  }
0x1ba: {  	[spmem:s1] =	stream.indirect.scatter.add.f32 [tilespmem:s13], [sflag:$0x3], $0x80, s2, s12, $0xb8;
	[tilespmem:$0x1D000] =	vst v63  }
0x1bb: {  	_ =	swait.ge [sflag:s17], $0x4000  }
0x1bc: {  	[sflag:s17] =	ssyncset.done $0x0  }
0x1bd: {  	[sflag:s17] =	ssyncadd.s32 $0xFFFFC000  }
0x1be: {  	[spmem:s1] =	stream.indirect.scatter.add.f32 [tilespmem:s14], [sflag:$0x4], $0x80, s5, s12, $0xb8;
	[tilespmem:$0x1D000] =	vst v63  }
0x1bf: {  	_ =	swait.ge [sflag:s16], $0x4000  }
0x1c0: {  	[sflag:s16] =	ssyncset.done $0x0  }
0x1c1: {  	[sflag:s16] =	ssyncadd.s32 $0xFFFFC000  }
0x1c2: {  	_ =	swait.ge [sflag:s18], $0x4000  }
0x1c3: {  	[sflag:s18] =	ssyncset.done $0x0  }
0x1c4: {  	[sflag:s18] =	ssyncadd.s32 $0xFFFFC000  }
0x1c5: {  	[bflag:$0x0] =	sbarrier.arrive $0xFFFF  }
0x1c6: {  	s8 =	rddreg [dreg:$0x14]  }
0x1c7: {  	s9 =	rddreg [dreg:$0x15]  }
0x1c8: {  	s7 =	rddreg [dreg:$0x17]  }
0x1c9: {  	[hbm:s9], [sflag:s8] =	dma.local [spmem:s7], $0x2800  }
0x1ca: {  	_ =	swait.ge [sflag:s10], $0x2800  }
0x1cb: {  	s6 =	rddreg [dreg:$0x18]  }
0x1cc: {  	s9 =	sadd.s32 $0x1, s6;
	s6 =	rddreg [dreg:$0x16]  }
0x1cd: {  	p0 =	sne.s32 s9, s6  }
.Ltmp1:
0x1ce: {  	_ = 	snop;
	(pc) =	sbr.rel @p0 .LBB2_1-.Ltmp1, $3  }
0x1cf: {  	_ =	sdelay $0x1  }
0x1d0: {  	[sflag:s10] =	ssyncset.done $0x0  }
0x1d1: {  	[sflag:s10] =	ssyncadd.s32 $0xFFFFD800  }
0x1d2: {  	_ =	sfence.sel $0x180000  }
0x1d3: {  	[bflag:$0x0] =	sbarrier.arrive $0xFFFF  }
0x1d4: {  	_ =	strace $0x9000004D  }
0x1d5: {  	s0 =	stileid.u32;
	[bflag:$0x2] =	sbarrier.arrive $0xFFFF  }
0x1d6: {  	p0 =	sne.s32 s0, $0x0;
	s0 =	rddreg [dreg:$0x2]  }
0x1d7: {  	s0 =	sadd.s32 @!p0 $0x100000, s0  }
0x1d8: {  	[sflag:s0] =	ssyncadd.tile.s32 @!p0 $0x1;
	_ =	shalt  }
.Lfunc_end2:
_tile_overlayer_lowered:
.L_overlay_start_2:
0x1d9: {  	(tag) =	ssettag $0x2  }
0x1da: {  	s0 =	rddreg [dreg:$0x0];
	s2 =	stileid.u32  }
0x1db: {  	s1 =	rddreg [dreg:$0x1];
	p0 =	sne.s32 s2, $0x0  }
0x1dc: {  	s3 =	rddreg [dreg:$0x2];
	[bflag:$0x3] =	sbarrier.arrive $0xFFFF;
	s2 =	simm.s32 @!p0 $0x1C05  }
0x1dd: {  	[timem:s3], [sflag:s2] =	dma.local @!p0 [hbm:s0], s1  }
0x1de: {  	s0 =	simm.s32 @!p0 $0x5  }
0x1df: {  	_ =	swait.ge @!p0 [sflag:s0], s1  }
0x1e0: {  	s1 =	ssub.s32 @!p0 $0x0, s1;
	[sflag:s0] =	ssyncset.done @!p0 $0x0  }
0x1e1: {  	[sflag:s0] =	ssyncadd.s32 @!p0 s1  }
0x1e2: {  	[bflag:$0x3] =	sbarrier.arrive $0xFFFF  }
0x1e3: {  	_ =	shalt  }

</sc_bundles>
